<compile_context>
chip_gen: v7x
topology: tpu7x:2x2x1
jax: 0.10.2.dev20260603
libtpu: 0.0.44.dev20260713+nightly
codegen_flags: <defaults>
</compile_context>

<pallas_src>
import jax
import jax.numpy as jnp
from jax import lax
from jax.experimental import pallas as pl
from jax.experimental.pallas import tpu as pltpu
from jax.experimental.pallas import tpu_sc as plsc

D = 64
L = 16
NUM_USERS = 20000
NUM_ITEMS = 30000
MAGIC = 0x5F3759DF

S_IT = 120
CPW = 8
IT_CAP = NUM_ITEMS - S_IT

_UNROLL = 8
U_BLOCK = 800


def _row_scale(x0, x1, x2, x3):
    ss = x0 * x0 + x1 * x1 + x2 * x2 + x3 * x3
    s = jnp.sum(ss)
    sv = jnp.full((L,), s, dtype=jnp.float32)
    bits = plsc.bitcast(sv, jnp.int32)
    r = plsc.bitcast(jnp.full((L,), MAGIC, dtype=jnp.int32) - (bits >> 1),
                     jnp.float32)
    half = sv * jnp.float32(0.5)
    r = r * (jnp.float32(1.5) - half * r * r)
    r = r * (jnp.float32(1.5) - half * r * r)
    return r


def _sc_body(audio_hbm, artist_hbm, album_hbm, aidx_hbm, bidx_hbm,
             item_out,
             aidx, bidx, art, alb, aud, iout,
             sem_i, sem_g, sem_o):
    wid = lax.axis_index("s") * 2 + lax.axis_index("c")

    def ibase(j):
        return pl.multiple_of(
            jnp.minimum((wid * CPW + j) * S_IT, IT_CAP), 8)

    def issue_idx(j, p):
        b = ibase(j)
        pltpu.async_copy(aidx_hbm.at[pl.ds(b, S_IT)], aidx[p], sem_i[p])
        pltpu.async_copy(bidx_hbm.at[pl.ds(b, S_IT)], bidx[p], sem_i[p])

    def wait_idx(p):
        pltpu.make_async_copy(aidx_hbm.at[pl.ds(0, S_IT)], aidx[p],
                              sem_i[p]).wait()
        pltpu.make_async_copy(bidx_hbm.at[pl.ds(0, S_IT)], bidx[p],
                              sem_i[p]).wait()

    def issue_gather(j, p):
        b = ibase(j)
        pltpu.async_copy(artist_hbm.at[aidx[p]], art[p], sem_g[p])
        pltpu.async_copy(album_hbm.at[bidx[p]], alb[p], sem_g[p])
        pltpu.async_copy(audio_hbm.at[pl.ds(b * D, S_IT * D)], aud[p],
                         sem_g[p])

    def wait_gather(p):
        pltpu.make_async_copy(artist_hbm.at[aidx[p]], art[p], sem_g[p]).wait()
        pltpu.make_async_copy(album_hbm.at[bidx[p]], alb[p], sem_g[p]).wait()
        pltpu.make_async_copy(audio_hbm.at[pl.ds(0, S_IT * D)], aud[p],
                              sem_g[p]).wait()

    def issue_iout(j, p):
        pltpu.async_copy(iout[p], item_out.at[pl.ds(ibase(j) * D, S_IT * D)],
                         sem_o[p])

    def wait_iout(p):
        pltpu.make_async_copy(iout[p], item_out.at[pl.ds(0, S_IT * D)],
                              sem_o[p]).wait()

    def compute_item(p):
        @plsc.parallel_loop(0, S_IT, unroll=_UNROLL)
        def row(r):
            xs = []
            for c in range(4):
                xs.append(aud[p][pl.ds(r * D + c * L, L)]
                          + (art[p][r, pl.ds(c * L, L)]
                             + alb[p][r, pl.ds(c * L, L)]) * jnp.float32(0.5))
            scale = _row_scale(*xs)
            for c in range(4):
                iout[p][pl.ds(r * D + c * L, L)] = xs[c] * scale

    issue_idx(0, 0)
    issue_idx(1, 1)
    wait_idx(0)
    issue_gather(0, 0)

    def item_pair(jp, carry):
        a = 2 * jp
        b = a + 1
        wait_gather(0)

        @pl.when(jp < CPW // 2 - 1)
        def _():
            issue_idx(a + 2, 0)

        wait_idx(1)
        issue_gather(b, 1)

        @pl.when(jp > 0)
        def _():
            wait_iout(0)

        compute_item(0)
        issue_iout(a, 0)
        wait_gather(1)

        @pl.when(jp < CPW // 2 - 1)
        def _():
            issue_idx(b + 2, 1)
            wait_idx(0)
            issue_gather(a + 2, 0)

        @pl.when(jp > 0)
        def _():
            wait_iout(1)

        compute_item(1)
        issue_iout(b, 1)
        return carry

    lax.fori_loop(0, CPW // 2, item_pair, 0)

    wait_iout(0)
    wait_iout(1)


def _tc_norm_body(x_ref, o_ref):
    x = x_ref[...]
    ss = jnp.sum(x * x, axis=1, keepdims=True)
    r = lax.rsqrt(jnp.maximum(ss, jnp.float32(1e-30)))
    o_ref[...] = x * r


def kernel(user_emb_w, item_audio_emb, artist_emb_w, album_emb_w, edge_attr,
           edge_weight_init, w1, b1, w2, b2, edge_index, artist_ids,
           album_ids):
    del edge_attr, edge_weight_init, w1, b1, w2, b2, edge_index

    user_out = pl.pallas_call(
        _tc_norm_body,
        out_shape=jax.ShapeDtypeStruct((NUM_USERS, D), jnp.float32),
        grid=(NUM_USERS // U_BLOCK,),
        in_specs=[pl.BlockSpec((U_BLOCK, D), lambda i: (i, 0))],
        out_specs=pl.BlockSpec((U_BLOCK, D), lambda i: (i, 0)),
    )(user_emb_w)

    audio_1d = item_audio_emb.reshape(-1)
    mesh = plsc.VectorSubcoreMesh(core_axis_name="c", subcore_axis_name="s")
    fn = pl.kernel(
        _sc_body,
        out_type=jax.ShapeDtypeStruct((NUM_ITEMS * D,), jnp.float32),
        mesh=mesh,
        compiler_params=pltpu.CompilerParams(needs_layout_passes=False,
                                             use_tc_tiling_on_sc=False),
        scratch_types=[
            [pltpu.VMEM((S_IT,), jnp.int32)] * 2,
            [pltpu.VMEM((S_IT,), jnp.int32)] * 2,
            [pltpu.VMEM((S_IT, D), jnp.float32)] * 2,
            [pltpu.VMEM((S_IT, D), jnp.float32)] * 2,
            [pltpu.VMEM((S_IT * D,), jnp.float32)] * 2,
            [pltpu.VMEM((S_IT * D,), jnp.float32)] * 2,
            [pltpu.SemaphoreType.DMA] * 2,
            [pltpu.SemaphoreType.DMA] * 2,
            [pltpu.SemaphoreType.DMA] * 2,
        ],
    )
    item_out = fn(audio_1d, artist_emb_w, album_emb_w,
                  artist_ids.astype(jnp.int32), album_ids.astype(jnp.int32))
    return (user_out, item_out.reshape(NUM_ITEMS, D),
            jnp.asarray(0.0, dtype=jnp.float32))

# --- scband reference (transcript-rebuilt; emitter-appended) ---
"""Pipeline reference for scband-light-gcn-89687507075108 (READ-ONLY COPY).

The authoritative reference and input builder live on the scoring server;
editing this copy changes nothing except your own understanding.
"""

import jax, jax.numpy as jnp
import numpy as np

NUM_USERS = 20000
NUM_ITEMS = 30000
N = NUM_USERS + NUM_ITEMS
E = 800000
D = 64
NUM_ARTISTS = 5000
NUM_ALBUMS = 10000
NUM_LAYERS = 3
AUDIO_SCALE = 1.0
METADATA_SCALE = 0.5
H = 32


def _norm(x, eps=1e-12):
    n = jnp.linalg.norm(x, axis=-1, keepdims=True)
    return x / jnp.maximum(n, eps)


def setup_inputs(seed: int = 0):
    key = jax.random.key(seed)
    ks = jax.random.split(key, 12)
    inp = {}
    inp["user_emb_w"] = jax.random.normal(ks[0], (NUM_USERS, D), dtype=jnp.float32) * 0.01
    inp["item_audio_emb"] = jax.random.normal(ks[1], (NUM_ITEMS, D), dtype=jnp.float32)
    inp["artist_emb_w"] = jax.random.normal(ks[2], (NUM_ARTISTS, D), dtype=jnp.float32) * 0.1
    inp["album_emb_w"] = jax.random.normal(ks[3], (NUM_ALBUMS, D), dtype=jnp.float32) * 0.1
    inp["edge_attr"] = jax.random.normal(ks[4], (E, 4), dtype=jnp.float32)
    inp["edge_weight_init"] = jax.random.uniform(ks[5], (E,), dtype=jnp.float32)
    inp["w1"] = jax.random.normal(ks[6], (5, H), dtype=jnp.float32) * 0.3
    inp["b1"] = jnp.zeros((H,), dtype=jnp.float32)
    inp["w2"] = jax.random.normal(ks[7], (H, 1), dtype=jnp.float32) * 0.3
    inp["b2"] = jnp.zeros((1,), dtype=jnp.float32)
    row = jax.random.randint(ks[8], (E,), 0, NUM_USERS)
    col = jax.random.randint(ks[9], (E,), NUM_USERS, N)
    inp["edge_index"] = jnp.stack([row, col])
    inp["artist_ids"] = jax.random.randint(ks[10], (NUM_ITEMS,), 0, NUM_ARTISTS)
    inp["album_ids"] = jax.random.randint(ks[11], (NUM_ITEMS,), 0, NUM_ALBUMS)
    return inp


def _lgconv(x, edge_index, edge_weight):
    # torch_geometric LGConv with gcn_norm (add_self_loops=False)
    row, col = edge_index[0], edge_index[1]
    deg = jnp.zeros((x.shape[0],), dtype=x.dtype).at[col].add(edge_weight)
    dis = jnp.where(deg > 0, jax.lax.rsqrt(jnp.maximum(deg, 1e-12)), 0.0)
    norm = dis[row] * edge_weight * dis[col]
    msg = norm[:, None] * x[row]
    return jnp.zeros_like(x).at[col].add(msg)


def reference(user_emb_w, item_audio_emb, artist_emb_w, album_emb_w, edge_attr,
              edge_weight_init, w1, b1, w2, b2, edge_index, artist_ids, album_ids):
    # EdgeWeightMLP: Linear(5,32) -> ReLU -> Linear(32,1) -> Sigmoid -> squeeze
    edge_features = jnp.concatenate([edge_attr, edge_weight_init[:, None]], axis=1)
    h = jax.nn.relu(edge_features @ w1 + b1)
    edge_weight = jax.nn.sigmoid(h @ w2 + b2)[:, 0]
    # initial embeddings
    user_embed = _norm(user_emb_w)
    item_embed = _norm(item_audio_emb * AUDIO_SCALE
                       + (artist_emb_w[artist_ids] + album_emb_w[album_ids]) * METADATA_SCALE)
    x = jnp.concatenate([user_embed, item_embed], axis=0)
    acc = x
    for _ in range(NUM_LAYERS):
        x = _lgconv(x, edge_index, edge_weight)
        acc = acc + x
    x = _norm(acc / (NUM_LAYERS + 1))
    user_out = x[:NUM_USERS]
    item_out = x[NUM_USERS:]
    align_loss = jnp.asarray(0.0, dtype=jnp.float32)
    return (user_out, item_out, align_loss)

if __name__ == "__main__":
    import jax
    _d = setup_inputs()
    print(jax.jit(kernel)(*tuple(_d.values())))

</pallas_src>

<mosaic_0001>
#map = affine_map<(d0, d1) -> (0)>
#map1 = affine_map<(d0, d1) -> (0, 0)>
module attributes {stable_mosaic.version = 14 : i64} {
  func.func @_sc_body(%arg0: i32, %arg1: i32, %arg2: memref<1920000xf32, #tpu.memory_space<hbm>>, %arg3: memref<5000x64xf32, #tpu.memory_space<hbm>>, %arg4: memref<10000x64xf32, #tpu.memory_space<hbm>>, %arg5: memref<30000xi32, #tpu.memory_space<hbm>>, %arg6: memref<30000xi32, #tpu.memory_space<hbm>>, %arg7: memref<1920000xf32, #tpu.memory_space<hbm>>, %arg8: memref<120xi32, #tpu.memory_space<vmem>>, %arg9: memref<120xi32, #tpu.memory_space<vmem>>, %arg10: memref<120xi32, #tpu.memory_space<vmem>>, %arg11: memref<120xi32, #tpu.memory_space<vmem>>, %arg12: memref<120x64xf32, #tpu.memory_space<vmem>>, %arg13: memref<120x64xf32, #tpu.memory_space<vmem>>, %arg14: memref<120x64xf32, #tpu.memory_space<vmem>>, %arg15: memref<120x64xf32, #tpu.memory_space<vmem>>, %arg16: memref<7680xf32, #tpu.memory_space<vmem>>, %arg17: memref<7680xf32, #tpu.memory_space<vmem>>, %arg18: memref<7680xf32, #tpu.memory_space<vmem>>, %arg19: memref<7680xf32, #tpu.memory_space<vmem>>, %arg20: memref<!tpu.dma_semaphore, #tpu.memory_space<semaphore_mem>>, %arg21: memref<!tpu.dma_semaphore, #tpu.memory_space<semaphore_mem>>, %arg22: memref<!tpu.dma_semaphore, #tpu.memory_space<semaphore_mem>>, %arg23: memref<!tpu.dma_semaphore, #tpu.memory_space<semaphore_mem>>, %arg24: memref<!tpu.dma_semaphore, #tpu.memory_space<semaphore_mem>>, %arg25: memref<!tpu.dma_semaphore, #tpu.memory_space<semaphore_mem>>) attributes {dimension_semantics = [#tpu.dimension_semantics<core_parallel>, #tpu.dimension_semantics<subcore_parallel>], iteration_bounds = array<i64: 2, 16>, scalar_prefetch = 0 : i64, scratch_operands = 18 : i64, tpu.core_type = #tpu.core_type<sc_vector_subcore>, window_params = [{transform_indices = #map}, {transform_indices = #map1}, {transform_indices = #map1}, {transform_indices = #map}, {transform_indices = #map}, {transform_indices = #map}]} {
    %mul3A = arith.constant 2 : i32
    %mul3A_0 = arith.muli %arg1, %mul3A : i32
    %add3A = arith.addi %mul3A_0, %arg0 : i32
    %mul3A_1 = arith.constant 8 : i32
    %mul3A_2 = arith.muli %add3A, %mul3A_1 : i32
    %add3A_3 = arith.constant 0 : i32
    %add3A_4 = arith.addi %mul3A_2, %add3A_3 : i32
    %mul3A_5 = arith.constant 120 : i32
    %mul3A_6 = arith.muli %add3A_4, %mul3A_5 : i32
    %min3A = arith.constant 29880 : i32
    %min3A_7 = arith.minsi %mul3A_6, %min3A : i32
    %multiple_of3A = tpu.assume_multiple %min3A_7, 8 : i32
    %dma_start3A = tpu.memref_slice %arg5[%multiple_of3A] : memref<30000xi32, #tpu.memory_space<hbm>> -> memref<120xi32, #tpu.memory_space<hbm>>
    %dma_start3A_8 = tpu.memref_slice %arg5[%multiple_of3A] : memref<30000xi32, #tpu.memory_space<hbm>> -> memref<120xi32, #tpu.memory_space<hbm>>
    tpu.enqueue_dma source(%dma_start3A_8 : memref<120xi32, #tpu.memory_space<hbm>>) target(%arg8 : memref<120xi32, #tpu.memory_space<vmem>>) target_semaphore(%arg20 : memref<!tpu.dma_semaphore, #tpu.memory_space<semaphore_mem>>)
    %dma_start3A_9 = tpu.memref_slice %arg6[%multiple_of3A] : memref<30000xi32, #tpu.memory_space<hbm>> -> memref<120xi32, #tpu.memory_space<hbm>>
    %dma_start3A_10 = tpu.memref_slice %arg6[%multiple_of3A] : memref<30000xi32, #tpu.memory_space<hbm>> -> memref<120xi32, #tpu.memory_space<hbm>>
    tpu.enqueue_dma source(%dma_start3A_10 : memref<120xi32, #tpu.memory_space<hbm>>) target(%arg10 : memref<120xi32, #tpu.memory_space<vmem>>) target_semaphore(%arg20 : memref<!tpu.dma_semaphore, #tpu.memory_space<semaphore_mem>>)
    %mul3A_11 = arith.constant 8 : i32
    %mul3A_12 = arith.muli %add3A, %mul3A_11 : i32
    %add3A_13 = arith.constant 1 : i32
    %add3A_14 = arith.addi %mul3A_12, %add3A_13 : i32
    %mul3A_15 = arith.constant 120 : i32
    %mul3A_16 = arith.muli %add3A_14, %mul3A_15 : i32
    %min3A_17 = arith.constant 29880 : i32
    %min3A_18 = arith.minsi %mul3A_16, %min3A_17 : i32
    %multiple_of3A_19 = tpu.assume_multiple %min3A_18, 8 : i32
    %dma_start3A_20 = tpu.memref_slice %arg5[%multiple_of3A_19] : memref<30000xi32, #tpu.memory_space<hbm>> -> memref<120xi32, #tpu.memory_space<hbm>>
    %dma_start3A_21 = tpu.memref_slice %arg5[%multiple_of3A_19] : memref<30000xi32, #tpu.memory_space<hbm>> -> memref<120xi32, #tpu.memory_space<hbm>>
    tpu.enqueue_dma source(%dma_start3A_21 : memref<120xi32, #tpu.memory_space<hbm>>) target(%arg9 : memref<120xi32, #tpu.memory_space<vmem>>) target_semaphore(%arg21 : memref<!tpu.dma_semaphore, #tpu.memory_space<semaphore_mem>>)
    %dma_start3A_22 = tpu.memref_slice %arg6[%multiple_of3A_19] : memref<30000xi32, #tpu.memory_space<hbm>> -> memref<120xi32, #tpu.memory_space<hbm>>
    %dma_start3A_23 = tpu.memref_slice %arg6[%multiple_of3A_19] : memref<30000xi32, #tpu.memory_space<hbm>> -> memref<120xi32, #tpu.memory_space<hbm>>
    tpu.enqueue_dma source(%dma_start3A_23 : memref<120xi32, #tpu.memory_space<hbm>>) target(%arg11 : memref<120xi32, #tpu.memory_space<vmem>>) target_semaphore(%arg21 : memref<!tpu.dma_semaphore, #tpu.memory_space<semaphore_mem>>)
    %dma_wait3A = arith.constant 0 : i32
    %dma_wait3A_24 = tpu.memref_slice %arg5[%dma_wait3A] : memref<30000xi32, #tpu.memory_space<hbm>> -> memref<120xi32, #tpu.memory_space<hbm>>
    %dma_wait3A_25 = arith.constant 0 : i32
    %dma_wait3A_26 = tpu.memref_slice %arg5[%dma_wait3A_25] : memref<30000xi32, #tpu.memory_space<hbm>> -> memref<120xi32, #tpu.memory_space<hbm>>
    tpu.wait_dma2 semaphore(%arg20 : memref<!tpu.dma_semaphore, #tpu.memory_space<semaphore_mem>>) src(%dma_wait3A_26 : memref<120xi32, #tpu.memory_space<hbm>>) dst(%arg8 : memref<120xi32, #tpu.memory_space<vmem>>)
    %dma_wait3A_27 = arith.constant 0 : i32
    %dma_wait3A_28 = tpu.memref_slice %arg6[%dma_wait3A_27] : memref<30000xi32, #tpu.memory_space<hbm>> -> memref<120xi32, #tpu.memory_space<hbm>>
    %dma_wait3A_29 = arith.constant 0 : i32
    %dma_wait3A_30 = tpu.memref_slice %arg6[%dma_wait3A_29] : memref<30000xi32, #tpu.memory_space<hbm>> -> memref<120xi32, #tpu.memory_space<hbm>>
    tpu.wait_dma2 semaphore(%arg20 : memref<!tpu.dma_semaphore, #tpu.memory_space<semaphore_mem>>) src(%dma_wait3A_30 : memref<120xi32, #tpu.memory_space<hbm>>) dst(%arg10 : memref<120xi32, #tpu.memory_space<vmem>>)
    %mul3A_31 = arith.constant 8 : i32
    %mul3A_32 = arith.muli %add3A, %mul3A_31 : i32
    %add3A_33 = arith.constant 0 : i32
    %add3A_34 = arith.addi %mul3A_32, %add3A_33 : i32
    %mul3A_35 = arith.constant 120 : i32
    %mul3A_36 = arith.muli %add3A_34, %mul3A_35 : i32
    %min3A_37 = arith.constant 29880 : i32
    %min3A_38 = arith.minsi %mul3A_36, %min3A_37 : i32
    %multiple_of3A_39 = tpu.assume_multiple %min3A_38, 8 : i32
    %dma_start3A_40 = arith.constant 0 : i32
    %dma_start3A_41 = arith.constant 0 : i32
    %dma_start3A_42 = tpu.memref_slice %arg3[%dma_start3A_40, %dma_start3A_41] : memref<5000x64xf32, #tpu.memory_space<hbm>> -> memref<5000x64xf32, #tpu.memory_space<hbm>>
    tpu.enqueue_indirect_dma source(%dma_start3A_42 : memref<5000x64xf32, #tpu.memory_space<hbm>>) target(%arg12 : memref<120x64xf32, #tpu.memory_space<vmem>>) offsets(%arg8 : memref<120xi32, #tpu.memory_space<vmem>>) semaphore(%arg22 : memref<!tpu.dma_semaphore, #tpu.memory_space<semaphore_mem>>)
    %dma_start3A_43 = arith.constant 0 : i32
    %dma_start3A_44 = arith.constant 0 : i32
    %dma_start3A_45 = tpu.memref_slice %arg4[%dma_start3A_43, %dma_start3A_44] : memref<10000x64xf32, #tpu.memory_space<hbm>> -> memref<10000x64xf32, #tpu.memory_space<hbm>>
    tpu.enqueue_indirect_dma source(%dma_start3A_45 : memref<10000x64xf32, #tpu.memory_space<hbm>>) target(%arg14 : memref<120x64xf32, #tpu.memory_space<vmem>>) offsets(%arg10 : memref<120xi32, #tpu.memory_space<vmem>>) semaphore(%arg22 : memref<!tpu.dma_semaphore, #tpu.memory_space<semaphore_mem>>)
    %mul3A_46 = arith.constant 64 : i32
    %mul3A_47 = arith.muli %multiple_of3A_39, %mul3A_46 : i32
    %dma_start3A_48 = tpu.memref_slice %arg2[%mul3A_47] : memref<1920000xf32, #tpu.memory_space<hbm>> -> memref<7680xf32, #tpu.memory_space<hbm>>
    %dma_start3A_49 = tpu.memref_slice %arg2[%mul3A_47] : memref<1920000xf32, #tpu.memory_space<hbm>> -> memref<7680xf32, #tpu.memory_space<hbm>>
    tpu.enqueue_dma source(%dma_start3A_49 : memref<7680xf32, #tpu.memory_space<hbm>>) target(%arg16 : memref<7680xf32, #tpu.memory_space<vmem>>) target_semaphore(%arg22 : memref<!tpu.dma_semaphore, #tpu.memory_space<semaphore_mem>>)
    %scan3A = arith.constant 0 : i32
    %scan3A_50 = arith.constant 0 : i32
    %scan3A_51 = arith.constant 4 : i32
    %scan3A_52 = arith.addi %scan3A_50, %scan3A_51 : i32
    %scan3A_53 = arith.constant 1 : i32
    scf.for %scan3A_63 = %scan3A_50 to %scan3A_52 step %scan3A_53  : i32 {
      %mul3A_64 = arith.constant 2 : i32
      %mul3A_65 = arith.muli %mul3A_64, %scan3A_63 : i32
      %add3A_66 = arith.constant 1 : i32
      %add3A_67 = arith.addi %mul3A_65, %add3A_66 : i32
      %dma_wait3A_68 = arith.constant 0 : i32
      %dma_wait3A_69 = arith.constant 0 : i32
      %dma_wait3A_70 = tpu.memref_slice %arg3[%dma_wait3A_68, %dma_wait3A_69] : memref<5000x64xf32, #tpu.memory_space<hbm>> -> memref<5000x64xf32, #tpu.memory_space<hbm>>
      tpu.wait_indirect_dma semaphore(%arg22 : memref<!tpu.dma_semaphore, #tpu.memory_space<semaphore_mem>>) src(%dma_wait3A_70 : memref<5000x64xf32, #tpu.memory_space<hbm>>) dst(%arg12 : memref<120x64xf32, #tpu.memory_space<vmem>>)
      %dma_wait3A_71 = arith.constant 0 : i32
      %dma_wait3A_72 = arith.constant 0 : i32
      %dma_wait3A_73 = tpu.memref_slice %arg4[%dma_wait3A_71, %dma_wait3A_72] : memref<10000x64xf32, #tpu.memory_space<hbm>> -> memref<10000x64xf32, #tpu.memory_space<hbm>>
      tpu.wait_indirect_dma semaphore(%arg22 : memref<!tpu.dma_semaphore, #tpu.memory_space<semaphore_mem>>) src(%dma_wait3A_73 : memref<10000x64xf32, #tpu.memory_space<hbm>>) dst(%arg14 : memref<120x64xf32, #tpu.memory_space<vmem>>)
      %dma_wait3A_74 = arith.constant 0 : i32
      %dma_wait3A_75 = tpu.memref_slice %arg2[%dma_wait3A_74] : memref<1920000xf32, #tpu.memory_space<hbm>> -> memref<7680xf32, #tpu.memory_space<hbm>>
      %dma_wait3A_76 = arith.constant 0 : i32
      %dma_wait3A_77 = tpu.memref_slice %arg2[%dma_wait3A_76] : memref<1920000xf32, #tpu.memory_space<hbm>> -> memref<7680xf32, #tpu.memory_space<hbm>>
      tpu.wait_dma2 semaphore(%arg22 : memref<!tpu.dma_semaphore, #tpu.memory_space<semaphore_mem>>) src(%dma_wait3A_77 : memref<7680xf32, #tpu.memory_space<hbm>>) dst(%arg16 : memref<7680xf32, #tpu.memory_space<vmem>>)
      %lt3A = arith.constant 3 : i32
      %lt3A_78 = arith.cmpi slt, %scan3A_63, %lt3A : i32
      %convert_element_type3A = arith.extui %lt3A_78 : i1 to i32
      %cond3A = arith.constant 0 : i32
      %cond3A_79 = arith.cmpi ne, %convert_element_type3A, %cond3A : i32
      scf.if %cond3A_79 {
        %add3A_159 = arith.constant 2 : i32
        %add3A_160 = arith.addi %mul3A_65, %add3A_159 : i32
        %mul3A_161 = arith.constant 8 : i32
        %mul3A_162 = arith.muli %add3A, %mul3A_161 : i32
        %add3A_163 = arith.addi %mul3A_162, %add3A_160 : i32
        %mul3A_164 = arith.constant 120 : i32
        %mul3A_165 = arith.muli %add3A_163, %mul3A_164 : i32
        %min3A_166 = arith.constant 29880 : i32
        %min3A_167 = arith.minsi %mul3A_165, %min3A_166 : i32
        %multiple_of3A_168 = tpu.assume_multiple %min3A_167, 8 : i32
        %dma_start3A_169 = tpu.memref_slice %arg5[%multiple_of3A_168] : memref<30000xi32, #tpu.memory_space<hbm>> -> memref<120xi32, #tpu.memory_space<hbm>>
        %dma_start3A_170 = tpu.memref_slice %arg5[%multiple_of3A_168] : memref<30000xi32, #tpu.memory_space<hbm>> -> memref<120xi32, #tpu.memory_space<hbm>>
        tpu.enqueue_dma source(%dma_start3A_170 : memref<120xi32, #tpu.memory_space<hbm>>) target(%arg8 : memref<120xi32, #tpu.memory_space<vmem>>) target_semaphore(%arg20 : memref<!tpu.dma_semaphore, #tpu.memory_space<semaphore_mem>>)
        %dma_start3A_171 = tpu.memref_slice %arg6[%multiple_of3A_168] : memref<30000xi32, #tpu.memory_space<hbm>> -> memref<120xi32, #tpu.memory_space<hbm>>
        %dma_start3A_172 = tpu.memref_slice %arg6[%multiple_of3A_168] : memref<30000xi32, #tpu.memory_space<hbm>> -> memref<120xi32, #tpu.memory_space<hbm>>
        tpu.enqueue_dma source(%dma_start3A_172 : memref<120xi32, #tpu.memory_space<hbm>>) target(%arg10 : memref<120xi32, #tpu.memory_space<vmem>>) target_semaphore(%arg20 : memref<!tpu.dma_semaphore, #tpu.memory_space<semaphore_mem>>)
      } else {
      }
      %dma_wait3A_80 = arith.constant 0 : i32
      %dma_wait3A_81 = tpu.memref_slice %arg5[%dma_wait3A_80] : memref<30000xi32, #tpu.memory_space<hbm>> -> memref<120xi32, #tpu.memory_space<hbm>>
      %dma_wait3A_82 = arith.constant 0 : i32
      %dma_wait3A_83 = tpu.memref_slice %arg5[%dma_wait3A_82] : memref<30000xi32, #tpu.memory_space<hbm>> -> memref<120xi32, #tpu.memory_space<hbm>>
      tpu.wait_dma2 semaphore(%arg21 : memref<!tpu.dma_semaphore, #tpu.memory_space<semaphore_mem>>) src(%dma_wait3A_83 : memref<120xi32, #tpu.memory_space<hbm>>) dst(%arg9 : memref<120xi32, #tpu.memory_space<vmem>>)
      %dma_wait3A_84 = arith.constant 0 : i32
      %dma_wait3A_85 = tpu.memref_slice %arg6[%dma_wait3A_84] : memref<30000xi32, #tpu.memory_space<hbm>> -> memref<120xi32, #tpu.memory_space<hbm>>
      %dma_wait3A_86 = arith.constant 0 : i32
      %dma_wait3A_87 = tpu.memref_slice %arg6[%dma_wait3A_86] : memref<30000xi32, #tpu.memory_space<hbm>> -> memref<120xi32, #tpu.memory_space<hbm>>
      tpu.wait_dma2 semaphore(%arg21 : memref<!tpu.dma_semaphore, #tpu.memory_space<semaphore_mem>>) src(%dma_wait3A_87 : memref<120xi32, #tpu.memory_space<hbm>>) dst(%arg11 : memref<120xi32, #tpu.memory_space<vmem>>)
      %mul3A_88 = arith.constant 8 : i32
      %mul3A_89 = arith.muli %add3A, %mul3A_88 : i32
      %add3A_90 = arith.addi %mul3A_89, %add3A_67 : i32
      %mul3A_91 = arith.constant 120 : i32
      %mul3A_92 = arith.muli %add3A_90, %mul3A_91 : i32
      %min3A_93 = arith.constant 29880 : i32
      %min3A_94 = arith.minsi %mul3A_92, %min3A_93 : i32
      %multiple_of3A_95 = tpu.assume_multiple %min3A_94, 8 : i32
      %dma_start3A_96 = arith.constant 0 : i32
      %dma_start3A_97 = arith.constant 0 : i32
      %dma_start3A_98 = tpu.memref_slice %arg3[%dma_start3A_96, %dma_start3A_97] : memref<5000x64xf32, #tpu.memory_space<hbm>> -> memref<5000x64xf32, #tpu.memory_space<hbm>>
      tpu.enqueue_indirect_dma source(%dma_start3A_98 : memref<5000x64xf32, #tpu.memory_space<hbm>>) target(%arg13 : memref<120x64xf32, #tpu.memory_space<vmem>>) offsets(%arg9 : memref<120xi32, #tpu.memory_space<vmem>>) semaphore(%arg23 : memref<!tpu.dma_semaphore, #tpu.memory_space<semaphore_mem>>)
      %dma_start3A_99 = arith.constant 0 : i32
      %dma_start3A_100 = arith.constant 0 : i32
      %dma_start3A_101 = tpu.memref_slice %arg4[%dma_start3A_99, %dma_start3A_100] : memref<10000x64xf32, #tpu.memory_space<hbm>> -> memref<10000x64xf32, #tpu.memory_space<hbm>>
      tpu.enqueue_indirect_dma source(%dma_start3A_101 : memref<10000x64xf32, #tpu.memory_space<hbm>>) target(%arg15 : memref<120x64xf32, #tpu.memory_space<vmem>>) offsets(%arg11 : memref<120xi32, #tpu.memory_space<vmem>>) semaphore(%arg23 : memref<!tpu.dma_semaphore, #tpu.memory_space<semaphore_mem>>)
      %mul3A_102 = arith.constant 64 : i32
      %mul3A_103 = arith.muli %multiple_of3A_95, %mul3A_102 : i32
      %dma_start3A_104 = tpu.memref_slice %arg2[%mul3A_103] : memref<1920000xf32, #tpu.memory_space<hbm>> -> memref<7680xf32, #tpu.memory_space<hbm>>
      %dma_start3A_105 = tpu.memref_slice %arg2[%mul3A_103] : memref<1920000xf32, #tpu.memory_space<hbm>> -> memref<7680xf32, #tpu.memory_space<hbm>>
      tpu.enqueue_dma source(%dma_start3A_105 : memref<7680xf32, #tpu.memory_space<hbm>>) target(%arg17 : memref<7680xf32, #tpu.memory_space<vmem>>) target_semaphore(%arg23 : memref<!tpu.dma_semaphore, #tpu.memory_space<semaphore_mem>>)
      %gt3A = arith.constant 0 : i32
      %gt3A_106 = arith.cmpi sgt, %scan3A_63, %gt3A : i32
      %convert_element_type3A_107 = arith.extui %gt3A_106 : i1 to i32
      %cond3A_108 = arith.constant 0 : i32
      %cond3A_109 = arith.cmpi ne, %convert_element_type3A_107, %cond3A_108 : i32
      scf.if %cond3A_109 {
        %dma_wait3A_159 = arith.constant 0 : i32
        %dma_wait3A_160 = tpu.memref_slice %arg7[%dma_wait3A_159] : memref<1920000xf32, #tpu.memory_space<hbm>> -> memref<7680xf32, #tpu.memory_space<hbm>>
        %dma_wait3A_161 = arith.constant 0 : i32
        %dma_wait3A_162 = tpu.memref_slice %arg7[%dma_wait3A_161] : memref<1920000xf32, #tpu.memory_space<hbm>> -> memref<7680xf32, #tpu.memory_space<hbm>>
        tpu.wait_dma2 semaphore(%arg24 : memref<!tpu.dma_semaphore, #tpu.memory_space<semaphore_mem>>) src(%arg18 : memref<7680xf32, #tpu.memory_space<vmem>>) dst(%dma_wait3A_162 : memref<7680xf32, #tpu.memory_space<hbm>>)
      } else {
      }
      %parallel_loop3A = arith.constant 0 : i32
      %parallel_loop3A_110 = arith.constant 120 : i32
      %parallel_loop3A_111 = arith.constant 1 : i32
      scf.for %parallel_loop3A_159 = %parallel_loop3A to %parallel_loop3A_110 step %parallel_loop3A_111  : i32 {
        %parallel_loop3A_160 = arith.constant 64 : i32
        %parallel_loop3A_161 = arith.muli %parallel_loop3A_159, %parallel_loop3A_160 : i32
        %parallel_loop3A_162 = arith.constant 0 : i32
        %parallel_loop3A_163 = arith.addi %parallel_loop3A_161, %parallel_loop3A_162 : i32
        %parallel_loop3A_164 = arith.index_cast %parallel_loop3A_163 : i32 to index
        %parallel_loop3A_165 = tpu.vector_load %arg16[%parallel_loop3A_164] {strides = array<i32>} : memref<7680xf32, #tpu.memory_space<vmem>>, vector<16xf32>,
        %parallel_loop3A_166 = arith.index_cast %parallel_loop3A_159 : i32 to index
        %parallel_loop3A_167 = arith.constant 0 : index
        %parallel_loop3A_168 = tpu.vector_load %arg12[%parallel_loop3A_166, %parallel_loop3A_167] {strides = array<i32>} : memref<120x64xf32, #tpu.memory_space<vmem>>, vector<16xf32>,
        %parallel_loop3A_169 = arith.index_cast %parallel_loop3A_159 : i32 to index
        %parallel_loop3A_170 = arith.constant 0 : index
        %parallel_loop3A_171 = tpu.vector_load %arg14[%parallel_loop3A_169, %parallel_loop3A_170] {strides = array<i32>} : memref<120x64xf32, #tpu.memory_space<vmem>>, vector<16xf32>,
        %parallel_loop3A_172 = arith.addf %parallel_loop3A_168, %parallel_loop3A_171 : vector<16xf32>
        %parallel_loop3A_173 = arith.constant 5.000000e-01 : f32
        %parallel_loop3A_174 = vector.broadcast %parallel_loop3A_173 : f32 to vector<16xf32>
        %parallel_loop3A_175 = arith.mulf %parallel_loop3A_172, %parallel_loop3A_174 : vector<16xf32>
        %parallel_loop3A_176 = arith.addf %parallel_loop3A_165, %parallel_loop3A_175 : vector<16xf32>
        %parallel_loop3A_177 = arith.constant 64 : i32
        %parallel_loop3A_178 = arith.muli %parallel_loop3A_159, %parallel_loop3A_177 : i32
        %parallel_loop3A_179 = arith.constant 16 : i32
        %parallel_loop3A_180 = arith.addi %parallel_loop3A_178, %parallel_loop3A_179 : i32
        %parallel_loop3A_181 = arith.index_cast %parallel_loop3A_180 : i32 to index
        %parallel_loop3A_182 = tpu.vector_load %arg16[%parallel_loop3A_181] {strides = array<i32>} : memref<7680xf32, #tpu.memory_space<vmem>>, vector<16xf32>,
        %parallel_loop3A_183 = arith.index_cast %parallel_loop3A_159 : i32 to index
        %parallel_loop3A_184 = arith.constant 16 : index
        %parallel_loop3A_185 = tpu.vector_load %arg12[%parallel_loop3A_183, %parallel_loop3A_184] {strides = array<i32>} : memref<120x64xf32, #tpu.memory_space<vmem>>, vector<16xf32>,
        %parallel_loop3A_186 = arith.index_cast %parallel_loop3A_159 : i32 to index
        %parallel_loop3A_187 = arith.constant 16 : index
        %parallel_loop3A_188 = tpu.vector_load %arg14[%parallel_loop3A_186, %parallel_loop3A_187] {strides = array<i32>} : memref<120x64xf32, #tpu.memory_space<vmem>>, vector<16xf32>,
        %parallel_loop3A_189 = arith.addf %parallel_loop3A_185, %parallel_loop3A_188 : vector<16xf32>
        %parallel_loop3A_190 = arith.constant 5.000000e-01 : f32
        %parallel_loop3A_191 = vector.broadcast %parallel_loop3A_190 : f32 to vector<16xf32>
        %parallel_loop3A_192 = arith.mulf %parallel_loop3A_189, %parallel_loop3A_191 : vector<16xf32>
        %parallel_loop3A_193 = arith.addf %parallel_loop3A_182, %parallel_loop3A_192 : vector<16xf32>
        %parallel_loop3A_194 = arith.constant 64 : i32
        %parallel_loop3A_195 = arith.muli %parallel_loop3A_159, %parallel_loop3A_194 : i32
        %parallel_loop3A_196 = arith.constant 32 : i32
        %parallel_loop3A_197 = arith.addi %parallel_loop3A_195, %parallel_loop3A_196 : i32
        %parallel_loop3A_198 = arith.index_cast %parallel_loop3A_197 : i32 to index
        %parallel_loop3A_199 = tpu.vector_load %arg16[%parallel_loop3A_198] {strides = array<i32>} : memref<7680xf32, #tpu.memory_space<vmem>>, vector<16xf32>,
        %parallel_loop3A_200 = arith.index_cast %parallel_loop3A_159 : i32 to index
        %parallel_loop3A_201 = arith.constant 32 : index
        %parallel_loop3A_202 = tpu.vector_load %arg12[%parallel_loop3A_200, %parallel_loop3A_201] {strides = array<i32>} : memref<120x64xf32, #tpu.memory_space<vmem>>, vector<16xf32>,
        %parallel_loop3A_203 = arith.index_cast %parallel_loop3A_159 : i32 to index
        %parallel_loop3A_204 = arith.constant 32 : index
        %parallel_loop3A_205 = tpu.vector_load %arg14[%parallel_loop3A_203, %parallel_loop3A_204] {strides = array<i32>} : memref<120x64xf32, #tpu.memory_space<vmem>>, vector<16xf32>,
        %parallel_loop3A_206 = arith.addf %parallel_loop3A_202, %parallel_loop3A_205 : vector<16xf32>
        %parallel_loop3A_207 = arith.constant 5.000000e-01 : f32
        %parallel_loop3A_208 = vector.broadcast %parallel_loop3A_207 : f32 to vector<16xf32>
        %parallel_loop3A_209 = arith.mulf %parallel_loop3A_206, %parallel_loop3A_208 : vector<16xf32>
        %parallel_loop3A_210 = arith.addf %parallel_loop3A_199, %parallel_loop3A_209 : vector<16xf32>
        %parallel_loop3A_211 = arith.constant 64 : i32
        %parallel_loop3A_212 = arith.muli %parallel_loop3A_159, %parallel_loop3A_211 : i32
        %parallel_loop3A_213 = arith.constant 48 : i32
        %parallel_loop3A_214 = arith.addi %parallel_loop3A_212, %parallel_loop3A_213 : i32
        %parallel_loop3A_215 = arith.index_cast %parallel_loop3A_214 : i32 to index
        %parallel_loop3A_216 = tpu.vector_load %arg16[%parallel_loop3A_215] {strides = array<i32>} : memref<7680xf32, #tpu.memory_space<vmem>>, vector<16xf32>,
        %parallel_loop3A_217 = arith.index_cast %parallel_loop3A_159 : i32 to index
        %parallel_loop3A_218 = arith.constant 48 : index
        %parallel_loop3A_219 = tpu.vector_load %arg12[%parallel_loop3A_217, %parallel_loop3A_218] {strides = array<i32>} : memref<120x64xf32, #tpu.memory_space<vmem>>, vector<16xf32>,
        %parallel_loop3A_220 = arith.index_cast %parallel_loop3A_159 : i32 to index
        %parallel_loop3A_221 = arith.constant 48 : index
        %parallel_loop3A_222 = tpu.vector_load %arg14[%parallel_loop3A_220, %parallel_loop3A_221] {strides = array<i32>} : memref<120x64xf32, #tpu.memory_space<vmem>>, vector<16xf32>,
        %parallel_loop3A_223 = arith.addf %parallel_loop3A_219, %parallel_loop3A_222 : vector<16xf32>
        %parallel_loop3A_224 = arith.constant 5.000000e-01 : f32
        %parallel_loop3A_225 = vector.broadcast %parallel_loop3A_224 : f32 to vector<16xf32>
        %parallel_loop3A_226 = arith.mulf %parallel_loop3A_223, %parallel_loop3A_225 : vector<16xf32>
        %parallel_loop3A_227 = arith.addf %parallel_loop3A_216, %parallel_loop3A_226 : vector<16xf32>
        %parallel_loop3A_228 = arith.mulf %parallel_loop3A_176, %parallel_loop3A_176 : vector<16xf32>
        %parallel_loop3A_229 = arith.mulf %parallel_loop3A_193, %parallel_loop3A_193 : vector<16xf32>
        %parallel_loop3A_230 = arith.addf %parallel_loop3A_228, %parallel_loop3A_229 : vector<16xf32>
        %parallel_loop3A_231 = arith.mulf %parallel_loop3A_210, %parallel_loop3A_210 : vector<16xf32>
        %parallel_loop3A_232 = arith.addf %parallel_loop3A_230, %parallel_loop3A_231 : vector<16xf32>
        %parallel_loop3A_233 = arith.mulf %parallel_loop3A_227, %parallel_loop3A_227 : vector<16xf32>
        %parallel_loop3A_234 = arith.addf %parallel_loop3A_232, %parallel_loop3A_233 : vector<16xf32>
        %parallel_loop3A_235 = arith.constant true
        %parallel_loop3A_236 = vector.broadcast %parallel_loop3A_235 : i1 to vector<16xi1>
        %parallel_loop3A_237 = tpu.scan <sum>, %parallel_loop3A_234 masked %parallel_loop3A_236 : vector<16xf32>, vector<16xi1> -> vector<16xf32>
        %parallel_loop3A_238 = vector.extract %parallel_loop3A_237[15] : f32 from vector<16xf32>
        %parallel_loop3A_239 = vector.broadcast %parallel_loop3A_238 : f32 to vector<16xf32>
        %parallel_loop3A_240 = vector.bitcast %parallel_loop3A_239 : vector<16xf32> to vector<16xi32>
        %parallel_loop3A_241 = arith.constant 1597463007 : i32
        %parallel_loop3A_242 = vector.broadcast %parallel_loop3A_241 : i32 to vector<16xi32>
        %parallel_loop3A_243 = arith.constant 1 : i32
        %parallel_loop3A_244 = vector.broadcast %parallel_loop3A_243 : i32 to vector<16xi32>
        %parallel_loop3A_245 = arith.shrsi %parallel_loop3A_240, %parallel_loop3A_244 : vector<16xi32>
        %parallel_loop3A_246 = arith.subi %parallel_loop3A_242, %parallel_loop3A_245 : vector<16xi32>
        %parallel_loop3A_247 = vector.bitcast %parallel_loop3A_246 : vector<16xi32> to vector<16xf32>
        %parallel_loop3A_248 = arith.constant 5.000000e-01 : f32
        %parallel_loop3A_249 = vector.broadcast %parallel_loop3A_248 : f32 to vector<16xf32>
        %parallel_loop3A_250 = arith.mulf %parallel_loop3A_239, %parallel_loop3A_249 : vector<16xf32>
        %parallel_loop3A_251 = arith.mulf %parallel_loop3A_250, %parallel_loop3A_247 : vector<16xf32>
        %parallel_loop3A_252 = arith.mulf %parallel_loop3A_251, %parallel_loop3A_247 : vector<16xf32>
        %parallel_loop3A_253 = arith.constant 1.500000e+00 : f32
        %parallel_loop3A_254 = vector.broadcast %parallel_loop3A_253 : f32 to vector<16xf32>
        %parallel_loop3A_255 = arith.subf %parallel_loop3A_254, %parallel_loop3A_252 : vector<16xf32>
        %parallel_loop3A_256 = arith.mulf %parallel_loop3A_247, %parallel_loop3A_255 : vector<16xf32>
        %parallel_loop3A_257 = arith.mulf %parallel_loop3A_250, %parallel_loop3A_256 : vector<16xf32>
        %parallel_loop3A_258 = arith.mulf %parallel_loop3A_257, %parallel_loop3A_256 : vector<16xf32>
        %parallel_loop3A_259 = arith.constant 1.500000e+00 : f32
        %parallel_loop3A_260 = vector.broadcast %parallel_loop3A_259 : f32 to vector<16xf32>
        %parallel_loop3A_261 = arith.subf %parallel_loop3A_260, %parallel_loop3A_258 : vector<16xf32>
        %parallel_loop3A_262 = arith.mulf %parallel_loop3A_256, %parallel_loop3A_261 : vector<16xf32>
        %parallel_loop3A_263 = arith.mulf %parallel_loop3A_176, %parallel_loop3A_262 : vector<16xf32>
        %parallel_loop3A_264 = arith.constant 64 : i32
        %parallel_loop3A_265 = arith.muli %parallel_loop3A_159, %parallel_loop3A_264 : i32
        %parallel_loop3A_266 = arith.constant 0 : i32
        %parallel_loop3A_267 = arith.addi %parallel_loop3A_265, %parallel_loop3A_266 : i32
        %parallel_loop3A_268 = arith.index_cast %parallel_loop3A_267 : i32 to index
        %parallel_loop3A_269 = tpu.vector_load %arg18[%parallel_loop3A_268] {strides = array<i32>} : memref<7680xf32, #tpu.memory_space<vmem>>, vector<16xf32>,
        tpu.vector_store %arg18[%parallel_loop3A_268], %parallel_loop3A_263 {strides = array<i32>} : memref<7680xf32, #tpu.memory_space<vmem>>, vector<16xf32>,
        %parallel_loop3A_270 = arith.mulf %parallel_loop3A_193, %parallel_loop3A_262 : vector<16xf32>
        %parallel_loop3A_271 = arith.constant 64 : i32
        %parallel_loop3A_272 = arith.muli %parallel_loop3A_159, %parallel_loop3A_271 : i32
        %parallel_loop3A_273 = arith.constant 16 : i32
        %parallel_loop3A_274 = arith.addi %parallel_loop3A_272, %parallel_loop3A_273 : i32
        %parallel_loop3A_275 = arith.index_cast %parallel_loop3A_274 : i32 to index
        %parallel_loop3A_276 = tpu.vector_load %arg18[%parallel_loop3A_275] {strides = array<i32>} : memref<7680xf32, #tpu.memory_space<vmem>>, vector<16xf32>,
        tpu.vector_store %arg18[%parallel_loop3A_275], %parallel_loop3A_270 {strides = array<i32>} : memref<7680xf32, #tpu.memory_space<vmem>>, vector<16xf32>,
        %parallel_loop3A_277 = arith.mulf %parallel_loop3A_210, %parallel_loop3A_262 : vector<16xf32>
        %parallel_loop3A_278 = arith.constant 64 : i32
        %parallel_loop3A_279 = arith.muli %parallel_loop3A_159, %parallel_loop3A_278 : i32
        %parallel_loop3A_280 = arith.constant 32 : i32
        %parallel_loop3A_281 = arith.addi %parallel_loop3A_279, %parallel_loop3A_280 : i32
        %parallel_loop3A_282 = arith.index_cast %parallel_loop3A_281 : i32 to index
        %parallel_loop3A_283 = tpu.vector_load %arg18[%parallel_loop3A_282] {strides = array<i32>} : memref<7680xf32, #tpu.memory_space<vmem>>, vector<16xf32>,
        tpu.vector_store %arg18[%parallel_loop3A_282], %parallel_loop3A_277 {strides = array<i32>} : memref<7680xf32, #tpu.memory_space<vmem>>, vector<16xf32>,
        %parallel_loop3A_284 = arith.mulf %parallel_loop3A_227, %parallel_loop3A_262 : vector<16xf32>
        %parallel_loop3A_285 = arith.constant 64 : i32
        %parallel_loop3A_286 = arith.muli %parallel_loop3A_159, %parallel_loop3A_285 : i32
        %parallel_loop3A_287 = arith.constant 48 : i32
        %parallel_loop3A_288 = arith.addi %parallel_loop3A_286, %parallel_loop3A_287 : i32
        %parallel_loop3A_289 = arith.index_cast %parallel_loop3A_288 : i32 to index
        %parallel_loop3A_290 = tpu.vector_load %arg18[%parallel_loop3A_289] {strides = array<i32>} : memref<7680xf32, #tpu.memory_space<vmem>>, vector<16xf32>,
        tpu.vector_store %arg18[%parallel_loop3A_289], %parallel_loop3A_284 {strides = array<i32>} : memref<7680xf32, #tpu.memory_space<vmem>>, vector<16xf32>,
      } {sc.loop_unroll_factor = 8 : i64, sc.parallel_access}
      %mul3A_112 = arith.constant 8 : i32
      %mul3A_113 = arith.muli %add3A, %mul3A_112 : i32
      %add3A_114 = arith.addi %mul3A_113, %mul3A_65 : i32
      %mul3A_115 = arith.constant 120 : i32
      %mul3A_116 = arith.muli %add3A_114, %mul3A_115 : i32
      %min3A_117 = arith.constant 29880 : i32
      %min3A_118 = arith.minsi %mul3A_116, %min3A_117 : i32
      %multiple_of3A_119 = tpu.assume_multiple %min3A_118, 8 : i32
      %mul3A_120 = arith.constant 64 : i32
      %mul3A_121 = arith.muli %multiple_of3A_119, %mul3A_120 : i32
      %dma_start3A_122 = tpu.memref_slice %arg7[%mul3A_121] : memref<1920000xf32, #tpu.memory_space<hbm>> -> memref<7680xf32, #tpu.memory_space<hbm>>
      %dma_start3A_123 = tpu.memref_slice %arg7[%mul3A_121] : memref<1920000xf32, #tpu.memory_space<hbm>> -> memref<7680xf32, #tpu.memory_space<hbm>>
      tpu.enqueue_dma source(%arg18 : memref<7680xf32, #tpu.memory_space<vmem>>) target(%dma_start3A_123 : memref<7680xf32, #tpu.memory_space<hbm>>) target_semaphore(%arg24 : memref<!tpu.dma_semaphore, #tpu.memory_space<semaphore_mem>>)
      %dma_wait3A_124 = arith.constant 0 : i32
      %dma_wait3A_125 = arith.constant 0 : i32
      %dma_wait3A_126 = tpu.memref_slice %arg3[%dma_wait3A_124, %dma_wait3A_125] : memref<5000x64xf32, #tpu.memory_space<hbm>> -> memref<5000x64xf32, #tpu.memory_space<hbm>>
      tpu.wait_indirect_dma semaphore(%arg23 : memref<!tpu.dma_semaphore, #tpu.memory_space<semaphore_mem>>) src(%dma_wait3A_126 : memref<5000x64xf32, #tpu.memory_space<hbm>>) dst(%arg13 : memref<120x64xf32, #tpu.memory_space<vmem>>)
      %dma_wait3A_127 = arith.constant 0 : i32
      %dma_wait3A_128 = arith.constant 0 : i32
      %dma_wait3A_129 = tpu.memref_slice %arg4[%dma_wait3A_127, %dma_wait3A_128] : memref<10000x64xf32, #tpu.memory_space<hbm>> -> memref<10000x64xf32, #tpu.memory_space<hbm>>
      tpu.wait_indirect_dma semaphore(%arg23 : memref<!tpu.dma_semaphore, #tpu.memory_space<semaphore_mem>>) src(%dma_wait3A_129 : memref<10000x64xf32, #tpu.memory_space<hbm>>) dst(%arg15 : memref<120x64xf32, #tpu.memory_space<vmem>>)
      %dma_wait3A_130 = arith.constant 0 : i32
      %dma_wait3A_131 = tpu.memref_slice %arg2[%dma_wait3A_130] : memref<1920000xf32, #tpu.memory_space<hbm>> -> memref<7680xf32, #tpu.memory_space<hbm>>
      %dma_wait3A_132 = arith.constant 0 : i32
      %dma_wait3A_133 = tpu.memref_slice %arg2[%dma_wait3A_132] : memref<1920000xf32, #tpu.memory_space<hbm>> -> memref<7680xf32, #tpu.memory_space<hbm>>
      tpu.wait_dma2 semaphore(%arg23 : memref<!tpu.dma_semaphore, #tpu.memory_space<semaphore_mem>>) src(%dma_wait3A_133 : memref<7680xf32, #tpu.memory_space<hbm>>) dst(%arg17 : memref<7680xf32, #tpu.memory_space<vmem>>)
      %lt3A_134 = arith.constant 3 : i32
      %lt3A_135 = arith.cmpi slt, %scan3A_63, %lt3A_134 : i32
      %convert_element_type3A_136 = arith.extui %lt3A_135 : i1 to i32
      %cond3A_137 = arith.constant 0 : i32
      %cond3A_138 = arith.cmpi ne, %convert_element_type3A_136, %cond3A_137 : i32
      scf.if %cond3A_138 {
        %add3A_159 = arith.constant 2 : i32
        %add3A_160 = arith.addi %add3A_67, %add3A_159 : i32
        %mul3A_161 = arith.constant 8 : i32
        %mul3A_162 = arith.muli %add3A, %mul3A_161 : i32
        %add3A_163 = arith.addi %mul3A_162, %add3A_160 : i32
        %mul3A_164 = arith.constant 120 : i32
        %mul3A_165 = arith.muli %add3A_163, %mul3A_164 : i32
        %min3A_166 = arith.constant 29880 : i32
        %min3A_167 = arith.minsi %mul3A_165, %min3A_166 : i32
        %multiple_of3A_168 = tpu.assume_multiple %min3A_167, 8 : i32
        %dma_start3A_169 = tpu.memref_slice %arg5[%multiple_of3A_168] : memref<30000xi32, #tpu.memory_space<hbm>> -> memref<120xi32, #tpu.memory_space<hbm>>
        %dma_start3A_170 = tpu.memref_slice %arg5[%multiple_of3A_168] : memref<30000xi32, #tpu.memory_space<hbm>> -> memref<120xi32, #tpu.memory_space<hbm>>
        tpu.enqueue_dma source(%dma_start3A_170 : memref<120xi32, #tpu.memory_space<hbm>>) target(%arg9 : memref<120xi32, #tpu.memory_space<vmem>>) target_semaphore(%arg21 : memref<!tpu.dma_semaphore, #tpu.memory_space<semaphore_mem>>)
        %dma_start3A_171 = tpu.memref_slice %arg6[%multiple_of3A_168] : memref<30000xi32, #tpu.memory_space<hbm>> -> memref<120xi32, #tpu.memory_space<hbm>>
        %dma_start3A_172 = tpu.memref_slice %arg6[%multiple_of3A_168] : memref<30000xi32, #tpu.memory_space<hbm>> -> memref<120xi32, #tpu.memory_space<hbm>>
        tpu.enqueue_dma source(%dma_start3A_172 : memref<120xi32, #tpu.memory_space<hbm>>) target(%arg11 : memref<120xi32, #tpu.memory_space<vmem>>) target_semaphore(%arg21 : memref<!tpu.dma_semaphore, #tpu.memory_space<semaphore_mem>>)
        %dma_wait3A_173 = arith.constant 0 : i32
        %dma_wait3A_174 = tpu.memref_slice %arg5[%dma_wait3A_173] : memref<30000xi32, #tpu.memory_space<hbm>> -> memref<120xi32, #tpu.memory_space<hbm>>
        %dma_wait3A_175 = arith.constant 0 : i32
        %dma_wait3A_176 = tpu.memref_slice %arg5[%dma_wait3A_175] : memref<30000xi32, #tpu.memory_space<hbm>> -> memref<120xi32, #tpu.memory_space<hbm>>
        tpu.wait_dma2 semaphore(%arg20 : memref<!tpu.dma_semaphore, #tpu.memory_space<semaphore_mem>>) src(%dma_wait3A_176 : memref<120xi32, #tpu.memory_space<hbm>>) dst(%arg8 : memref<120xi32, #tpu.memory_space<vmem>>)
        %dma_wait3A_177 = arith.constant 0 : i32
        %dma_wait3A_178 = tpu.memref_slice %arg6[%dma_wait3A_177] : memref<30000xi32, #tpu.memory_space<hbm>> -> memref<120xi32, #tpu.memory_space<hbm>>
        %dma_wait3A_179 = arith.constant 0 : i32
        %dma_wait3A_180 = tpu.memref_slice %arg6[%dma_wait3A_179] : memref<30000xi32, #tpu.memory_space<hbm>> -> memref<120xi32, #tpu.memory_space<hbm>>
        tpu.wait_dma2 semaphore(%arg20 : memref<!tpu.dma_semaphore, #tpu.memory_space<semaphore_mem>>) src(%dma_wait3A_180 : memref<120xi32, #tpu.memory_space<hbm>>) dst(%arg10 : memref<120xi32, #tpu.memory_space<vmem>>)
        %add3A_181 = arith.constant 2 : i32
        %add3A_182 = arith.addi %mul3A_65, %add3A_181 : i32
        %mul3A_183 = arith.constant 8 : i32
        %mul3A_184 = arith.muli %add3A, %mul3A_183 : i32
        %add3A_185 = arith.addi %mul3A_184, %add3A_182 : i32
        %mul3A_186 = arith.constant 120 : i32
        %mul3A_187 = arith.muli %add3A_185, %mul3A_186 : i32
        %min3A_188 = arith.constant 29880 : i32
        %min3A_189 = arith.minsi %mul3A_187, %min3A_188 : i32
        %multiple_of3A_190 = tpu.assume_multiple %min3A_189, 8 : i32
        %dma_start3A_191 = arith.constant 0 : i32
        %dma_start3A_192 = arith.constant 0 : i32
        %dma_start3A_193 = tpu.memref_slice %arg3[%dma_start3A_191, %dma_start3A_192] : memref<5000x64xf32, #tpu.memory_space<hbm>> -> memref<5000x64xf32, #tpu.memory_space<hbm>>
        tpu.enqueue_indirect_dma source(%dma_start3A_193 : memref<5000x64xf32, #tpu.memory_space<hbm>>) target(%arg12 : memref<120x64xf32, #tpu.memory_space<vmem>>) offsets(%arg8 : memref<120xi32, #tpu.memory_space<vmem>>) semaphore(%arg22 : memref<!tpu.dma_semaphore, #tpu.memory_space<semaphore_mem>>)
        %dma_start3A_194 = arith.constant 0 : i32
        %dma_start3A_195 = arith.constant 0 : i32
        %dma_start3A_196 = tpu.memref_slice %arg4[%dma_start3A_194, %dma_start3A_195] : memref<10000x64xf32, #tpu.memory_space<hbm>> -> memref<10000x64xf32, #tpu.memory_space<hbm>>
        tpu.enqueue_indirect_dma source(%dma_start3A_196 : memref<10000x64xf32, #tpu.memory_space<hbm>>) target(%arg14 : memref<120x64xf32, #tpu.memory_space<vmem>>) offsets(%arg10 : memref<120xi32, #tpu.memory_space<vmem>>) semaphore(%arg22 : memref<!tpu.dma_semaphore, #tpu.memory_space<semaphore_mem>>)
        %mul3A_197 = arith.constant 64 : i32
        %mul3A_198 = arith.muli %multiple_of3A_190, %mul3A_197 : i32
        %dma_start3A_199 = tpu.memref_slice %arg2[%mul3A_198] : memref<1920000xf32, #tpu.memory_space<hbm>> -> memref<7680xf32, #tpu.memory_space<hbm>>
        %dma_start3A_200 = tpu.memref_slice %arg2[%mul3A_198] : memref<1920000xf32, #tpu.memory_space<hbm>> -> memref<7680xf32, #tpu.memory_space<hbm>>
        tpu.enqueue_dma source(%dma_start3A_200 : memref<7680xf32, #tpu.memory_space<hbm>>) target(%arg16 : memref<7680xf32, #tpu.memory_space<vmem>>) target_semaphore(%arg22 : memref<!tpu.dma_semaphore, #tpu.memory_space<semaphore_mem>>)
      } else {
      }
      %gt3A_139 = arith.constant 0 : i32
      %gt3A_140 = arith.cmpi sgt, %scan3A_63, %gt3A_139 : i32
      %convert_element_type3A_141 = arith.extui %gt3A_140 : i1 to i32
      %cond3A_142 = arith.constant 0 : i32
      %cond3A_143 = arith.cmpi ne, %convert_element_type3A_141, %cond3A_142 : i32
      scf.if %cond3A_143 {
        %dma_wait3A_159 = arith.constant 0 : i32
        %dma_wait3A_160 = tpu.memref_slice %arg7[%dma_wait3A_159] : memref<1920000xf32, #tpu.memory_space<hbm>> -> memref<7680xf32, #tpu.memory_space<hbm>>
        %dma_wait3A_161 = arith.constant 0 : i32
        %dma_wait3A_162 = tpu.memref_slice %arg7[%dma_wait3A_161] : memref<1920000xf32, #tpu.memory_space<hbm>> -> memref<7680xf32, #tpu.memory_space<hbm>>
        tpu.wait_dma2 semaphore(%arg25 : memref<!tpu.dma_semaphore, #tpu.memory_space<semaphore_mem>>) src(%arg19 : memref<7680xf32, #tpu.memory_space<vmem>>) dst(%dma_wait3A_162 : memref<7680xf32, #tpu.memory_space<hbm>>)
      } else {
      }
      %parallel_loop3A_144 = arith.constant 0 : i32
      %parallel_loop3A_145 = arith.constant 120 : i32
      %parallel_loop3A_146 = arith.constant 1 : i32
      scf.for %parallel_loop3A_159 = %parallel_loop3A_144 to %parallel_loop3A_145 step %parallel_loop3A_146  : i32 {
        %parallel_loop3A_160 = arith.constant 64 : i32
        %parallel_loop3A_161 = arith.muli %parallel_loop3A_159, %parallel_loop3A_160 : i32
        %parallel_loop3A_162 = arith.constant 0 : i32
        %parallel_loop3A_163 = arith.addi %parallel_loop3A_161, %parallel_loop3A_162 : i32
        %parallel_loop3A_164 = arith.index_cast %parallel_loop3A_163 : i32 to index
        %parallel_loop3A_165 = tpu.vector_load %arg17[%parallel_loop3A_164] {strides = array<i32>} : memref<7680xf32, #tpu.memory_space<vmem>>, vector<16xf32>,
        %parallel_loop3A_166 = arith.index_cast %parallel_loop3A_159 : i32 to index
        %parallel_loop3A_167 = arith.constant 0 : index
        %parallel_loop3A_168 = tpu.vector_load %arg13[%parallel_loop3A_166, %parallel_loop3A_167] {strides = array<i32>} : memref<120x64xf32, #tpu.memory_space<vmem>>, vector<16xf32>,
        %parallel_loop3A_169 = arith.index_cast %parallel_loop3A_159 : i32 to index
        %parallel_loop3A_170 = arith.constant 0 : index
        %parallel_loop3A_171 = tpu.vector_load %arg15[%parallel_loop3A_169, %parallel_loop3A_170] {strides = array<i32>} : memref<120x64xf32, #tpu.memory_space<vmem>>, vector<16xf32>,
        %parallel_loop3A_172 = arith.addf %parallel_loop3A_168, %parallel_loop3A_171 : vector<16xf32>
        %parallel_loop3A_173 = arith.constant 5.000000e-01 : f32
        %parallel_loop3A_174 = vector.broadcast %parallel_loop3A_173 : f32 to vector<16xf32>
        %parallel_loop3A_175 = arith.mulf %parallel_loop3A_172, %parallel_loop3A_174 : vector<16xf32>
        %parallel_loop3A_176 = arith.addf %parallel_loop3A_165, %parallel_loop3A_175 : vector<16xf32>
        %parallel_loop3A_177 = arith.constant 64 : i32
        %parallel_loop3A_178 = arith.muli %parallel_loop3A_159, %parallel_loop3A_177 : i32
        %parallel_loop3A_179 = arith.constant 16 : i32
        %parallel_loop3A_180 = arith.addi %parallel_loop3A_178, %parallel_loop3A_179 : i32
        %parallel_loop3A_181 = arith.index_cast %parallel_loop3A_180 : i32 to index
        %parallel_loop3A_182 = tpu.vector_load %arg17[%parallel_loop3A_181] {strides = array<i32>} : memref<7680xf32, #tpu.memory_space<vmem>>, vector<16xf32>,
        %parallel_loop3A_183 = arith.index_cast %parallel_loop3A_159 : i32 to index
        %parallel_loop3A_184 = arith.constant 16 : index
        %parallel_loop3A_185 = tpu.vector_load %arg13[%parallel_loop3A_183, %parallel_loop3A_184] {strides = array<i32>} : memref<120x64xf32, #tpu.memory_space<vmem>>, vector<16xf32>,
        %parallel_loop3A_186 = arith.index_cast %parallel_loop3A_159 : i32 to index
        %parallel_loop3A_187 = arith.constant 16 : index
        %parallel_loop3A_188 = tpu.vector_load %arg15[%parallel_loop3A_186, %parallel_loop3A_187] {strides = array<i32>} : memref<120x64xf32, #tpu.memory_space<vmem>>, vector<16xf32>,
        %parallel_loop3A_189 = arith.addf %parallel_loop3A_185, %parallel_loop3A_188 : vector<16xf32>
        %parallel_loop3A_190 = arith.constant 5.000000e-01 : f32
        %parallel_loop3A_191 = vector.broadcast %parallel_loop3A_190 : f32 to vector<16xf32>
        %parallel_loop3A_192 = arith.mulf %parallel_loop3A_189, %parallel_loop3A_191 : vector<16xf32>
        %parallel_loop3A_193 = arith.addf %parallel_loop3A_182, %parallel_loop3A_192 : vector<16xf32>
        %parallel_loop3A_194 = arith.constant 64 : i32
        %parallel_loop3A_195 = arith.muli %parallel_loop3A_159, %parallel_loop3A_194 : i32
        %parallel_loop3A_196 = arith.constant 32 : i32
        %parallel_loop3A_197 = arith.addi %parallel_loop3A_195, %parallel_loop3A_196 : i32
        %parallel_loop3A_198 = arith.index_cast %parallel_loop3A_197 : i32 to index
        %parallel_loop3A_199 = tpu.vector_load %arg17[%parallel_loop3A_198] {strides = array<i32>} : memref<7680xf32, #tpu.memory_space<vmem>>, vector<16xf32>,
        %parallel_loop3A_200 = arith.index_cast %parallel_loop3A_159 : i32 to index
        %parallel_loop3A_201 = arith.constant 32 : index
        %parallel_loop3A_202 = tpu.vector_load %arg13[%parallel_loop3A_200, %parallel_loop3A_201] {strides = array<i32>} : memref<120x64xf32, #tpu.memory_space<vmem>>, vector<16xf32>,
        %parallel_loop3A_203 = arith.index_cast %parallel_loop3A_159 : i32 to index
        %parallel_loop3A_204 = arith.constant 32 : index
        %parallel_loop3A_205 = tpu.vector_load %arg15[%parallel_loop3A_203, %parallel_loop3A_204] {strides = array<i32>} : memref<120x64xf32, #tpu.memory_space<vmem>>, vector<16xf32>,
        %parallel_loop3A_206 = arith.addf %parallel_loop3A_202, %parallel_loop3A_205 : vector<16xf32>
        %parallel_loop3A_207 = arith.constant 5.000000e-01 : f32
        %parallel_loop3A_208 = vector.broadcast %parallel_loop3A_207 : f32 to vector<16xf32>
        %parallel_loop3A_209 = arith.mulf %parallel_loop3A_206, %parallel_loop3A_208 : vector<16xf32>
        %parallel_loop3A_210 = arith.addf %parallel_loop3A_199, %parallel_loop3A_209 : vector<16xf32>
        %parallel_loop3A_211 = arith.constant 64 : i32
        %parallel_loop3A_212 = arith.muli %parallel_loop3A_159, %parallel_loop3A_211 : i32
        %parallel_loop3A_213 = arith.constant 48 : i32
        %parallel_loop3A_214 = arith.addi %parallel_loop3A_212, %parallel_loop3A_213 : i32
        %parallel_loop3A_215 = arith.index_cast %parallel_loop3A_214 : i32 to index
        %parallel_loop3A_216 = tpu.vector_load %arg17[%parallel_loop3A_215] {strides = array<i32>} : memref<7680xf32, #tpu.memory_space<vmem>>, vector<16xf32>,
        %parallel_loop3A_217 = arith.index_cast %parallel_loop3A_159 : i32 to index
        %parallel_loop3A_218 = arith.constant 48 : index
        %parallel_loop3A_219 = tpu.vector_load %arg13[%parallel_loop3A_217, %parallel_loop3A_218] {strides = array<i32>} : memref<120x64xf32, #tpu.memory_space<vmem>>, vector<16xf32>,
        %parallel_loop3A_220 = arith.index_cast %parallel_loop3A_159 : i32 to index
        %parallel_loop3A_221 = arith.constant 48 : index
        %parallel_loop3A_222 = tpu.vector_load %arg15[%parallel_loop3A_220, %parallel_loop3A_221] {strides = array<i32>} : memref<120x64xf32, #tpu.memory_space<vmem>>, vector<16xf32>,
        %parallel_loop3A_223 = arith.addf %parallel_loop3A_219, %parallel_loop3A_222 : vector<16xf32>
        %parallel_loop3A_224 = arith.constant 5.000000e-01 : f32
        %parallel_loop3A_225 = vector.broadcast %parallel_loop3A_224 : f32 to vector<16xf32>
        %parallel_loop3A_226 = arith.mulf %parallel_loop3A_223, %parallel_loop3A_225 : vector<16xf32>
        %parallel_loop3A_227 = arith.addf %parallel_loop3A_216, %parallel_loop3A_226 : vector<16xf32>
        %parallel_loop3A_228 = arith.mulf %parallel_loop3A_176, %parallel_loop3A_176 : vector<16xf32>
        %parallel_loop3A_229 = arith.mulf %parallel_loop3A_193, %parallel_loop3A_193 : vector<16xf32>
        %parallel_loop3A_230 = arith.addf %parallel_loop3A_228, %parallel_loop3A_229 : vector<16xf32>
        %parallel_loop3A_231 = arith.mulf %parallel_loop3A_210, %parallel_loop3A_210 : vector<16xf32>
        %parallel_loop3A_232 = arith.addf %parallel_loop3A_230, %parallel_loop3A_231 : vector<16xf32>
        %parallel_loop3A_233 = arith.mulf %parallel_loop3A_227, %parallel_loop3A_227 : vector<16xf32>
        %parallel_loop3A_234 = arith.addf %parallel_loop3A_232, %parallel_loop3A_233 : vector<16xf32>
        %parallel_loop3A_235 = arith.constant true
        %parallel_loop3A_236 = vector.broadcast %parallel_loop3A_235 : i1 to vector<16xi1>
        %parallel_loop3A_237 = tpu.scan <sum>, %parallel_loop3A_234 masked %parallel_loop3A_236 : vector<16xf32>, vector<16xi1> -> vector<16xf32>
        %parallel_loop3A_238 = vector.extract %parallel_loop3A_237[15] : f32 from vector<16xf32>
        %parallel_loop3A_239 = vector.broadcast %parallel_loop3A_238 : f32 to vector<16xf32>
        %parallel_loop3A_240 = vector.bitcast %parallel_loop3A_239 : vector<16xf32> to vector<16xi32>
        %parallel_loop3A_241 = arith.constant 1597463007 : i32
        %parallel_loop3A_242 = vector.broadcast %parallel_loop3A_241 : i32 to vector<16xi32>
        %parallel_loop3A_243 = arith.constant 1 : i32
        %parallel_loop3A_244 = vector.broadcast %parallel_loop3A_243 : i32 to vector<16xi32>
        %parallel_loop3A_245 = arith.shrsi %parallel_loop3A_240, %parallel_loop3A_244 : vector<16xi32>
        %parallel_loop3A_246 = arith.subi %parallel_loop3A_242, %parallel_loop3A_245 : vector<16xi32>
        %parallel_loop3A_247 = vector.bitcast %parallel_loop3A_246 : vector<16xi32> to vector<16xf32>
        %parallel_loop3A_248 = arith.constant 5.000000e-01 : f32
        %parallel_loop3A_249 = vector.broadcast %parallel_loop3A_248 : f32 to vector<16xf32>
        %parallel_loop3A_250 = arith.mulf %parallel_loop3A_239, %parallel_loop3A_249 : vector<16xf32>
        %parallel_loop3A_251 = arith.mulf %parallel_loop3A_250, %parallel_loop3A_247 : vector<16xf32>
        %parallel_loop3A_252 = arith.mulf %parallel_loop3A_251, %parallel_loop3A_247 : vector<16xf32>
        %parallel_loop3A_253 = arith.constant 1.500000e+00 : f32
        %parallel_loop3A_254 = vector.broadcast %parallel_loop3A_253 : f32 to vector<16xf32>
        %parallel_loop3A_255 = arith.subf %parallel_loop3A_254, %parallel_loop3A_252 : vector<16xf32>
        %parallel_loop3A_256 = arith.mulf %parallel_loop3A_247, %parallel_loop3A_255 : vector<16xf32>
        %parallel_loop3A_257 = arith.mulf %parallel_loop3A_250, %parallel_loop3A_256 : vector<16xf32>
        %parallel_loop3A_258 = arith.mulf %parallel_loop3A_257, %parallel_loop3A_256 : vector<16xf32>
        %parallel_loop3A_259 = arith.constant 1.500000e+00 : f32
        %parallel_loop3A_260 = vector.broadcast %parallel_loop3A_259 : f32 to vector<16xf32>
        %parallel_loop3A_261 = arith.subf %parallel_loop3A_260, %parallel_loop3A_258 : vector<16xf32>
        %parallel_loop3A_262 = arith.mulf %parallel_loop3A_256, %parallel_loop3A_261 : vector<16xf32>
        %parallel_loop3A_263 = arith.mulf %parallel_loop3A_176, %parallel_loop3A_262 : vector<16xf32>
        %parallel_loop3A_264 = arith.constant 64 : i32
        %parallel_loop3A_265 = arith.muli %parallel_loop3A_159, %parallel_loop3A_264 : i32
        %parallel_loop3A_266 = arith.constant 0 : i32
        %parallel_loop3A_267 = arith.addi %parallel_loop3A_265, %parallel_loop3A_266 : i32
        %parallel_loop3A_268 = arith.index_cast %parallel_loop3A_267 : i32 to index
        %parallel_loop3A_269 = tpu.vector_load %arg19[%parallel_loop3A_268] {strides = array<i32>} : memref<7680xf32, #tpu.memory_space<vmem>>, vector<16xf32>,
        tpu.vector_store %arg19[%parallel_loop3A_268], %parallel_loop3A_263 {strides = array<i32>} : memref<7680xf32, #tpu.memory_space<vmem>>, vector<16xf32>,
        %parallel_loop3A_270 = arith.mulf %parallel_loop3A_193, %parallel_loop3A_262 : vector<16xf32>
        %parallel_loop3A_271 = arith.constant 64 : i32
        %parallel_loop3A_272 = arith.muli %parallel_loop3A_159, %parallel_loop3A_271 : i32
        %parallel_loop3A_273 = arith.constant 16 : i32
        %parallel_loop3A_274 = arith.addi %parallel_loop3A_272, %parallel_loop3A_273 : i32
        %parallel_loop3A_275 = arith.index_cast %parallel_loop3A_274 : i32 to index
        %parallel_loop3A_276 = tpu.vector_load %arg19[%parallel_loop3A_275] {strides = array<i32>} : memref<7680xf32, #tpu.memory_space<vmem>>, vector<16xf32>,
        tpu.vector_store %arg19[%parallel_loop3A_275], %parallel_loop3A_270 {strides = array<i32>} : memref<7680xf32, #tpu.memory_space<vmem>>, vector<16xf32>,
        %parallel_loop3A_277 = arith.mulf %parallel_loop3A_210, %parallel_loop3A_262 : vector<16xf32>
        %parallel_loop3A_278 = arith.constant 64 : i32
        %parallel_loop3A_279 = arith.muli %parallel_loop3A_159, %parallel_loop3A_278 : i32
        %parallel_loop3A_280 = arith.constant 32 : i32
        %parallel_loop3A_281 = arith.addi %parallel_loop3A_279, %parallel_loop3A_280 : i32
        %parallel_loop3A_282 = arith.index_cast %parallel_loop3A_281 : i32 to index
        %parallel_loop3A_283 = tpu.vector_load %arg19[%parallel_loop3A_282] {strides = array<i32>} : memref<7680xf32, #tpu.memory_space<vmem>>, vector<16xf32>,
        tpu.vector_store %arg19[%parallel_loop3A_282], %parallel_loop3A_277 {strides = array<i32>} : memref<7680xf32, #tpu.memory_space<vmem>>, vector<16xf32>,
        %parallel_loop3A_284 = arith.mulf %parallel_loop3A_227, %parallel_loop3A_262 : vector<16xf32>
        %parallel_loop3A_285 = arith.constant 64 : i32
        %parallel_loop3A_286 = arith.muli %parallel_loop3A_159, %parallel_loop3A_285 : i32
        %parallel_loop3A_287 = arith.constant 48 : i32
        %parallel_loop3A_288 = arith.addi %parallel_loop3A_286, %parallel_loop3A_287 : i32
        %parallel_loop3A_289 = arith.index_cast %parallel_loop3A_288 : i32 to index
        %parallel_loop3A_290 = tpu.vector_load %arg19[%parallel_loop3A_289] {strides = array<i32>} : memref<7680xf32, #tpu.memory_space<vmem>>, vector<16xf32>,
        tpu.vector_store %arg19[%parallel_loop3A_289], %parallel_loop3A_284 {strides = array<i32>} : memref<7680xf32, #tpu.memory_space<vmem>>, vector<16xf32>,
      } {sc.loop_unroll_factor = 8 : i64, sc.parallel_access}
      %mul3A_147 = arith.constant 8 : i32
      %mul3A_148 = arith.muli %add3A, %mul3A_147 : i32
      %add3A_149 = arith.addi %mul3A_148, %add3A_67 : i32
      %mul3A_150 = arith.constant 120 : i32
      %mul3A_151 = arith.muli %add3A_149, %mul3A_150 : i32
      %min3A_152 = arith.constant 29880 : i32
      %min3A_153 = arith.minsi %mul3A_151, %min3A_152 : i32
      %multiple_of3A_154 = tpu.assume_multiple %min3A_153, 8 : i32
      %mul3A_155 = arith.constant 64 : i32
      %mul3A_156 = arith.muli %multiple_of3A_154, %mul3A_155 : i32
      %dma_start3A_157 = tpu.memref_slice %arg7[%mul3A_156] : memref<1920000xf32, #tpu.memory_space<hbm>> -> memref<7680xf32, #tpu.memory_space<hbm>>
      %dma_start3A_158 = tpu.memref_slice %arg7[%mul3A_156] : memref<1920000xf32, #tpu.memory_space<hbm>> -> memref<7680xf32, #tpu.memory_space<hbm>>
      tpu.enqueue_dma source(%arg19 : memref<7680xf32, #tpu.memory_space<vmem>>) target(%dma_start3A_158 : memref<7680xf32, #tpu.memory_space<hbm>>) target_semaphore(%arg25 : memref<!tpu.dma_semaphore, #tpu.memory_space<semaphore_mem>>)
    }
    %scan3A_54 = arith.constant 4 : i32
    %dma_wait3A_55 = arith.constant 0 : i32
    %dma_wait3A_56 = tpu.memref_slice %arg7[%dma_wait3A_55] : memref<1920000xf32, #tpu.memory_space<hbm>> -> memref<7680xf32, #tpu.memory_space<hbm>>
    %dma_wait3A_57 = arith.constant 0 : i32
    %dma_wait3A_58 = tpu.memref_slice %arg7[%dma_wait3A_57] : memref<1920000xf32, #tpu.memory_space<hbm>> -> memref<7680xf32, #tpu.memory_space<hbm>>
    tpu.wait_dma2 semaphore(%arg24 : memref<!tpu.dma_semaphore, #tpu.memory_space<semaphore_mem>>) src(%arg18 : memref<7680xf32, #tpu.memory_space<vmem>>) dst(%dma_wait3A_58 : memref<7680xf32, #tpu.memory_space<hbm>>)
    %dma_wait3A_59 = arith.constant 0 : i32
    %dma_wait3A_60 = tpu.memref_slice %arg7[%dma_wait3A_59] : memref<1920000xf32, #tpu.memory_space<hbm>> -> memref<7680xf32, #tpu.memory_space<hbm>>
    %dma_wait3A_61 = arith.constant 0 : i32
    %dma_wait3A_62 = tpu.memref_slice %arg7[%dma_wait3A_61] : memref<1920000xf32, #tpu.memory_space<hbm>> -> memref<7680xf32, #tpu.memory_space<hbm>>
    tpu.wait_dma2 semaphore(%arg25 : memref<!tpu.dma_semaphore, #tpu.memory_space<semaphore_mem>>) src(%arg19 : memref<7680xf32, #tpu.memory_space<vmem>>) dst(%dma_wait3A_62 : memref<7680xf32, #tpu.memory_space<hbm>>)
    return
  }
}

module attributes {stable_mosaic.version = 14 : i64} {
  func.func @_tc_norm_body(%arg0: i32, %arg1: memref<800x64xf32, #tpu.memory_space<vmem>>, %arg2: memref<800x64xf32, #tpu.memory_space<vmem>>) attributes {dimension_semantics = [#tpu.dimension_semantics<arbitrary>], iteration_bounds = array<i64: 25>, scalar_prefetch = 0 : i64, scratch_operands = 0 : i64, tpu.core_type = #tpu.core_type<tc>, window_params = [{transform_indices = @transform_0, window_bounds = array<i64: 800, 64>}, {transform_indices = @transform_1, window_bounds = array<i64: 800, 64>}]} {
    %get3A = arith.constant 0 : index
    %get3A_0 = arith.constant 0 : index
    %get3A_1 = vector.load %arg1[%get3A, %get3A_0] : memref<800x64xf32, #tpu.memory_space<vmem>>, vector<800x64xf32>
    %mul3A = arith.mulf %get3A_1, %get3A_1 : vector<800x64xf32>
    %reduce_sum3A = arith.constant dense<0.000000e+00> : vector<800xf32>
    %reduce_sum3A_2 = vector.multi_reduction <add>, %mul3A, %reduce_sum3A [1] : vector<800x64xf32> to vector<800xf32>
    %broadcast_in_dim3A = vector.shape_cast %reduce_sum3A_2 : vector<800xf32> to vector<800x1xf32>
    %max3A = arith.constant 1.000000e-30 : f32
    %max3A_3 = vector.broadcast %max3A : f32 to vector<800x1xf32>
    %max3A_4 = arith.maximumf %broadcast_in_dim3A, %max3A_3 : vector<800x1xf32>
    %rsqrt3A = math.rsqrt %max3A_4 : vector<800x1xf32>
    %mul3A_5 = vector.broadcast %rsqrt3A : vector<800x1xf32> to vector<800x64xf32>
    %mul3A_6 = arith.mulf %get3A_1, %mul3A_5 : vector<800x64xf32>
    %swap3A = arith.constant 0 : index
    %swap3A_7 = arith.constant 0 : index
    %swap3A_8 = vector.load %arg2[%swap3A, %swap3A_7] : memref<800x64xf32, #tpu.memory_space<vmem>>, vector<800x64xf32>
    tpu.vector_store %arg2[%swap3A, %swap3A_7], %mul3A_6 {strides = array<i32>} : memref<800x64xf32, #tpu.memory_space<vmem>>, vector<800x64xf32>,
    return
  }
  func.func @transform_0(%arg0: i32) -> (i32, i32) {
    %c0_i32 = arith.constant 0 : i32
    %c0_i32_0 = arith.constant 0 : i32
    return %arg0, %c0_i32 : i32, i32
  }
  func.func @transform_1(%arg0: i32) -> (i32, i32) {
    %c0_i32 = arith.constant 0 : i32
    %c0_i32_0 = arith.constant 0 : i32
    return %arg0, %c0_i32 : i32, i32
  }
}

</mosaic_0001>

<sc_bundles>
// kernel: kernel.4.cloned.1.call-start
scs
__scs_entry_jumppad:
0x0: {  	(pc) =	sbr.rel $0x88, $3  }
0x1: {  	(tag) =	ssettag $0x0;
	lr =	simm.s32 $0x1  }
0x2: {  	[smem:$0x3F9B] =	sst lr;
	_ =	strace $0xD0000000  }
0x3: {  	_ = 	snop  }
0x4: {  	_ = 	snop  }
0x5: {  	_ = 	snop  }
0x6: {  	_ = 	snop  }
0x7: {  	_ = 	snop  }
__scs_overlays_trampoline_lowered:
0x8: {  	[smem:$0x3FAA] =	sst s0  }
0x9: {  	[smem:$0x3FAB] =	sst s1  }
0xa: {  	[smem:$0x3FAC] =	sst s2  }
0xb: {  	[smem:$0x3FAD] =	sst s3  }
0xc: {  	[smem:$0x3FAE] =	sst s4  }
0xd: {  	[smem:$0x3FAF] =	sst s5  }
0xe: {  	[smem:$0x3FB0] =	sst s6  }
0xf: {  	[smem:$0x3FB1] =	sst s7  }
0x10: {  	[smem:$0x3FB2] =	sst s8  }
0x11: {  	[smem:$0x3FB3] =	sst s9;
	s0 =	simm.s32 @!p0 $0x0  }
0x12: {  	s1 =	sld [smem:$0x3F99];
	s0 =	simm.s32 @p0 $0x1  }
0x13: {  	[smem:$0x3FB4] =	sst s0;
	s0 =	simm.s32 @!p1 $0x0  }
0x14: {  	s2 =	sld [smem:$0x3F98];
	s0 =	simm.s32 @p1 $0x1  }
0x15: {  	[smem:$0x3FB5] =	sst s0;
	s0 =	simm.s32 @!p2 $0x0  }
0x16: {  	s3 =	sld [smem:$0x3FDB];
	s0 =	simm.s32 @p2 $0x1  }
0x17: {  	s4 =	simm.s32 $0x1BF5;
	[smem:$0x3FB7] =	sst s0  }
0x18: {  	s0 =	sld [smem:$0x3F9A];
	_ =	swait.ge [sflag:s4], $0x0  }
0x19: {  	s7 =	sld [smem:$0x3F9B]  }
0x1a: {  	s8 =	sadd.s32 $0xFFFFE003, lr  }
0x1b: {  	s9 =	sadd.s32 $0xFFFFFEF7, lr;
	s5 =	simm.s32 $0xFFFFFFFF;
	p2 =	slt.u32 s8, $0xFFFFF086  }
0x1c: {  	p1 =	slt.u32 s9, $0xF7A;
	s5 =	simm.s32 @!p2 $0x0  }
0x1d: {  	s5 =	simm.s32 @p1 $0x1;
	p0 =	seq.s32 s7, s2  }
0x1e: {  	s7 =	smul.u32 @!p0 $0xF7A, s2;
	p2 =	seq.s32 @!p0 s5, $0x0  }
0x1f: {  	s9 =	smul.u32 $0xF7A, s1;
	s8 =	simm.s32 @!p0 $0x1BF5;
	p2 =	por !p2, p0  }
0x20: {  	[sflag:s8] =	ssyncset.s32 @!p0 $0xFFFFF086;
	s6 =	sadd.s32 @!p0 s3, s7;
	s7 =	simm.s32 @!p0 $0x108  }
0x21: {  	s3 =	sadd.s32 s3, s9;
	s6 =	sadd.s32 @!p0 $0x88, s6;
	s7 =	simm.s32 @p2 $0x1082  }
0x22: {  	[simem:s7], [sflag:s8] =	dma.local @!p0 [hbm:s6], $0xF7A  }
0x23: {  	s9 =	sor.u32 $0xD0000000, s2;
	s6 =	simm.s32 $0x108;
	_ =	swait.ge @!p0 [sflag:s8], $0x0  }
0x24: {  	s3 =	sadd.s32 $0x88, s3;
	s6 =	simm.s32 @!p1 $0x1082;
	[sflag:s4] =	ssyncset.s32 $0xFFFFF086  }
0x25: {  	[simem:s6], [sflag:s4] =	dma.local [hbm:s3], $0xF7A  }
0x26: {  	[smem:$0x3F9B] =	sst s1;
	(tag) =	ssettag s2;
	_ =	strace s9  }
0x27: {  	s1 =	sld [smem:$0x3FAB]  }
0x28: {  	s2 =	sld [smem:$0x3FAC]  }
0x29: {  	s4 =	sld [smem:$0x3FAE]  }
0x2a: {  	p0 =	seq.s32 s5, $0x0;
	s5 =	sld [smem:$0x3FAF]  }
0x2b: {  	s6 =	sld [smem:$0x3FB0]  }
0x2c: {  	s7 =	sld [smem:$0x3FB1]  }
0x2d: {  	s3 =	simm.s32 $0x108;
	s8 =	sld [smem:$0x3FB2]  }
0x2e: {  	s3 =	simm.s32 @!p0 $0x1082;
	s9 =	sld [smem:$0x3FB3]  }
0x2f: {  	lr =	sadd.s32 s0, s3;
	s0 =	sld [smem:$0x3FAA]  }
0x30: {  	s3 =	sld [smem:$0x3FAD]  }
0x31: {  	[smem:$0x3FB6] =	sst s10  }
0x32: {  	s10 =	sld [smem:$0x3FB4];
	_ =	sdelay $0x3  }
0x33: {  	p0 =	seq.s32 s10, $0x1;
	s10 =	sld [smem:$0x3FB6];
	_ =	sdelay $0x3  }
0x34: {  	[smem:$0x3FB6] =	sst s10  }
0x35: {  	s10 =	sld [smem:$0x3FB5];
	_ =	sdelay $0x3  }
0x36: {  	p1 =	seq.s32 s10, $0x1;
	s10 =	sld [smem:$0x3FB6];
	_ =	sdelay $0x3  }
0x37: {  	[smem:$0x3FB6] =	sst s10  }
0x38: {  	s10 =	sld [smem:$0x3FB7]  }
0x39: {  	_ = 	snop;
	(pc) =	sbr.ind lr, $3  }
0x3a: {  	_ = 	snop  }
0x3b: {  	_ = 	snop  }
0x3c: {  	p2 =	seq.s32 s10, $0x1;
	s10 =	sld [smem:$0x3FB6]  }
0x3d: {  	_ =	shalt  }
0x3e: {  	_ =	shalt  }
0x3f: {  	_ =	shalt  }
0x40: {  	_ =	shalt  }
0x41: {  	_ =	shalt  }
0x42: {  	_ =	shalt  }
0x43: {  	_ =	shalt  }
0x44: {  	_ =	shalt  }
0x45: {  	_ =	shalt  }
0x46: {  	_ =	shalt  }
0x47: {  	_ =	shalt  }
0x48: {  	_ =	shalt  }
0x49: {  	_ =	shalt  }
0x4a: {  	_ =	shalt  }
0x4b: {  	_ =	shalt  }
0x4c: {  	_ =	shalt  }
0x4d: {  	_ =	shalt  }
0x4e: {  	_ =	shalt  }
0x4f: {  	_ =	shalt  }
0x50: {  	_ =	shalt  }
0x51: {  	_ =	shalt  }
0x52: {  	_ =	shalt  }
0x53: {  	_ =	shalt  }
0x54: {  	_ =	shalt  }
0x55: {  	_ =	shalt  }
0x56: {  	_ =	shalt  }
0x57: {  	_ =	shalt  }
0x58: {  	_ =	shalt  }
0x59: {  	_ =	shalt  }
0x5a: {  	_ =	shalt  }
0x5b: {  	_ =	shalt  }
0x5c: {  	_ =	shalt  }
0x5d: {  	_ =	shalt  }
0x5e: {  	_ =	shalt  }
0x5f: {  	_ =	shalt  }
0x60: {  	_ =	shalt  }
0x61: {  	_ =	shalt  }
0x62: {  	_ =	shalt  }
0x63: {  	_ =	shalt  }
0x64: {  	_ =	shalt  }
0x65: {  	_ =	shalt  }
0x66: {  	_ =	shalt  }
0x67: {  	_ =	shalt  }
0x68: {  	_ =	shalt  }
0x69: {  	_ =	shalt  }
0x6a: {  	_ =	shalt  }
0x6b: {  	_ =	shalt  }
0x6c: {  	_ =	shalt  }
0x6d: {  	_ =	shalt  }
0x6e: {  	_ =	shalt  }
0x6f: {  	_ =	shalt  }
0x70: {  	_ =	shalt  }
0x71: {  	_ =	shalt  }
0x72: {  	_ =	shalt  }
0x73: {  	_ =	shalt  }
0x74: {  	_ =	shalt  }
0x75: {  	_ =	shalt  }
0x76: {  	_ =	shalt  }
0x77: {  	_ =	shalt  }
0x78: {  	_ =	shalt  }
0x79: {  	_ =	shalt  }
0x7a: {  	_ =	shalt  }
0x7b: {  	_ =	shalt  }
0x7c: {  	_ =	shalt  }
0x7d: {  	_ =	shalt  }
0x7e: {  	_ =	shalt  }
0x7f: {  	_ =	shalt  }
0x80: {  	_ =	shalt  }
0x81: {  	_ =	shalt  }
0x82: {  	_ =	shalt  }
0x83: {  	_ =	shalt  }
0x84: {  	_ =	shalt  }
0x85: {  	_ =	shalt  }
0x86: {  	_ =	shalt  }
0x87: {  	_ =	shalt  }
.Lfunc_end0:
.L_simem_size_0:
called_computation_lowered:
.L_overlay_start_0:
0x88: {  	s2 =	sld [smem:$0x3FD9]  }
0x89: {  	s3 =	sld [smem:$0x3FFE];
	_ =	sdelay $0x1  }
0x8a: {  	s1 =	srdreg.scid  }
0x8b: {  	s0 =	sand.u32 $0x1, s1  }
0x8c: {  	s14 =	sshll.u32 s0, $0xA;
	s2 =	sadd.s32 s3, s2  }
0x8d: {  	s2 =	sadd.s32 s2, s14  }
0x8e: {  	[smem:$0x3FC2] =	sst s2  }
0x8f: {  	_ = 	snop  }
0x90: {  	s2 =	sld [smem:$0x3FD0];
	_ =	sdelay $0x1  }
0x91: {  	s15 =	sld [smem:$0x3FC5]  }
0x92: {  	s5 =	simm.s32 $0xA;
	s6 =	simm.s32 $0x10;
	s4 =	sld [smem:$0x3FC4]  }
0x93: {  	[smem:s6], [sflag:s5] =	dma.local [hbm:s2], $0x1  }
0x94: {  	_ =	swait.eq [sflag:s5], $0x1  }
0x95: {  	[sflag:s5] =	ssyncset.done $0x0  }
0x96: {  	[sflag:s5] =	ssyncadd.s32 $0xFFFFFFFF  }
0x97: {  	s16 =	sld [smem:$0x11];
	(tm) =	ssettm $0x1  }
0x98: {  	s17 =	sld [smem:$0x3FFB];
	_ =	sdelay $0x3  }
0x99: {  	_ =	strace s17  }
0x9a: {  	s5 =	sld [smem:$0x3FFC];
	_ =	sdelay $0x3  }
0x9b: {  	_ =	strace s5  }
0x9c: {  	s5 =	sld [smem:$0x3FFD];
	_ =	sdelay $0x3  }
0x9d: {  	_ =	strace s5  }
0x9e: {  	_ =	strace $0x8FFFFFFF  }
0x9f: {  	s18 =	sld [smem:$0x3FDB];
	_ =	sdelay $0x1  }
0xa0: {  	s19 =	simm.s32 $_scs_section_size  }
0xa1: {  	s7 =	simm.s32 $_size__tile_overlayer_lowered;
	s8 =	simm.s32 $_tile_overlayer_lowered  }
0xa2: {  	s22 =	simm.s32 $0x1BFF;
	s21 =	sshll.u32 s8, $0x1;
	s5 =	sadd.s32 s19, s18  }
0xa3: {  	s9 =	simm.s32 $0x0;
	s20 =	sshll.u32 s7, $0x1;
	s7 =	sadd.s32 s21, s5  }
0xa4: {  	[timem:s9], [sflag:s22] =	dma.local [hbm:s7], s20  }
0xa5: {  	_ =	swait.ge [sflag:s22], s20  }
0xa6: {  	s6 =	ssub.s32 $0x0, s20;
	[sflag:s22] =	ssyncset.done $0x0  }
0xa7: {  	[sflag:s22] =	ssyncadd.s32 s6;
	_ =	sdelay $0x1  }
0xa8: {  	s23 =	simm.s32 $0x1B8B  }
0xa9: {  	_ =	swait.ge [sflag:s23], $0x1  }
0xaa: {  	[sflag:s23] =	ssyncset.done $0x0  }
0xab: {  	s25 =	simm.s32 $0x1B8E;
	s24 =	sld [smem:$0x3FFE];
	[sflag:s23] =	ssyncadd.s32 $0xFFFFFFFF  }
0xac: {  	s26 =	simm.s32 $execute0_lowered;
	[smem:$0x3FD2] =	sst s25  }
0xad: {  	s7 =	sshll.u32 s26, $0x1;
	_ =	strace $0x80000046;
	[dreg:$0x1] =	wrdreg $0xFFFFFFFF  }
0xae: {  	s28 =	simm.s32 $_size_execute0_lowered;
	s5 =	sadd.s32 s5, s7;
	[dreg:$0x0] =	wrdreg $0x0  }
0xaf: {  	s7 =	sshll.u32 s28, $0x1;
	[dreg:$0x2] =	wrdreg s5  }
0xb0: {  	[dreg:$0x3] =	wrdreg s7  }
0xb1: {  	[dreg:$0x4] =	wrdreg $0xC0  }
0xb2: {  	_ =	task [dreg:s9], $0x5FFFF  }
0xb3: {  	[dreg:$0x1] =	wrdreg $0xFFFFFFFF  }
0xb4: {  	[dreg:$0x0] =	wrdreg $0x60  }
0xb5: {  	[dreg:$0x2] =	wrdreg s16  }
0xb6: {  	[dreg:$0x3] =	wrdreg s24  }
0xb7: {  	[dreg:$0x4] =	wrdreg s15  }
0xb8: {  	[dreg:$0x5] =	wrdreg s4  }
0xb9: {  	[dreg:$0x6] =	wrdreg $0x9  }
0xba: {  	_ =	task.clear_ibuf [dreg:s9], $0x7FFFF;
	_ =	strace $0x90000046  }
0xbb: {  	s29 =	simm.s32 $0x9;
	_ =	strace $0x80000048  }
0xbc: {  	_ =	swait.ge [sflag:s29], $0x1  }
0xbd: {  	[sflag:s29] =	ssyncadd.s32 $0xFFFFFFFF  }
0xbe: {  	_ =	strace $0x90000048  }
0xbf: {  	_ =	sfence  }
0xc0: {  	s30 =	sld [smem:$0x0];
	_ =	sdelay $0x2  }
0xc1: {  	s31 =	sshll.u32 s1, $0xD;
	s1 =	sshrl.u32 s1, $0x2  }
0xc2: {  	s3 =	sand.u32 $0x4000, s31;
	s1 =	sadd.s32 s1, s30  }
0xc3: {  	s0 =	sor.u32 s3, s0;
	s1 =	sshll.u32 s1, $0x11  }
0xc4: {  	s0 =	sor.u32 s1, s0  }
0xc5: {  	s0 =	sadd.s32 $0x8F2B, s0  }
0xc6: {  	[sflag:s0] =	ssyncadd.remote.s32 $0x1  }
0xc7: {  	_ =	sfence.sel $0xFFFF  }
0xc8: {  	[dreg:$0x0] =	wrdreg $0xFFFFFFFF;
	(pc) =	sbr.abs _section_cstart, $3  }
0xc9: {  	[dreg:$0x1] =	wrdreg $0xFFFFFFFF  }
0xca: {  	_ =	task.clear_ibuf [dreg:s9], $0x2FFFF;
	_ =	strace $0x9FFFFFFF  }
0xcb: {  	(tm) =	ssettm $0x7FFFFFFF  }
tec
execute0_lowered:
.L_overlay_start_1:
0x0: {  	(tag) =	ssettag $0x1  }
0x1: {  	s1 =	rddreg [dreg:$0x0]  }
0x2: {  	s0 =	rddreg [dreg:$0x1]  }
0x3: {  	s3 =	rddreg [dreg:$0x2]  }
0x4: {  	s4 =	rddreg [dreg:$0x3];
	s2 =	srdreg.scid  }
0x5: {  	s6 =	stileid.u32;
	s5 =	simm.s32 $0x0;
	s19 =	simm.s32 $0x78  }
0x6: {  	s20 =	simm.s32 $0x168;
	s28 =	simm.s32 $0x1FE0;
	s29 =	simm.s32 $0x5BE0  }
0x7: {  	s30 =	simm.s32 $0x97E0;
	s31 =	simm.s32 $0xB5E0;
	s2 =	sand.u32 $0x1, s2  }
0x8: {  	s6 =	sshll.u32 s6, $0x1;
	[smem:$0x7FF] =	sst s5;
	s7 =	sadd.s32 $0x1000, s0  }
0x9: {  	s8 =	sadd.s32 $0x1E800, s0;
	s9 =	sor.u32 s2, s6;
	s2 =	ssub.s32 $0x2, s2  }
0xa: {  	_ =	strace $0x80000047;
	s10 =	smul.u32 $0x3C0, s9;
	s11 =	sshrl.u32 s2, $0x1  }
0xb: {  	s6 =	sadd.s32 $0x14A00, s0;
	s12 =	smul.u32 $0x1E00, s9;
	s21 =	ssub.s32 s2, s11  }
0xc: {  	s11 =	sshll.u32 s9, $0x3;
	s22 =	sshrl.u32 s10, $0x3;
	s10 =	sadd.s32 $0x78, s10  }
0xd: {  	s26 =	sadd.s32 s1, s12;
	s15 =	sor.u32 $0x2, s11;
	s16 =	sor.u32 $0x3, s11  }
0xe: {  	s0 =	smax.u32 s21, $0x1;
	s23 =	sadd.s32 s3, s22;
	[dreg:$0x9] =	wrdreg s26  }
0xf: {  	s2 =	sadd.s32 s4, s22;
	s24 =	sshrl.u32 s10, $0x3;
	[dreg:$0xa] =	wrdreg s0  }
0x10: {  	s26 =	simm.s32 $0x2;
	s0 =	simm.s32 $0x4;
	[dreg:$0x5] =	wrdreg s23  }
0x11: {  	s10 =	simm.s32 $0x0;
	[dreg:$0x6] =	wrdreg s2;
	s25 =	sadd.s32 s3, s24  }
0x12: {  	s2 =	sadd.s32 s4, s24;
	s23 =	simm.s32 $0x6;
	[dreg:$0x7] =	wrdreg s25  }
0x13: {  	[dreg:$0x8] =	wrdreg s2;
	s25 =	simm.s32 $0x3;
	s2 =	simm.s32 $0xD3E0  }
.LBB2_1:
0x14: {  	[dreg:$0xb] =	wrdreg s10  }
0x15: {  	s9 =	rddreg [dreg:$0x5]  }
0x16: {  	[tilespmem:s5], [sflag:$0x1] =	stream.linear.gather [hbm4b:s9+s5], $0x78, $0x38;
	[tilespmem:$0xF1E0] =	vst v63  }
0x17: {  	s10 =	rddreg [dreg:$0x6];
	s12 =	simm.s32 $0xF0  }
0x18: {  	[tilespmem:s12], [sflag:$0x1] =	stream.linear.gather [hbm4b:s10+s5], $0x78, $0x38;
	[tilespmem:$0xF1E0] =	vst v63  }
0x19: {  	s13 =	rddreg [dreg:$0x7]  }
0x1a: {  	[tilespmem:s19], [sflag:$0x2] =	stream.linear.gather [hbm4b:s13+s5], $0x78, $0x38;
	[tilespmem:$0xF1E0] =	vst v63  }
0x1b: {  	s14 =	rddreg [dreg:$0x8];
	s17 =	simm.s32 $0x1  }
0x1c: {  	[tilespmem:s20], [sflag:$0x2] =	stream.linear.gather [hbm4b:s14+s5], $0x78, $0x38;
	[tilespmem:$0xF1E0] =	vst v63  }
0x1d: {  	_ =	swait.ge [sflag:s17], $0x78  }
0x1e: {  	[sflag:s17] =	ssyncset.done $0x0  }
0x1f: {  	[sflag:s17] =	ssyncadd.s32 $0xFFFFFF88  }
0x20: {  	_ =	swait.ge [sflag:s17], $0x78  }
0x21: {  	[sflag:s17] =	ssyncset.done $0x0  }
0x22: {  	s18 =	simm.s32 $0x1E0;
	[sflag:s17] =	ssyncadd.s32 $0xFFFFFF88  }
0x23: {  	[tilespmem:s18], [sflag:$0x3] =	stream.indirect.gather [hbm4b:s6+s19], $0x40, s5, s19, $0xb8;
	[tilespmem:$0xF1E0] =	vst v63  }
0x24: {  	s21 =	simm.s32 $0x3DE0  }
0x25: {  	[tilespmem:s21], [sflag:$0x3] =	stream.indirect.gather [hbm4b:s7+s19], $0x40, s12, s19, $0xb8;
	[tilespmem:$0xF1E0] =	vst v63  }
0x26: {  	s24 =	simm.s32 $0x79E0;
	s22 =	rddreg [dreg:$0x9];
	s18 =	simm.s32 $0x0  }
0x27: {  	[tilespmem:s24], [sflag:$0x3] =	stream.linear.gather [hbm4b:s22+s5], $0x1E00, $0x38;
	[tilespmem:$0xF1E0] =	vst v63  }
.LBB2_2:
0x28: {  	_ =	swait.ge [sflag:s25], $0x1E00  }
0x29: {  	[sflag:s25] =	ssyncset.done $0x0  }
0x2a: {  	s12 =	sshll.u32 s18, $0x1;
	p0 =	seq.s32 s18, $0x3;
	[sflag:s25] =	ssyncadd.s32 $0xFFFFE200  }
0x2b: {  	s9 =	sadd.s32 @!p0 s12, s15;
	_ =	swait.ge [sflag:s25], $0x1E00  }
0x2c: {  	s9 =	smul.u32 @!p0 $0x78, s9;
	[sflag:s25] =	ssyncset.done $0x0  }
0x2d: {  	[sflag:s25] =	ssyncadd.s32 $0xFFFFE200  }
0x2e: {  	s10 =	smin.u32 @!p0 s9, $0x74B8;
	_ =	swait.ge [sflag:s25], $0x1E00  }
0x2f: {  	s9 =	sshrl.u32 @!p0 s10, $0x3;
	[sflag:s25] =	ssyncset.done $0x0  }
0x30: {  	s14 =	simm.s32 @!p0 $0x0;
	s13 =	sadd.s32 @!p0 s3, s9;
	[sflag:s25] =	ssyncadd.s32 $0xFFFFE200  }
0x31: {  	[tilespmem:s14], [sflag:$0x1] =	stream.linear.gather @!p0 [hbm4b:s13+s14], $0x78, $0x38;
	[tilespmem:$0xF1E0] =	vst v63  }
0x32: {  	s9 =	sadd.s32 @!p0 s4, s9;
	s13 =	simm.s32 @!p0 $0xF0  }
0x33: {  	[tilespmem:s13], [sflag:$0x1] =	stream.linear.gather @!p0 [hbm4b:s9+s14], $0x78, $0x38;
	[tilespmem:$0xF1E0] =	vst v63  }
0x34: {  	_ =	swait.ge [sflag:s26], $0x78  }
0x35: {  	s17 =	sshllo.u32 s18, $0x1;
	[sflag:s26] =	ssyncset.done $0x0  }
0x36: {  	s9 =	sadd.s32 s11, s17;
	[sflag:s26] =	ssyncadd.s32 $0xFFFFFF88  }
0x37: {  	s9 =	smul.u32 $0x78, s9;
	_ =	swait.ge [sflag:s26], $0x78  }
0x38: {  	[sflag:s26] =	ssyncset.done $0x0  }
0x39: {  	s9 =	smin.u32 s9, $0x74B8;
	[sflag:s26] =	ssyncadd.s32 $0xFFFFFF88  }
0x3a: {  	[tilespmem:s28], [sflag:$0x4] =	stream.indirect.gather [hbm4b:s6+s19], $0x40, s19, s19, $0xb8;
	[tilespmem:$0xF1E0] =	vst v63  }
0x3b: {  	p1 =	seq.s32 s18, $0x0;
	s9 =	sshll.u32 s9, $0x3  }
0x3c: {  	[tilespmem:s29], [sflag:$0x4] =	stream.indirect.gather [hbm4b:s7+s19], $0x40, s20, s19, $0xb8;
	[tilespmem:$0xF1E0] =	vst v63  }
0x3d: {  	s13 =	simm.s32 @!p1 $0x5;
	s21 =	sadd.s32 s1, s9  }
0x3e: {  	[tilespmem:s30], [sflag:$0x4] =	stream.linear.gather [hbm4b:s21+s5], $0x1E00, $0x38;
	[tilespmem:$0xF1E0] =	vst v63  }
0x3f: {  	_ =	swait.ge @!p1 [sflag:s13], $0x1E00  }
0x40: {  	[sflag:s13] =	ssyncset.done @!p1 $0x0  }
0x41: {  	s17 =	simm.s32 $0x7AE0;
	[sflag:s13] =	ssyncadd.s32 @!p1 $0xFFFFE200  }
0x42: {  	s22 =	simm.s32 $0x2E0;
	v0 =	vld [tilespmem:s17+$0xC0]  }
0x43: {  	v1 =	vld [tilespmem:s22+$0xF0]  }
0x44: {  	s24 =	simm.s32 $0x3EE0;
	v2 =	vld [tilespmem:s22+$0xC0]  }
0x45: {  	v3 =	vld [tilespmem:s24+$0xC0]  }
0x46: {  	v4 =	vld [tilespmem:s22+$0xD0]  }
0x47: {  	v5 =	vld [tilespmem:s24+$0xD0]  }
0x48: {  	v6 =	vld [tilespmem:s22+$0xE0]  }
0x49: {  	v7 =	vld [tilespmem:s24+$0xE0]  }
0x4a: {  	v8 =	vld [tilespmem:s24+$0xF0]  }
0x4b: {  	v9 =	vld [tilespmem:s17+$0xD0]  }
0x4c: {  	v10 =	vld [tilespmem:s22+$0xFFFFFF00]  }
0x4d: {  	v11 =	vld [tilespmem:s17+$0xE0]  }
0x4e: {  	v12 =	vld [tilespmem:s24+$0xFFFFFF00]  }
0x4f: {  	v13 =	vld [tilespmem:s17+$0xF0]  }
0x50: {  	v14 =	vld [tilespmem:s22+$0xFFFFFF10]  }
0x51: {  	v15 =	vld [tilespmem:s24+$0xFFFFFF10]  }
0x52: {  	v20 =	vld [tilespmem:s22+$0xFFFFFF40]  }
0x53: {  	v21 =	vld [tilespmem:s24+$0xFFFFFF40]  }
0x54: {  	v22 =	vld [tilespmem:s22+$0xFFFFFF50]  }
0x55: {  	v23 =	vld [tilespmem:s24+$0xFFFFFF50]  }
0x56: {  	v24 =	vld [tilespmem:s22+$0xFFFFFF80]  }
0x57: {  	v25 =	vld [tilespmem:s24+$0xFFFFFF80]  }
0x58: {  	v26 =	vld [tilespmem:s22+$0xFFFFFF90]  }
0x59: {  	v27 =	vld [tilespmem:s24+$0xFFFFFF90]  }
0x5a: {  	v28 =	vld [tilespmem:s22+$0xFFFFFFC0]  }
0x5b: {  	v29 =	vld [tilespmem:s24+$0xFFFFFFC0]  }
0x5c: {  	v30 =	vld [tilespmem:s22+$0xFFFFFFD0]  }
0x5d: {  	v31 =	vld [tilespmem:s24+$0xFFFFFFD0]  }
0x5e: {  	v32 =	vld [tilespmem:s22+$0x0]  }
0x5f: {  	v33 =	vld [tilespmem:s24+$0x0]  }
0x60: {  	v34 =	vld [tilespmem:s22+$0x10]  }
0x61: {  	v35 =	vld [tilespmem:s24+$0x10]  }
0x62: {  	v36 =	vld [tilespmem:s22+$0x40]  }
0x63: {  	v37 =	vld [tilespmem:s24+$0x40]  }
0x64: {  	v38 =	vld [tilespmem:s22+$0x50]  }
0x65: {  	v39 =	vld [tilespmem:s24+$0x50]  }
0x66: {  	v40 =	vld [tilespmem:s22+$0x80]  }
0x67: {  	v41 =	vld [tilespmem:s24+$0x80]  }
0x68: {  	v42 =	vld [tilespmem:s22+$0x90]  }
0x69: {  	v43 =	vld [tilespmem:s24+$0x90];
	v6 =	vadd.f32 v7, v6  }
0x6a: {  	v2 =	vadd.f32 v3, v2;
	v3 =	vadd.f32 v5, v4;
	v4 =	vld [tilespmem:s22+$0xFFFFFF20]  }
0x6b: {  	v5 =	vld [tilespmem:s24+$0xFFFFFF20];
	v56 =	vmul.f32 $5.000000000e-01, v6  }
0x6c: {  	v7 =	vld [tilespmem:s22+$0xFFFFFF60];
	v2 =	vmul.f32 $5.000000000e-01, v2  }
0x6d: {  	v1 =	vadd.f32 v8, v1;
	v8 =	vld [tilespmem:s24+$0xFFFFFF60];
	v3 =	vmul.f32 $5.000000000e-01, v3;
	v16 =	vadd.f32 v56, v11  }
0x6e: {  	v18 =	vadd.f32 v2, v0;
	v2 =	vld [tilespmem:s22+$0xFFFFFFA0]  }
0x6f: {  	v17 =	vadd.f32 v3, v9;
	v3 =	vld [tilespmem:s24+$0xFFFFFFA0];
	[tilespmem:$0x1FE10] =	vst v16  }
0x70: {  	v1 =	vmul.f32 $5.000000000e-01, v1;
	v9 =	vld [tilespmem:s22+$0xFFFFFFE0]  }
0x71: {  	v11 =	vld [tilespmem:s24+$0xFFFFFFE0]  }
0x72: {  	v19 =	vadd.f32 v1, v13;
	v13 =	vld [tilespmem:s24+$0x20]  }
0x73: {  	v44 =	vld [tilespmem:s22+$0x60]  }
0x74: {  	v45 =	vld [tilespmem:s24+$0x60]  }
0x75: {  	v60 =	vld [tilespmem:s22+$0xA0]  }
0x76: {  	v46 =	vld [tilespmem:s24+$0xA0]  }
0x77: {  	v61 =	vld [tilespmem:s17+$0xFFFFFF10]  }
0x78: {  	v57 =	vmul.f32 v18, v18;
	v6 =	vmul.f32 v17, v17;
	v47 =	vld [tilespmem:s22+$0xFFFFFF30]  }
0x79: {  	v48 =	vld [tilespmem:s24+$0xFFFFFF30]  }
0x7a: {  	v58 =	vmul.f32 v16, v16;
	v49 =	vld [tilespmem:s17+$0xFFFFFF40];
	v0 =	vadd.f32 v6, v57  }
0x7b: {  	v50 =	vld [tilespmem:s17+$0xFFFFFF50]  }
0x7c: {  	v59 =	vmul.f32 v19, v19;
	v51 =	vld [tilespmem:s22+$0xFFFFFF70];
	v0 =	vadd.f32 v58, v0  }
0x7d: {  	v52 =	vld [tilespmem:s24+$0xFFFFFF70]  }
0x7e: {  	v10 =	vadd.f32 v12, v10;
	v12 =	vld [tilespmem:s17+$0xFFFFFF80];
	v0 =	vadd.f32 v59, v0  }
0x7f: {  	v14 =	vadd.f32 v15, v14;
	v15 =	vld [tilespmem:s17+$0xFFFFFF90]  }
0x80: {  	v53 =	vld [tilespmem:s22+$0xFFFFFFB0];
	(xrf2) =	vadd.scan.msk.f32 $0xffff, v0  }
0x81: {  	v54 =	vld [tilespmem:s24+$0xFFFFFFB0]  }
0x82: {  	v55 =	vld [tilespmem:s17+$0xFFFFFFC0]  }
0x83: {  	v56 =	vld [tilespmem:s17+$0xFFFFFFD0]  }
0x84: {  	v63 =	vadd.f32 v39, v38;
	v38 =	vld [tilespmem:s24+$0x30]  }
0x85: {  	v20 =	vadd.f32 v21, v20;
	v6 =	vld [tilespmem:s22+$0x20]  }
0x86: {  	v21 =	vadd.f32 v23, v22;
	v22 =	vadd.f32 v25, v24;
	v39 =	vld [tilespmem:s17+$0x40]  }
0x87: {  	v25 =	vadd.f32 v29, v28;
	v4 =	vadd.f32 v5, v4;
	v5 =	vld [tilespmem:s17+$0x50]  }
0x88: {  	v62 =	vadd.f32 v37, v36;
	v7 =	vadd.f32 v8, v7;
	v8 =	vld [tilespmem:s22+$0x70]  }
0x89: {  	v14 =	vmul.f32 $5.000000000e-01, v14;
	v24 =	vmul.f32 $5.000000000e-01, v20;
	v57 =	vld [tilespmem:s22+$0xFFFFFFF0];
	v2 =	vadd.f32 v3, v2  }
0x8a: {  	v22 =	vmul.f32 $5.000000000e-01, v22;
	v3 =	vadd.f32 v11, v9;
	v9 =	vld [tilespmem:s24+$0x70];
	v59 =	vadd.f32 v13, v6;
	v23, _, _ =	vpop (xrf2)  }
0x8b: {  	v13 =	vld [tilespmem:s17+$0x90];
	v20 =	vbroadcast v23, $0xF;
	v23 =	vmul.f32 $5.000000000e-01, v21;
	v21 =	vadd.f32 v27, v26  }
0x8c: {  	v6 =	vmul.f32 $5.000000000e-01, v3;
	v3 =	vadd.f32 v45, v44;
	v27 =	vadd.f32 v35, v34;
	v35 =	vld [tilespmem:s22+$0x30]  }
0x8d: {  	v1 =	vadd.f32 v46, v60;
	v28 =	vmul.f32 $5.000000000e-01, v21;
	v21 =	vadd.f32 v31, v30;
	v30 =	vld [tilespmem:s24+$0xFFFFFFF0]  }
0x8e: {  	v16 =	vadd.f32 v14, v61;
	v60 =	vadd.f32 v24, v49;
	v44 =	vmul.f32 $5.000000000e-01, v3;
	v31 =	vld [tilespmem:s17+$0x0]  }
0x8f: {  	v37 =	vmul.f32 $5.000000000e-01, v27;
	v27 =	vadd.f32 v43, v42;
	v42 =	vmul.f32 $5.000000000e-01, v4;
	v4 =	vld [tilespmem:s17+$0x80]  }
0x90: {  	v3 =	vadd.f32 v23, v50;
	v58 =	vmul.f32 $5.000000000e-01, v21;
	v21 =	vadd.f32 v33, v32;
	v32 =	vld [tilespmem:s17+$0x10];
	[tilespmem:$0x1FE70] =	vst v16  }
0x91: {  	v29 =	vmul.f32 $5.000000000e-01, v25;
	[tilespmem:$0x1FEA0] =	vst v60  }
0x92: {  	v61 =	vadd.f32 v48, v47;
	v47 =	vmul.f32 v16, v16;
	v16 =	vadd.f32 v22, v12;
	v14 =	vld [tilespmem:s22+$0xB0];
	[tilespmem:$0x1FEB0] =	vst v3  }
0x93: {  	v23 =	vadd.f32 v28, v15;
	v46 =	vld [tilespmem:s24+$0xB0]  }
0x94: {  	v10 =	vmul.f32 $5.000000000e-01, v10;
	v34 =	vmul.f32 $5.000000000e-01, v63;
	v63 =	vadd.f32 v29, v55;
	v48 =	vld [tilespmem:s17+$0xFFFFFF00];
	[tilespmem:$0x1FF00] =	vst v16  }
0x95: {  	v7 =	vmul.f32 $5.000000000e-01, v7;
	v11 =	vmul.f32 $5.000000000e-01, v2;
	v58 =	vadd.f32 v58, v56;
	v12 =	vld [tilespmem:s17+$0xFFFFFF20];
	[tilespmem:$0x1FF10] =	vst v23  }
0x96: {  	v33 =	vmul.f32 $5.000000000e-01, v62;
	v62 =	vmul.f32 v60, v60;
	[tilespmem:$0x1FFD0] =	vst v63  }
0x97: {  	v2 =	vadd.f32 v52, v51;
	v3 =	vmul.f32 v3, v3;
	v36 =	vmul.f32 $5.000000000e-01, v21;
	v15 =	vld [tilespmem:s17+$0xFFFFFF60];
	[tilespmem:$0x1FFE0] =	vst v58  }
0x98: {  	v51 =	vadd.f32 v54, v53;
	v8 =	vadd.f32 v9, v8;
	v26 =	vshra.s32 v20, $0x1;
	v50 =	vld [tilespmem:s17+$0xFFFFFFA0]  }
0x99: {  	v20 =	vmul.f32 $5.000000000e-01, v20;
	v49 =	vadd.f32 v3, v62;
	v62 =	vadd.f32 v36, v31;
	v54 =	vld [tilespmem:s17+$0xFFFFFFE0]  }
0x9a: {  	v43 =	vmul.f32 $5.000000000e-01, v59;
	v60 =	vmul.f32 v63, v63;
	v63 =	vadd.f32 v37, v32;
	v31 =	vld [tilespmem:s17+$0x20]  }
0x9b: {  	v26 =	vsub.s32 $0x5F3759DF, v26;
	v22 =	vmul.f32 $5.000000000e-01, v61;
	v61 =	vmul.f32 v58, v58;
	v56 =	vld [tilespmem:s17+$0x60];
	[tilespmem:$0x1FD90] =	vst v62  }
0x9c: {  	v21 =	vadd.f32 v41, v40;
	v59 =	vmul.f32 v23, v23;
	v3 =	vmul.f32 v16, v16;
	[tilespmem:$0x1FDA0] =	vst v63  }
0x9d: {  	v53 =	vadd.f32 v61, v60;
	v60 =	vmul.f32 v62, v62;
	v62 =	vadd.f32 v33, v39;
	v55 =	vld [tilespmem:s17+$0xA0]  }
0x9e: {  	v40 =	vmul.f32 $5.000000000e-01, v21;
	v61 =	vmul.f32 v63, v63;
	v63 =	vadd.f32 v34, v5;
	v33 =	vld [tilespmem:s17+$0xFFFFFF30]  }
0x9f: {  	v41 =	vmul.f32 $5.000000000e-01, v27;
	v30 =	vadd.f32 v30, v57;
	v36 =	vadd.f32 v10, v48;
	v58 =	vld [tilespmem:s17+$0xFFFFFF70];
	[tilespmem:$0x1FDB0] =	vst v62  }
0xa0: {  	v25 =	vmul.f32 v26, v20;
	v52 =	vadd.f32 v59, v3;
	v32 =	vadd.f32 v40, v4;
	[tilespmem:$0x1FDC0] =	vst v63  }
0xa1: {  	v37 =	vmul.f32 $5.000000000e-01, v2;
	v5 =	vadd.f32 v38, v35;
	v35 =	vadd.f32 v41, v13;
	v59 =	vld [tilespmem:s17+$0xFFFFFFB0];
	[tilespmem:$0x1FE60] =	vst v36  }
0xa2: {  	v39 =	vmul.f32 $5.000000000e-01, v30;
	v48 =	vmul.f32 $5.000000000e-01, v8;
	v38 =	vadd.f32 v42, v12;
	v10 =	vld [tilespmem:s17+$0xFFFFFFF0];
	[tilespmem:$0x1FDD0] =	vst v32  }
0xa3: {  	v30 =	vmul.f32 v62, v62;
	v34 =	vmul.f32 v63, v63;
	v40 =	vadd.f32 v7, v15;
	v41 =	vld [tilespmem:s17+$0x30];
	[tilespmem:$0x1FDE0] =	vst v35  }
0xa4: {  	v8 =	vadd.f32 v46, v14;
	v13 =	vmul.f32 v32, v32;
	v12 =	vmul.f32 v36, v36;
	[tilespmem:$0x1FE80] =	vst v38  }
0xa5: {  	s24 =	simm.s32 $0x7CE0;
	v50 =	vadd.f32 v11, v50;
	v9 =	vadd.f32 v34, v30;
	v30 =	vmul.f32 v35, v35;
	v42 =	vld [tilespmem:s17+$0x70];
	[tilespmem:$0x1FEC0] =	vst v40  }
0xa6: {  	s13 =	simm.s32 $0x4E0;
	v57 =	vadd.f32 v61, v60;
	v60 =	vmul.f32 $5.000000000e-01, v5;
	v5 =	vadd.f32 v6, v54;
	v14 =	vld [tilespmem:s24+$0xC0]  }
0xa7: {  	v7 =	vmul.f32 v38, v38;
	v12 =	vadd.f32 v47, v12;
	v46 =	vadd.f32 v30, v13;
	v13 =	vld [tilespmem:s13+$0xF0];
	[tilespmem:$0x1FF30] =	vst v50  }
0xa8: {  	s14 =	simm.s32 $0x40E0;
	v15 =	vadd.f32 v43, v31;
	v11 =	vmul.f32 v40, v40;
	v61 =	vadd.f32 v22, v33;
	v6 =	vld [tilespmem:s13+$0xC0]  }
0xa9: {  	v45 =	vmul.f32 $5.000000000e-01, v1;
	v31 =	vadd.f32 v7, v12;
	v63 =	vadd.f32 v37, v58;
	v43 =	vld [tilespmem:s14+$0xC0]  }
0xaa: {  	v25 =	vmul.f32 v26, v25;
	v12 =	vadd.f32 v44, v56;
	v44 =	vadd.f32 v11, v49;
	v49 =	vld [tilespmem:s13+$0xD0];
	[tilespmem:$0x1FE90] =	vst v61  }
0xab: {  	v51 =	vmul.f32 $5.000000000e-01, v51;
	v7 =	vmul.f32 v50, v50;
	v56 =	vadd.f32 v45, v55;
	v22 =	vld [tilespmem:s14+$0xD0];
	[tilespmem:$0x1FED0] =	vst v63  }
0xac: {  	v25 =	vsub.f32 $1.500000000e+00, v25;
	v47 =	vmul.f32 $5.000000000e-01, v8;
	v8 =	vmul.f32 v5, v5;
	v50 =	vld [tilespmem:s13+$0xE0]  }
0xad: {  	v45 =	vadd.f32 v7, v52;
	v58 =	vmul.f32 v12, v12;
	v7 =	vadd.f32 v51, v59;
	v51 =	vld [tilespmem:s14+$0xE0];
	[tilespmem:$0x1FDF0] =	vst v56  }
0xae: {  	v21 =	vmul.f32 v26, v25;
	v4 =	vadd.f32 v39, v10;
	v10 =	vld [tilespmem:s14+$0xF0]  }
0xaf: {  	v62 =	vmul.f32 v15, v15;
	v53 =	vadd.f32 v8, v53;
	v52 =	vadd.f32 v58, v9;
	v9 =	vld [tilespmem:s24+$0xD0]  }
0xb0: {  	v59 =	vmul.f32 v61, v61;
	v61 =	vmul.f32 v63, v63;
	v8 =	vadd.f32 v60, v41;
	v60 =	vld [tilespmem:s17+$0xB0]  }
0xb1: {  	v20 =	vmul.f32 v21, v20;
	v33 =	vadd.f32 v62, v57;
	v54 =	vmul.f32 v56, v56;
	v63 =	vld [tilespmem:s24+$0xE0]  }
0xb2: {  	v62 =	vmul.f32 v7, v7;
	v31 =	vadd.f32 v59, v31;
	v44 =	vadd.f32 v61, v44;
	v56 =	vld [tilespmem:s13+$0xFFFFFF00]  }
0xb3: {  	v20 =	vmul.f32 v20, v21;
	v35 =	vld [tilespmem:s24+$0xF0];
	v43 =	vadd.f32 v43, v6;
	v22 =	vadd.f32 v22, v49  }
0xb4: {  	v11 =	vadd.f32 v48, v42;
	v34 =	vmul.f32 v4, v4;
	v55 =	vld [tilespmem:s14+$0xFFFFFF10];
	v45 =	vadd.f32 v62, v45;
	(xrf2) =	vadd.scan.msk.f32 $0xffff, v31  }
0xb5: {  	v31 =	vld [tilespmem:s13+$0xFFFFFF40];
	v2 =	vmul.f32 $5.000000000e-01, v43;
	v32 =	vadd.f32 v51, v50;
	v22 =	vmul.f32 $5.000000000e-01, v22  }
0xb6: {  	v57 =	vmul.f32 v8, v8;
	(xrf2) =	vadd.scan.msk.f32 $0xffff, v44;
	v44 =	vld [tilespmem:s14+$0xFFFFFF40];
	v13 =	vadd.f32 v10, v13;
	v58 =	vadd.f32 v47, v60  }
0xb7: {  	v51 =	vld [tilespmem:s14+$0xFFFFFF00];
	v14 =	vadd.f32 v2, v14;
	v10 =	vadd.f32 v22, v9;
	v22 =	vmul.f32 $5.000000000e-01, v32  }
0xb8: {  	v61 =	vadd.f32 v34, v53;
	v33 =	vadd.f32 v57, v33;
	v43 =	vld [tilespmem:s13+$0xFFFFFF10];
	v59 =	vmul.f32 $5.000000000e-01, v13;
	[tilespmem:$0x1FE00] =	vst v58  }
0xb9: {  	(xrf2) =	vadd.scan.msk.f32 $0xffff, v45;
	v45 =	vld [tilespmem:s13+$0xFFFFFF50];
	v13 =	vadd.f32 v22, v63;
	v22 =	vmul.f32 v14, v14;
	v60 =	vmul.f32 v10, v10  }
0xba: {  	v20 =	vsub.f32 $1.500000000e+00, v20;
	v62 =	vmul.f32 v11, v11;
	(xrf2) =	vadd.scan.msk.f32 $0xffff, v61;
	v49 =	vld [tilespmem:s14+$0xFFFFFF50]  }
0xbb: {  	(xrf2) =	vadd.scan.msk.f32 $0xffff, v33;
	v33 =	vld [tilespmem:s13+$0xFFFFFF80];
	v6 =	vadd.f32 v59, v35;
	v22 =	vadd.f32 v60, v22;
	v63 =	vmul.f32 v13, v13  }
0xbc: {  	v20 =	vmul.f32 v20, v21;
	v46 =	vadd.f32 v54, v46;
	v1 =	vmul.f32 v58, v58;
	v50 =	vld [tilespmem:s14+$0xFFFFFF80]  }
0xbd: {  	v48 =	vadd.f32 v62, v52;
	v39 =	vld [tilespmem:s13+$0xFFFFFF90];
	v2 =	vmul.f32 v6, v6;
	v22 =	vadd.f32 v63, v22  }
0xbe: {  	v52 =	vld [tilespmem:s14+$0xFFFFFF90];
	v42 =	vadd.f32 v1, v46;
	v32, _, _ =	vpop (xrf2)  }
0xbf: {  	v36 =	vmul.f32 v20, v18;
	(xrf2) =	vadd.scan.msk.f32 $0xffff, v48;
	v53 =	vld [tilespmem:s14+$0xFFFFFFC0];
	v18 =	vbroadcast v32, $0xF;
	v22 =	vadd.f32 v2, v22  }
0xc0: {  	v21 =	vld [tilespmem:s13+$0xFFFFFFD0];
	(xrf2) =	vadd.scan.msk.f32 $0xffff, v42  }
0xc1: {  	v54 =	vld [tilespmem:s14+$0xFFFFFFD0];
	v35 =	vmul.f32 v20, v19;
	v38 =	vshra.s32 v18, $0x1;
	(xrf2) =	vadd.scan.msk.f32 $0xffff, v22  }
0xc2: {  	v19 =	vsub.s32 $0x5F3759DF, v38;
	v38 =	vld [tilespmem:$0x1FE10]  }
0xc3: {  	v22 =	vld [tilespmem:s13+$0xFFFFFFC0];
	[tilespmem:$0x1FEF0] =	vst v35  }
0xc4: {  	v37 =	vadd.f32 v51, v56;
	v16 =	vld [tilespmem:s13+$0x0];
	[tilespmem:$0x1FF20] =	vst v36  }
0xc5: {  	v34, _, _ =	vpop (xrf2);
	v59 =	vld [tilespmem:s14+$0x0]  }
0xc6: {  	v57, _, _ =	vpop (xrf2);
	v61 =	vld [tilespmem:s13+$0x10];
	[tilespmem:$0x1FF40] =	vst v37  }
0xc7: {  	v44 =	vadd.f32 v44, v31;
	v58, _, _ =	vpop (xrf2);
	v62 =	vld [tilespmem:s14+$0x10]  }
0xc8: {  	v9 =	vmul.f32 v20, v17;
	v43 =	vadd.f32 v55, v43;
	v45 =	vadd.f32 v49, v45;
	v60, _, _ =	vpop (xrf2);
	v55 =	vld [tilespmem:s13+$0x40]  }
0xc9: {  	v17 =	vbroadcast v34, $0xF;
	v40 =	vadd.f32 v50, v33;
	v41 =	vadd.f32 v52, v39;
	v56, _, _ =	vpop (xrf2);
	v49 =	vld [tilespmem:s14+$0x40]  }
0xca: {  	v46 =	vadd.f32 v54, v21;
	v1 =	vbroadcast v57, $0xF;
	v60 =	vbroadcast v60, $0xF;
	v50 =	vld [tilespmem:s13+$0x50];
	v31, _, _ =	vpop (xrf2)  }
0xcb: {  	v63 =	vshra.s32 v17, $0x1;
	v35 =	vmul.f32 $5.000000000e-01, v18;
	v37 =	vmul.f32 $5.000000000e-01, v17;
	v2 =	vld [tilespmem:s14+$0x50];
	v47, _, _ =	vpop (xrf2)  }
0xcc: {  	v63 =	vsub.s32 $0x5F3759DF, v63;
	v30 =	vmul.f32 $5.000000000e-01, v60;
	v33 =	vld [tilespmem:s13+$0x90];
	v0 =	vbroadcast v47, $0xF  }
0xcd: {  	v32 =	vmul.f32 v19, v35;
	v21 =	vld [tilespmem:s14+$0x90];
	v36 =	vmul.f32 v63, v37;
	v42 =	vadd.f32 v53, v22  }
0xce: {  	v22 =	vld [tilespmem:s13+$0x80];
	v48 =	vadd.f32 v59, v16;
	v39 =	vshra.s32 v0, $0x1;
	v59 =	vmul.f32 $5.000000000e-01, v0  }
0xcf: {  	v18 =	vmul.f32 v19, v32;
	v47 =	vld [tilespmem:s14+$0x80];
	v0 =	vmul.f32 v20, v38;
	v57 =	vsub.s32 $0x5F3759DF, v39  }
0xd0: {  	v16 =	vshra.s32 v1, $0x1;
	v39 =	vmul.f32 $5.000000000e-01, v1;
	v34 =	vmul.f32 v57, v59  }
0xd1: {  	v52 =	vmul.f32 v63, v36;
	v54 =	vadd.f32 v62, v61;
	v16 =	vsub.s32 $0x5F3759DF, v16  }
0xd2: {  	[tilespmem:$0x1FF50] =	vst v0;
	v17 =	vmul.f32 v16, v39;
	v62 =	vmul.f32 v57, v34;
	v34 =	vadd.f32 v21, v33  }
0xd3: {  	v31 =	vbroadcast v31, $0xF;
	v51 =	vadd.f32 v49, v55;
	v53 =	vadd.f32 v2, v50;
	v23 =	vld [tilespmem:s13+$0xFFFFFF20]  }
0xd4: {  	v50 =	vadd.f32 v47, v22;
	v47 =	vsub.f32 $1.500000000e+00, v52;
	v49 =	vld [tilespmem:s14+$0xFFFFFF20];
	v17 =	vmul.f32 v16, v17;
	[tilespmem:$0x1FEE0] =	vst v34  }
0xd5: {  	v18 =	vsub.f32 $1.500000000e+00, v18;
	v21 =	vbroadcast v58, $0xF;
	v20 =	vsub.f32 $1.500000000e+00, v62;
	v58 =	vld [tilespmem:s14+$0xFFFFFF60]  }
0xd6: {  	v32 =	vmul.f32 $5.000000000e-01, v31;
	v25 =	vmul.f32 v63, v47;
	v17 =	vsub.f32 $1.500000000e+00, v17;
	v61 =	vld [tilespmem:s13+$0xFFFFFFA0]  }
0xd7: {  	v36 =	vshra.s32 v21, $0x1;
	v63 =	vmul.f32 $5.000000000e-01, v21;
	v22 =	vmul.f32 v57, v20;
	v57 =	vld [tilespmem:s13+$0xFFFFFF60]  }
0xd8: {  	v38 =	vshra.s32 v60, $0x1;
	v34 =	vld [tilespmem:s13+$0xFFFFFFE0];
	v28 =	vmul.f32 v16, v17;
	v16 =	vsub.s32 $0x5F3759DF, v36  }
0xd9: {  	v55 =	vsub.s32 $0x5F3759DF, v38;
	v29 =	vld [tilespmem:s14+$0xFFFFFFE0];
	v17 =	vbroadcast v56, $0xF;
	v47 =	vmul.f32 v16, v63  }
0xda: {  	v24 =	vmul.f32 v19, v18;
	v19 =	vmul.f32 v55, v30;
	v49 =	vadd.f32 v49, v23;
	v56 =	vld [tilespmem:s14+$0xFFFFFFA0]  }
0xdb: {  	v33 =	vld [tilespmem:s13+$0x20];
	v36 =	vmul.f32 $5.000000000e-01, v17;
	v17 =	vshra.s32 v17, $0x1;
	v60 =	vmul.f32 v16, v47  }
0xdc: {  	v38 =	vld [tilespmem:s14+$0x20];
	v20 =	vmul.f32 v55, v19;
	v18 =	vsub.s32 $0x5F3759DF, v17;
	v58 =	vadd.f32 v58, v57  }
0xdd: {  	v17 =	vshra.s32 v31, $0x1;
	v52 =	vmul.f32 v18, v36;
	v31 =	vsub.f32 $1.500000000e+00, v60;
	v60 =	vld [tilespmem:s13+$0x60];
	[tilespmem:$0x1FF60] =	vst v49  }
0xde: {  	v20 =	vsub.f32 $1.500000000e+00, v20;
	v17 =	vsub.s32 $0x5F3759DF, v17;
	v27 =	vld [tilespmem:s14+$0x60];
	[tilespmem:$0x1FF70] =	vst v58  }
0xdf: {  	v58 =	vmul.f32 v16, v31;
	v47 =	vld [tilespmem:s13+$0xA0];
	v31 =	vmul.f32 v18, v52;
	v52 =	vadd.f32 v56, v61  }
0xe0: {  	v21 =	vmul.f32 v55, v20;
	v19 =	vmul.f32 v17, v32;
	v49 =	vld [tilespmem:s14+$0xA0]  }
0xe1: {  	v16 =	vmul.f32 v22, v59;
	[tilespmem:$0x1FF80] =	vst v52;
	v20 =	vsub.f32 $1.500000000e+00, v31;
	v31 =	vmul.f32 v25, v37;
	v37 =	vld [tilespmem:$0x1FE70]  }
0xe2: {  	v35 =	vmul.f32 v24, v35;
	v34 =	vadd.f32 v29, v34;
	v19 =	vmul.f32 v17, v19;
	v26 =	vld [tilespmem:s24+$0xFFFFFF10]  }
0xe3: {  	v16 =	vmul.f32 v16, v22;
	v56 =	vld [tilespmem:s13+$0xFFFFFF30]  }
0xe4: {  	v35 =	vmul.f32 v35, v24;
	v38 =	vadd.f32 v38, v33;
	v19 =	vsub.f32 $1.500000000e+00, v19;
	v57 =	vld [tilespmem:s14+$0xFFFFFF30];
	[tilespmem:$0x1FF90] =	vst v34  }
0xe5: {  	v16 =	vsub.f32 $1.500000000e+00, v16;
	v23 =	vmul.f32 v18, v20;
	v18 =	vmul.f32 v31, v25;
	v20 =	vld [tilespmem:s24+$0xFFFFFF40]  }
0xe6: {  	v34 =	vmul.f32 v17, v19;
	v19 =	vld [tilespmem:s24+$0xFFFFFF50];
	v17 =	vmul.f32 $5.000000000e-01, v43;
	v47 =	vadd.f32 v49, v47  }
0xe7: {  	[tilespmem:$0x1FFA0] =	vst v38;
	v38 =	vld [tilespmem:$0x1FE80];
	v31 =	vmul.f32 v16, v22;
	v22 =	vsub.f32 $1.500000000e+00, v18  }
0xe8: {  	v43 =	vld [tilespmem:s13+$0xFFFFFF70];
	v16 =	vsub.f32 $1.500000000e+00, v35;
	[tilespmem:$0x1FFB0] =	vst v47;
	v2 =	vadd.f32 v17, v26  }
0xe9: {  	v25 =	vmul.f32 v22, v25;
	v17 =	vmul.f32 $5.000000000e-01, v44;
	v22 =	vld [tilespmem:s24+$0xFFFFFF80];
	v49 =	vadd.f32 v57, v56  }
0xea: {  	v18 =	vadd.f32 v27, v60;
	v27 =	vmul.f32 $5.000000000e-01, v40;
	v40 =	vld [tilespmem:$0x1FE90];
	v26 =	vmul.f32 $5.000000000e-01, v45  }
0xeb: {  	v24 =	vmul.f32 v16, v24;
	v16 =	vld [tilespmem:s14+$0xFFFFFF70];
	[tilespmem:$0x1FFC0] =	vst v49;
	v52 =	vadd.f32 v17, v20  }
0xec: {  	v3 =	vadd.f32 v26, v19;
	v56 =	vld [tilespmem:s24+$0xFFFFFF90]  }
0xed: {  	v30 =	vmul.f32 v21, v30;
	v59 =	vld [tilespmem:s13+$0xFFFFFFB0];
	[tilespmem:$0x1FE20] =	vst v52  }
0xee: {  	v60 =	vadd.f32 v27, v22;
	v27 =	vld [tilespmem:s14+$0xFFFFFFB0];
	[tilespmem:$0x1FE30] =	vst v3  }
0xef: {  	v30 =	vmul.f32 v30, v21;
	v62 =	vld [tilespmem:s24+$0xFFFFFFC0]  }
0xf0: {  	v55 =	vmul.f32 v58, v63;
	v26 =	vmul.f32 $5.000000000e-01, v41;
	v63 =	vld [tilespmem:s24+$0xFFFFFFD0]  }
0xf1: {  	v30 =	vsub.f32 $1.500000000e+00, v30;
	v22 =	vmul.f32 v52, v52;
	v52 =	vld [tilespmem:s13+$0xFFFFFFF0]  }
0xf2: {  	v32 =	vmul.f32 v34, v32;
	v61 =	vmul.f32 v3, v3;
	v49 =	vadd.f32 v26, v56;
	v56 =	vld [tilespmem:s24+$0x0]  }
0xf3: {  	v57 =	vmul.f32 v55, v58;
	v44 =	vmul.f32 v30, v21;
	v19 =	vadd.f32 v27, v59;
	v27 =	vld [tilespmem:s14+$0xFFFFFFF0];
	[tilespmem:$0x1FE40] =	vst v60  }
0xf4: {  	v21 =	vmul.f32 $5.000000000e-01, v42;
	v17 =	vadd.f32 v61, v22;
	v22 =	vmul.f32 v23, v36;
	v36 =	vld [tilespmem:$0x1FE60];
	[tilespmem:$0x1FE50] =	vst v49  }
0xf5: {  	v30 =	vmul.f32 $5.000000000e-01, v46;
	v33 =	vsub.f32 $1.500000000e+00, v57;
	v26 =	vmul.f32 v32, v34;
	v59 =	vld [tilespmem:s24+$0x10]  }
0xf6: {  	v20 =	vmul.f32 v28, v39;
	v22 =	vmul.f32 v22, v23;
	v42 =	vld [tilespmem:s14+$0x70]  }
0xf7: {  	v45 =	vmul.f32 v33, v58;
	v57 =	vmul.f32 v60, v60;
	v26 =	vsub.f32 $1.500000000e+00, v26;
	v29 =	vld [tilespmem:s24+$0x90]  }
0xf8: {  	v58 =	vmul.f32 v49, v49;
	v55 =	vsub.f32 $1.500000000e+00, v22;
	v47 =	vadd.f32 v30, v63;
	v63 =	vld [tilespmem:$0x1FEC0]  }
0xf9: {  	v3 =	vadd.f32 v21, v62;
	v30 =	vmul.f32 $5.000000000e-01, v54;
	v62 =	vmul.f32 v24, v40;
	v40 =	vld [tilespmem:$0x1FEE0]  }
0xfa: {  	v39 =	vmul.f32 v26, v34;
	v26 =	vmul.f32 $5.000000000e-01, v48;
	v61 =	vadd.f32 v27, v52;
	v52 =	vld [tilespmem:s24+$0x40]  }
0xfb: {  	v16 =	vadd.f32 v16, v43;
	v48 =	vld [tilespmem:s14+$0x30];
	v49 =	vmul.f32 v47, v47;
	v27 =	vmul.f32 v3, v3  }
0xfc: {  	v41 =	vmul.f32 v24, v36;
	v36 =	vld [tilespmem:s24+$0x50];
	v43 =	vmul.f32 v55, v23;
	v33 =	vadd.f32 v26, v56  }
0xfd: {  	v23 =	vld [tilespmem:s13+$0x30];
	v22 =	vmovc v3;
	v32 =	vadd.f32 v30, v59;
	v3 =	vadd.f32 v49, v27;
	v27 =	vmul.f32 $5.000000000e-01, v51  }
0xfe: {  	v1 =	vadd.f32 v58, v57;
	v57 =	vld [tilespmem:$0x1FEA0]  }
0xff: {  	v55 =	vld [tilespmem:$0x1FEF0];
	v60 =	vmul.f32 v32, v32;
	v34 =	vadd.f32 v27, v52;
	v27 =	vmul.f32 v33, v33  }
0x100: {  	v46 =	vmul.f32 v24, v37;
	v58 =	vld [tilespmem:$0x1FEB0]  }
0x101: {  	v21 =	vmovc v47;
	v47 =	vmul.f32 v24, v38;
	v24 =	vld [tilespmem:s13+$0x70];
	v30 =	vmul.f32 $5.000000000e-01, v53;
	v38 =	vadd.f32 v60, v27  }
0x102: {  	v59 =	vadd.f32 v48, v23;
	v23 =	vld [tilespmem:s24+$0x80]  }
0x103: {  	s22 =	simm.s32 $0xB6E0;
	v35 =	vadd.f32 v30, v36;
	v30 =	vld [tilespmem:s13+$0xB0];
	[tilespmem:$0x1FFF0] =	vst v38  }
0x104: {  	v36 =	vld [tilespmem:$0x1FED0];
	[tilespmem:s22+$0xF0] =	vst v55  }
0x105: {  	v20 =	vmul.f32 v20, v28;
	v52 =	vmul.f32 v25, v63;
	v63 =	vld [tilespmem:$0x1FF20]  }
0x106: {  	v0 =	vld [tilespmem:$0x1FF00]  }
0x107: {  	v20 =	vsub.f32 $1.500000000e+00, v20;
	_ =	sdelay $0x1  }
0x108: {  	v28 =	vmul.f32 v20, v28  }
0x109: {  	v60 =	vld [tilespmem:$0x1FF10];
	[tilespmem:s22+$0xC0] =	vst v63  }
0x10a: {  	v27 =	vmul.f32 $5.000000000e-01, v50;
	v50 =	vmul.f32 v28, v0;
	v0 =	vld [tilespmem:$0x1FF30];
	[tilespmem:s22+$0xD0] =	vst v9  }
0x10b: {  	v48 =	vld [tilespmem:$0x1FF50];
	_ =	sdelay $0x2  }
0x10c: {  	v49 =	vmul.f32 v25, v57;
	v56 =	vmul.f32 v25, v58  }
0x10d: {  	v51 =	vmul.f32 $5.000000000e-01, v40;
	v57 =	vmul.f32 v25, v36;
	v25 =	vld [tilespmem:s14+$0xB0]  }
0x10e: {  	v40 =	vld [tilespmem:$0x1FF40];
	[tilespmem:s22+$0xE0] =	vst v48  }
0x10f: {  	v37 =	vadd.f32 v51, v29;
	v29 =	vmul.f32 v31, v6;
	v51 =	vld [tilespmem:$0x1FF70]  }
0x110: {  	s17 =	simm.s32 $0xB8E0;
	v38 =	vld [tilespmem:s24+$0xFFFFFF00]  }
0x111: {  	v55 =	vmul.f32 v28, v0;
	v0 =	vld [tilespmem:$0x1FF60];
	[tilespmem:s17+$0xF0] =	vst v29  }
0x112: {  	v26 =	vld [tilespmem:s24+$0xFFFFFF20];
	[tilespmem:s22+$0xFFFFFF00] =	vst v41  }
0x113: {  	v58 =	vadd.f32 v42, v24;
	v42 =	vmul.f32 v35, v35;
	v24 =	vmul.f32 v34, v34;
	v41 =	vld [tilespmem:$0x1FF80]  }
0x114: {  	v48 =	vadd.f32 v25, v30;
	v30 =	vmul.f32 $5.000000000e-01, v51;
	v51 =	vld [tilespmem:$0x1FF90];
	[tilespmem:s22+$0xFFFFFF10] =	vst v46  }
0x115: {  	v63 =	vadd.f32 v42, v24;
	v42 =	vld [tilespmem:s24+$0xFFFFFF60];
	[tilespmem:s22+$0xFFFFFF20] =	vst v47  }
0x116: {  	v47 =	vld [tilespmem:$0x1FFA0]  }
0x117: {  	v54 =	vmul.f32 v37, v37  }
0x118: {  	v36 =	vadd.f32 v27, v23;
	v27 =	vmul.f32 $5.000000000e-01, v40;
	v40 =	vld [tilespmem:s24+$0xFFFFFFE0];
	v25 =	vmul.f32 $5.000000000e-01, v0;
	[tilespmem:s22+$0xFFFFFF30] =	vst v62  }
0x119: {  	v53 =	vmul.f32 v28, v60;
	v60 =	vmul.f32 v28, v7;
	v28 =	vld [tilespmem:s24+$0x20];
	[tilespmem:s22+$0xFFFFFF40] =	vst v49  }
0x11a: {  	v29 =	vmul.f32 v36, v36;
	v27 =	vadd.f32 v27, v38;
	v26 =	vadd.f32 v25, v26;
	v46 =	vld [tilespmem:$0x1FFB0];
	[tilespmem:s22+$0xFFFFFF50] =	vst v56  }
0x11b: {  	v25 =	vadd.f32 v30, v42;
	v23 =	vmul.f32 $5.000000000e-01, v51;
	v30 =	vmul.f32 $5.000000000e-01, v47;
	v47 =	vld [tilespmem:$0x1FFC0]  }
0x11c: {  	v62 =	vld [tilespmem:s24+$0xFFFFFF30];
	v51 =	vadd.f32 v54, v29;
	v29 =	vmul.f32 v2, v2;
	v54 =	vmul.f32 v27, v27  }
0x11d: {  	[tilespmem:s22+$0xFFFFFF60] =	vst v52;
	v23 =	vadd.f32 v23, v40;
	v40 =	vld [tilespmem:s24+$0xA0]  }
0x11e: {  	[tilespmem:s22+$0xFFFFFF70] =	vst v57;
	v29 =	vadd.f32 v29, v54;
	v54 =	vmul.f32 v26, v26  }
0x11f: {  	[tilespmem:s22+$0xFFFFFF80] =	vst v50;
	v42 =	vadd.f32 v30, v28  }
0x120: {  	v24 =	vld [tilespmem:s24+$0xFFFFFFA0];
	[tilespmem:s22+$0xFFFFFF90] =	vst v53;
	v30 =	vmul.f32 $5.000000000e-01, v46;
	v46 =	vadd.f32 v54, v29;
	v29 =	vmul.f32 $5.000000000e-01, v47  }
0x121: {  	v52 =	vmul.f32 $5.000000000e-01, v58;
	v58 =	vld [tilespmem:$0x1FFD0];
	[tilespmem:s22+$0xFFFFFFA0] =	vst v55  }
0x122: {  	v40 =	vadd.f32 v30, v40;
	v30 =	vadd.f32 v29, v62;
	v62 =	vld [tilespmem:$0x1FFE0];
	_ =	sdelay $0x2  }
0x123: {  	v38 =	vld [tilespmem:s24+$0x60];
	v41 =	vmul.f32 $5.000000000e-01, v41  }
0x124: {  	v56 =	vld [tilespmem:s24+$0xFFFFFF70];
	v53 =	vmul.f32 $5.000000000e-01, v48;
	v48 =	vmul.f32 v45, v58  }
0x125: {  	v24 =	vadd.f32 v41, v24;
	v49 =	vmul.f32 v25, v25;
	v57 =	vld [tilespmem:s24+$0xFFFFFFB0];
	[tilespmem:s22+$0xFFFFFFB0] =	vst v60;
	v0 =	vmul.f32 v45, v62  }
0x126: {  	v28 =	vmul.f32 $5.000000000e-01, v18;
	[tilespmem:s22+$0xFFFFFFC0] =	vst v48  }
0x127: {  	v50 =	vmul.f32 v24, v24;
	v47 =	vadd.f32 v49, v17;
	v49 =	vmul.f32 $5.000000000e-01, v59;
	v59 =	vld [tilespmem:s24+$0xFFFFFFF0];
	[tilespmem:s22+$0xFFFFFFD0] =	vst v0  }
0x128: {  	v54 =	vmul.f32 $5.000000000e-01, v19;
	v41 =	vadd.f32 v28, v38;
	v28 =	vmul.f32 $5.000000000e-01, v16;
	v60 =	vld [tilespmem:$0x1FFF0]  }
0x129: {  	v20 =	vmovc v2;
	v61 =	vmul.f32 $5.000000000e-01, v61;
	v50 =	vadd.f32 v50, v1;
	v2 =	vmul.f32 v23, v23  }
0x12a: {  	v29 =	vadd.f32 v28, v56;
	v28 =	vadd.f32 v54, v57;
	v54 =	vmul.f32 v41, v41  }
0x12b: {  	v55 =	vadd.f32 v2, v3;
	v56 =	vmul.f32 v42, v42;
	v57 =	vld [tilespmem:s24+$0x70];
	v62 =	vmul.f32 v45, v5  }
0x12c: {  	v48 =	vld [tilespmem:s24+$0x30];
	v58 =	vmul.f32 v40, v40;
	v54 =	vadd.f32 v54, v63;
	v38 =	vadd.f32 v61, v59  }
0x12d: {  	s21 =	simm.s32 $0x8;
	v61 =	vmul.f32 v30, v30;
	v59 =	vmul.f32 v29, v29;
	[tilespmem:s22+$0xFFFFFFE0] =	vst v62;
	v56 =	vadd.f32 v56, v60;
	v60 =	vld [tilespmem:s24+$0xB0];
	s24 =	simm.s32 $0x7EE0  }
.LBB2_3:
0x12e: {  	v62 =	vld [tilespmem:s24+$0xC0];
	s14 =	sadd.s32 $0x200, s14  }
0x12f: {  	v46 =	vadd.f32 v61, v46;
	v1 =	vmul.f32 v38, v38;
	v0 =	vmov v38;
	v38 =	vld [tilespmem:s14+$0xD0]  }
0x130: {  	s13 =	sadd.s32 $0x200, s13;
	v61 =	vld [tilespmem:$0x1FDA0]  }
0x131: {  	(xrf2) =	vadd.scan.msk.f32 $0xffff, v46;
	v46 =	vld [tilespmem:s13+$0xD0]  }
0x132: {  	v48 =	vadd.f32 v49, v48;
	v49 =	vadd.f32 v58, v51;
	v51 =	vld [tilespmem:s13+$0xF0]  }
0x133: {  	v63 =	vmul.f32 v28, v28;
	v52 =	vadd.f32 v52, v57;
	v57 =	vld [tilespmem:s13+$0xC0]  }
0x134: {  	v47 =	vadd.f32 v59, v47;
	v53 =	vadd.f32 v53, v60;
	v60 =	vld [tilespmem:s14+$0xC0];
	v45 =	vmul.f32 v45, v4  }
0x135: {  	[tilespmem:$0x1FD80] =	vst v0;
	v50 =	vadd.f32 v63, v50;
	v58 =	vld [tilespmem:$0x1FD90];
	v15 =	vmul.f32 v44, v15  }
0x136: {  	v55 =	vadd.f32 v1, v55;
	(xrf2) =	vadd.scan.msk.f32 $0xffff, v47;
	v47 =	vld [tilespmem:s14+$0xE0];
	v12 =	vmul.f32 v43, v12;
	[tilespmem:s22+$0xFFFFFFF0] =	vst v45  }
0x137: {  	(xrf2) =	vadd.scan.msk.f32 $0xffff, v50;
	v50 =	vld [tilespmem:$0x1FDE0];
	v63 =	vmul.f32 v52, v52;
	v61 =	vmul.f32 v44, v61;
	[tilespmem:s22+$0x20] =	vst v15  }
0x138: {  	v2 =	vmul.f32 v48, v48;
	v59 =	vmul.f32 v53, v53;
	v45 =	vld [tilespmem:$0x1FDB0];
	[tilespmem:s22+$0x60] =	vst v12  }
0x139: {  	v3 =	vmov v48;
	v1 =	vmov v52;
	v48 =	vld [tilespmem:$0x1FDD0];
	[tilespmem:s22+$0x10] =	vst v61;
	v52 =	vmov v35  }
0x13a: {  	(xrf2) =	vadd.scan.msk.f32 $0xffff, v55;
	v55 =	vmov v40;
	v49 =	vadd.f32 v59, v49;
	v59 =	vld [tilespmem:$0x1FDC0];
	[tilespmem:$0x1FDC0] =	vst v52  }
0x13b: {  	v54 =	vadd.f32 v63, v54;
	v5 =	vadd.f32 v60, v57;
	v57 =	vld [tilespmem:$0x1FDF0];
	[tilespmem:$0x1FDF0] =	vst v55;
	v63 =	vmov v33  }
0x13c: {  	v56 =	vadd.f32 v2, v56;
	v35 =	vld [tilespmem:s13+$0xFFFFFF00];
	v58 =	vmul.f32 v44, v58;
	v2 =	vmov v32;
	[tilespmem:$0x1FD90] =	vst v63  }
0x13d: {  	v44 =	vmul.f32 v44, v8;
	v33 =	vld [tilespmem:s13+$0xE0];
	[tilespmem:$0x1FDA0] =	vst v2  }
0x13e: {  	v32 =	vld [tilespmem:s14+$0xF0];
	[tilespmem:s22+$0x0] =	vst v58  }
0x13f: {  	v38 =	vadd.f32 v38, v46;
	v52 =	vmul.f32 v31, v14;
	v60 =	vmovc v53;
	v61 =	vmov v36;
	v36 =	vld [tilespmem:s14+$0xFFFFFF40];
	[tilespmem:s22+$0x30] =	vst v44  }
0x140: {  	v50 =	vmul.f32 v39, v50;
	v45 =	vmul.f32 v43, v45;
	v58 =	vld [tilespmem:$0x1FE00];
	[tilespmem:$0x1FE00] =	vst v60  }
0x141: {  	v15 =	vmul.f32 $5.000000000e-01, v38;
	[tilespmem:$0x1FDD0] =	vst v61;
	v14 =	vmul.f32 $5.000000000e-01, v5;
	v63 =	vmov v34;
	v34 =	vld [tilespmem:s24+$0xD0]  }
0x142: {  	v59 =	vmul.f32 v43, v59;
	v43 =	vmul.f32 v43, v11;
	v11 =	vld [tilespmem:s24+$0xE0];
	[tilespmem:s22+$0x40] =	vst v45  }
0x143: {  	v44 =	vmul.f32 v31, v10;
	[tilespmem:$0x1FDB0] =	vst v63;
	v46 =	vmul.f32 v39, v57;
	v63 =	vld [tilespmem:s14+$0xFFFFFF00]  }
0x144: {  	v57 =	vmovc v37;
	v33 =	vadd.f32 v47, v33;
	v32 =	vadd.f32 v32, v51;
	v51 =	vmul.f32 v31, v13;
	v31 =	vld [tilespmem:s13+$0xFFFFFF10]  }
0x145: {  	v48 =	vmul.f32 v39, v48;
	v14 =	vadd.f32 v14, v62;
	[tilespmem:$0x1FDE0] =	vst v57;
	v13, _, _ =	vpop (xrf2);
	v39 =	vmul.f32 v39, v58;
	v58 =	vld [tilespmem:s24+$0xF0]  }
0x146: {  	[tilespmem:s22+$0x50] =	vst v59;
	v53 =	vbroadcast v13, $0xF;
	v33 =	vmul.f32 $5.000000000e-01, v33;
	v59 =	vmov v41;
	v41 =	vld [tilespmem:s13+$0xFFFFFF40]  }
0x147: {  	v47 =	vmovc v42;
	(xrf2) =	vadd.scan.msk.f32 $0xffff, v56;
	v60 =	vmul.f32 v14, v14;
	v32 =	vmul.f32 $5.000000000e-01, v32;
	v10 =	vadd.f32 v15, v34;
	v34 =	vld [tilespmem:s14+$0xFFFFFF10]  }
0x148: {  	[tilespmem:s22+$0xA0] =	vst v46;
	v46 =	vld [tilespmem:s14+$0xFFFFFF80];
	v45 =	vmul.f32 $5.000000000e-01, v53;
	v13 =	vadd.f32 v33, v11;
	v11, _, _ =	vpop (xrf2);
	v35 =	vadd.f32 v63, v35  }
0x149: {  	[tilespmem:$0x1FD40] =	vst v47;
	v62 =	vshra.s32 v53, $0x1;
	v53 =	vld [tilespmem:s13+$0xFFFFFF80];
	v61 =	vmul.f32 v10, v10;
	v63 =	vbroadcast v11, $0xF  }
0x14a: {  	v12 =	vld [tilespmem:s13+$0xFFFFFF60];
	[tilespmem:$0x1FD70] =	vst v59;
	v32 =	vadd.f32 v32, v58;
	v57 =	vmul.f32 v13, v13;
	v38 =	vmul.f32 $5.000000000e-01, v35  }
0x14b: {  	v56 =	vld [tilespmem:s13+$0xFFFFFF50];
	(xrf2) =	vadd.scan.msk.f32 $0xffff, v54;
	v33 =	vadd.f32 v61, v60;
	v59 =	vshra.s32 v63, $0x1;
	v47 =	vmul.f32 $5.000000000e-01, v63  }
0x14c: {  	[tilespmem:s22+$0x80] =	vst v48;
	v58 =	vld [tilespmem:s14+$0xFFFFFF50];
	v60, _, _ =	vpop (xrf2);
	v63 =	vadd.f32 v36, v41;
	v34 =	vadd.f32 v34, v31;
	v61 =	vmul.f32 v32, v32  }
0x14d: {  	v48 =	vld [tilespmem:s14+$0xFFFFFF90];
	[tilespmem:s17+$0xD0] =	vst v44;
	v31 =	vsub.s32 $0x5F3759DF, v62;
	v62 =	vbroadcast v60, $0xF;
	v2, _, _ =	vpop (xrf2);
	v37 =	vadd.f32 v57, v33  }
0x14e: {  	(xrf2) =	vadd.scan.msk.f32 $0xffff, v49;
	v36 =	vld [tilespmem:s13+$0xFFFFFF90];
	v42 =	vsub.s32 $0x5F3759DF, v59;
	v0 =	vadd.f32 v46, v53;
	v55 =	vbroadcast v2, $0xF  }
0x14f: {  	v44 =	vld [tilespmem:s13+$0xFFFFFFD0];
	[tilespmem:s17+$0xE0] =	vst v51;
	v49 =	vmul.f32 v31, v45;
	v51 =	vmul.f32 v42, v47;
	v37 =	vadd.f32 v61, v37  }
0x150: {  	[tilespmem:s22+$0x90] =	vst v50;
	v60 =	vld [tilespmem:s13+$0xFFFFFFC0];
	v33 =	vmul.f32 $5.000000000e-01, v34;
	v54 =	vshra.s32 v62, $0x1;
	v50 =	vmul.f32 $5.000000000e-01, v62  }
0x151: {  	v46 =	vld [tilespmem:s14+$0xFFFFFFD0];
	v34 =	vmul.f32 $5.000000000e-01, v63;
	v35 =	vadd.f32 v58, v56;
	v57 =	vsub.s32 $0x5F3759DF, v54;
	(xrf2) =	vadd.scan.msk.f32 $0xffff, v37  }
0x152: {  	v61 =	vld [tilespmem:s14+$0xFFFFFFC0];
	v62 =	vshra.s32 v55, $0x1;
	v54 =	vmul.f32 $5.000000000e-01, v55;
	v63, _, _ =	vpop (xrf2);
	v9 =	vmul.f32 v42, v51  }
0x153: {  	[tilespmem:s22+$0xB0] =	vst v39;
	v53 =	vld [tilespmem:s14+$0x0];
	v41 =	vbroadcast v63, $0xF;
	v36 =	vadd.f32 v48, v36;
	v39 =	vmul.f32 $5.000000000e-01, v35  }
0x154: {  	[tilespmem:$0x1FD50] =	vst v1;
	v58 =	vsub.s32 $0x5F3759DF, v62;
	v48 =	vld [tilespmem:s13+$0x0];
	v35 =	vmul.f32 $5.000000000e-01, v0;
	v0 =	vmul.f32 v31, v49  }
0x155: {  	v16 =	vld [tilespmem:s14+$0xFFFFFFE0];
	[tilespmem:s22+$0x70] =	vst v43;
	v1 =	vshra.s32 v41, $0x1;
	v2, _, _ =	vpop (xrf2);
	v55 =	vmul.f32 $5.000000000e-01, v41;
	v43 =	vmul.f32 $5.000000000e-01, v36  }
0x156: {  	v40 =	vld [tilespmem:s13+$0x10];
	v36 =	vadd.f32 v46, v44;
	v59 =	vsub.s32 $0x5F3759DF, v1;
	v56 =	vbroadcast v2, $0xF  }
0x157: {  	[tilespmem:s17+$0xC0] =	vst v52;
	v52 =	vld [tilespmem:s14+$0x10];
	v1 =	vadd.f32 v61, v60;
	v60 =	vmul.f32 v57, v50;
	v61 =	vmul.f32 v58, v54  }
0x158: {  	v63 =	vld [tilespmem:s14+$0x40];
	v44 =	vmul.f32 $5.000000000e-01, v36;
	v62 =	vshra.s32 v56, $0x1;
	v56 =	vmul.f32 $5.000000000e-01, v56;
	v2, _, _ =	vpop (xrf2)  }
0x159: {  	v46 =	vld [tilespmem:s13+$0x40];
	v36 =	vadd.f32 v53, v48;
	v37 =	vmul.f32 $5.000000000e-01, v1;
	v41 =	vbroadcast v2, $0xF  }
0x15a: {  	v48 =	vld [tilespmem:s13+$0x50];
	v1 =	vmul.f32 v59, v55;
	v62 =	vsub.s32 $0x5F3759DF, v62;
	v61 =	vmul.f32 v58, v61  }
0x15b: {  	v2 =	vld [tilespmem:s14+$0x50];
	v53 =	vshra.s32 v41, $0x1;
	v5 =	vmul.f32 $5.000000000e-01, v41;
	v41 =	vmul.f32 v62, v56;
	v49, _, _ =	vpop (xrf2)  }
0x15c: {  	[tilespmem:$0x1FD60] =	vst v3;
	v6 =	vld [tilespmem:s14+$0x80];
	v1 =	vmul.f32 v59, v1;
	v3 =	vbroadcast v49, $0xF  }
0x15d: {  	v4 =	vsub.s32 $0x5F3759DF, v53;
	v49 =	vmul.f32 $5.000000000e-01, v36;
	v36 =	vadd.f32 v52, v40;
	v40 =	vld [tilespmem:s13+$0x80]  }
0x15e: {  	v8 =	vld [tilespmem:s14+$0x90];
	v7 =	vmul.f32 v4, v5;
	v53 =	vshra.s32 v3, $0x1;
	v3 =	vmul.f32 $5.000000000e-01, v3  }
0x15f: {  	v52 =	vmul.f32 $5.000000000e-01, v36;
	v36 =	vadd.f32 v63, v46;
	v46 =	vld [tilespmem:s13+$0x90];
	v63 =	vsub.s32 $0x5F3759DF, v53  }
0x160: {  	v11 =	vld [tilespmem:s13+$0xFFFFFF20];
	v2 =	vadd.f32 v2, v48;
	v48 =	vmul.f32 v57, v60;
	v53 =	vmul.f32 v63, v3  }
0x161: {  	v61 =	vsub.f32 $1.500000000e+00, v61;
	v60 =	vld [tilespmem:s14+$0xFFFFFF20];
	v7 =	vmul.f32 v4, v7;
	v51 =	vmul.f32 $5.000000000e-01, v36  }
0x162: {  	v36 =	vmul.f32 v63, v53;
	v53 =	vmul.f32 $5.000000000e-01, v2;
	v2 =	vadd.f32 v6, v40;
	v6 =	vld [tilespmem:s14+$0xFFFFFF60]  }
0x163: {  	v15 =	vld [tilespmem:s13+$0xFFFFFFA0];
	v41 =	vmul.f32 v62, v41;
	v1 =	vsub.f32 $1.500000000e+00, v1;
	v7 =	vsub.f32 $1.500000000e+00, v7  }
0x164: {  	v40 =	vsub.f32 $1.500000000e+00, v36;
	v36 =	vmul.f32 $5.000000000e-01, v2;
	v2 =	vadd.f32 v8, v46;
	v46 =	vld [tilespmem:s14+$0xFFFFFFA0]  }
0x165: {  	v17 =	vmul.f32 v58, v61;
	v61 =	vld [tilespmem:s14+$0x60];
	v1 =	vmul.f32 v59, v1  }
0x166: {  	v11 =	vadd.f32 v60, v11;
	v60 =	vld [tilespmem:s13+$0xFFFFFFE0];
	v4 =	vmul.f32 v4, v7;
	v63 =	vmul.f32 v63, v40  }
0x167: {  	v59 =	vld [tilespmem:s14+$0xFFFFFF30];
	v8 =	vsub.f32 $1.500000000e+00, v48;
	v48 =	vmul.f32 $5.000000000e-01, v2;
	v6 =	vadd.f32 v6, v12  }
0x168: {  	v9 =	vsub.f32 $1.500000000e+00, v9;
	v40 =	vmul.f32 $5.000000000e-01, v11;
	v11 =	vld [tilespmem:s13+$0x20];
	v3 =	vmul.f32 v63, v3  }
0x169: {  	v2 =	vsub.f32 $1.500000000e+00, v41;
	v12 =	vld [tilespmem:s14+$0x20];
	v41 =	vmul.f32 $5.000000000e-01, v6;
	v6 =	vadd.f32 v46, v15  }
0x16a: {  	v0 =	vsub.f32 $1.500000000e+00, v0;
	v7 =	vld [tilespmem:s14+$0xA0];
	v5 =	vmul.f32 v4, v5;
	v3 =	vmul.f32 v3, v63  }
0x16b: {  	v9 =	vmul.f32 v42, v9;
	v15 =	vld [tilespmem:s13+$0x60];
	v42 =	vmul.f32 $5.000000000e-01, v6;
	v6 =	vadd.f32 v16, v60  }
0x16c: {  	v0 =	vmul.f32 v31, v0;
	v5 =	vmul.f32 v5, v4;
	v60 =	vld [tilespmem:s24+$0xFFFFFF40];
	v3 =	vsub.f32 $1.500000000e+00, v3  }
0x16d: {  	v8 =	vmul.f32 v57, v8;
	v16 =	vld [tilespmem:s13+$0xA0];
	v46 =	vmul.f32 $5.000000000e-01, v6  }
0x16e: {  	v6 =	vadd.f32 v12, v11;
	v31 =	vmul.f32 v3, v63;
	v3 =	vmul.f32 v0, v45;
	v45 =	vld [tilespmem:s24+$0xFFFFFF10]  }
0x16f: {  	v5 =	vsub.f32 $1.500000000e+00, v5;
	v2 =	vmul.f32 v62, v2;
	v58 =	vmul.f32 v8, v50;
	v12 =	vld [tilespmem:s13+$0xFFFFFF30]  }
0x170: {  	v11 =	vmul.f32 v9, v47;
	v63 =	vld [tilespmem:s24+$0xFFFFFF50];
	v47 =	vmul.f32 $5.000000000e-01, v6;
	v6 =	vadd.f32 v61, v15  }
0x171: {  	v62 =	vmul.f32 v2, v56;
	v15 =	vmul.f32 v17, v54;
	v18 =	vadd.f32 v34, v60;
	v34 =	vld [tilespmem:s24+$0xFFFFFF90]  }
0x172: {  	v11 =	vmul.f32 v11, v9;
	v50 =	vmul.f32 $5.000000000e-01, v6;
	v6 =	vadd.f32 v7, v16;
	v16 =	vld [tilespmem:s13+$0xFFFFFF70]  }
0x173: {  	v61 =	vmul.f32 v1, v55;
	v32 =	vmul.f32 v31, v32;
	v7 =	vadd.f32 v33, v45;
	v33 =	vld [tilespmem:s14+$0xFFFFFF70]  }
0x174: {  	s22 =	smov.u32 s17;
	s17 =	sadd.s32 $0x200, s17;
	v3 =	vmul.f32 v3, v0;
	v15 =	vmul.f32 v15, v17;
	v11 =	vsub.f32 $1.500000000e+00, v11;
	v45 =	vld [tilespmem:s24+$0xFFFFFF80]  }
0x175: {  	[tilespmem:s17+$0xF0] =	vst v32;
	v12 =	vadd.f32 v59, v12;
	v32 =	vmul.f32 v61, v1;
	v59 =	vmul.f32 v62, v2;
	v61 =	vld [tilespmem:s24+$0xFFFFFFC0]  }
0x176: {  	v60 =	vld [tilespmem:s14+$0xFFFFFFB0];
	v3 =	vsub.f32 $1.500000000e+00, v3;
	v54 =	vmul.f32 $5.000000000e-01, v6;
	v6 =	vmul.f32 v58, v8  }
0x177: {  	v58 =	vmul.f32 v18, v18;
	v55 =	vmul.f32 $5.000000000e-01, v12;
	v12 =	vadd.f32 v39, v63;
	v39 =	vld [tilespmem:s13+$0xFFFFFFB0]  }
0x178: {  	v0 =	vmul.f32 v3, v0;
	v3 =	vsub.f32 $1.500000000e+00, v15;
	v15 =	vadd.f32 v43, v34;
	v34 =	vld [tilespmem:s14+$0xFFFFFFF0]  }
0x179: {  	v9 =	vmul.f32 v11, v9;
	v16 =	vadd.f32 v33, v16;
	v19 =	vadd.f32 v35, v45;
	v35 =	vld [tilespmem:s24+$0xFFFFFFD0]  }
0x17a: {  	v32 =	vsub.f32 $1.500000000e+00, v32;
	v63 =	vadd.f32 v37, v61;
	v37 =	vld [tilespmem:s24+$0x10];
	v33 =	vmul.f32 v12, v12  }
0x17b: {  	v57 =	vmul.f32 v7, v7;
	v6 =	vsub.f32 $1.500000000e+00, v6;
	v56 =	vmul.f32 $5.000000000e-01, v16;
	v16 =	vld [tilespmem:s13+$0xFFFFFFF0]  }
0x17c: {  	v62 =	vld [tilespmem:s24+$0x0];
	v45 =	vmul.f32 v15, v15;
	v58 =	vadd.f32 v33, v58;
	v33 =	vmul.f32 v19, v19  }
0x17d: {  	v43 =	vsub.f32 $1.500000000e+00, v59;
	v6 =	vmul.f32 v6, v8;
	v8 =	vld [tilespmem:s13+$0x30];
	v39 =	vadd.f32 v60, v39  }
0x17e: {  	v61 =	vadd.f32 v45, v33;
	v45 =	vmul.f32 v3, v17;
	v17 =	vld [tilespmem:s24+$0x40];
	v60 =	vadd.f32 v44, v35  }
0x17f: {  	v11 =	vmul.f32 v63, v63;
	v35 =	vld [tilespmem:s14+$0x30];
	v44 =	vmul.f32 v32, v1;
	v32 =	vadd.f32 v52, v37  }
0x180: {  	v52 =	vmul.f32 v0, v20;
	v20 =	vmovc v7;
	v7 =	vld [tilespmem:s24+$0x90];
	v3 =	vadd.f32 v34, v16;
	v16 =	vmul.f32 v60, v60  }
0x181: {  	v43 =	vmul.f32 v43, v2;
	v59 =	vmul.f32 $5.000000000e-01, v39;
	v1 =	vld [tilespmem:s24+$0x50]  }
0x182: {  	v39 =	vmul.f32 v5, v4;
	v5 =	vld [tilespmem:s14+$0x70];
	v2 =	vadd.f32 v16, v11;
	v11 =	vmul.f32 v0, v27  }
0x183: {  	v33 =	vadd.f32 v49, v62;
	[tilespmem:s22+$0xFFFFFF10] =	vst v52;
	v62 =	vmul.f32 $5.000000000e-01, v3;
	v3 =	vld [tilespmem:s13+$0x70]  }
0x184: {  	v52 =	vld [tilespmem:$0x1FE30];
	v34 =	vadd.f32 v51, v17;
	v8 =	vadd.f32 v35, v8;
	[tilespmem:s22+$0xFFFFFF00] =	vst v11;
	v11 =	vmul.f32 v0, v26  }
0x185: {  	v37 =	vadd.f32 v48, v7;
	v7 =	vld [tilespmem:$0x1FE40]  }
0x186: {  	v35 =	vadd.f32 v53, v1;
	v49 =	vmul.f32 $5.000000000e-01, v8;
	v8 =	vmul.f32 v34, v34;
	[tilespmem:s22+$0xFFFFFF20] =	vst v11;
	v11 =	vld [tilespmem:$0x1FE20]  }
0x187: {  	v4 =	vmul.f32 v33, v33;
	v16 =	vmul.f32 v32, v32;
	v27 =	vld [tilespmem:s24+$0x80]  }
0x188: {  	v17 =	vmovc v18;
	v1 =	vld [tilespmem:s13+$0xB0];
	v0 =	vmul.f32 v0, v30;
	v3 =	vadd.f32 v5, v3;
	v5 =	vmul.f32 v35, v35  }
0x189: {  	v4 =	vadd.f32 v16, v4;
	v16 =	vld [tilespmem:s14+$0xB0];
	v26 =	vmul.f32 v9, v52;
	[tilespmem:$0x1FE20] =	vst v17  }
0x18a: {  	v17 =	vld [tilespmem:s24+$0xFFFFFF00];
	[tilespmem:s22+$0xFFFFFF30] =	vst v0;
	v7 =	vmul.f32 v6, v7;
	v52 =	vmul.f32 $5.000000000e-01, v3;
	v3 =	vadd.f32 v5, v8;
	v8 =	vmovc v19  }
0x18b: {  	v0 =	vld [tilespmem:s24+$0xFFFFFFA0];
	[tilespmem:$0x1FE40] =	vst v8;
	v11 =	vmul.f32 v9, v11  }
0x18c: {  	v48 =	vmul.f32 v45, v21;
	v18 =	vld [tilespmem:s24+$0xFFFFFF20];
	[tilespmem:s22+$0xFFFFFF80] =	vst v7  }
0x18d: {  	v8 =	vld [tilespmem:s24+$0xFFFFFFE0];
	[tilespmem:s22+$0xFFFFFF40] =	vst v11;
	v11 =	vmul.f32 v9, v25;
	v9 =	vmul.f32 v9, v29  }
0x18e: {  	v7 =	vmul.f32 v6, v24;
	[tilespmem:s22+$0xFFFFFFD0] =	vst v48;
	v25 =	vld [tilespmem:s24+$0xFFFFFF60]  }
0x18f: {  	[tilespmem:s22+$0xFFFFFF70] =	vst v9;
	v9 =	vld [tilespmem:$0x1FE50]  }
0x190: {  	v53 =	vmov v12;
	v12 =	vld [tilespmem:s24+$0x20];
	v36 =	vadd.f32 v36, v27;
	[tilespmem:s22+$0xFFFFFFA0] =	vst v7;
	v7 =	vmul.f32 v45, v22  }
0x191: {  	v21 =	vmov v60;
	v60 =	vld [tilespmem:s24+$0xB0];
	[tilespmem:s22+$0xFFFFFF50] =	vst v26  }
0x192: {  	v5 =	vmul.f32 v36, v36;
	v19 =	vadd.f32 v16, v1;
	v16 =	vld [tilespmem:s24+$0x60];
	v27 =	vadd.f32 v38, v17;
	[tilespmem:s22+$0xFFFFFFC0] =	vst v7  }
0x193: {  	v48 =	vld [tilespmem:s24+$0x30];
	v38 =	vmov v15;
	v24 =	vadd.f32 v42, v0;
	[tilespmem:s22+$0xFFFFFF60] =	vst v11;
	v11 =	vmul.f32 v37, v37  }
0x194: {  	v26 =	vadd.f32 v40, v18;
	v40 =	vmul.f32 v27, v27;
	[tilespmem:$0x1FE50] =	vst v38;
	v38 =	vld [tilespmem:s24+$0xFFFFFFF0];
	v9 =	vmul.f32 v6, v9  }
0x195: {  	v42 =	vadd.f32 v47, v12;
	v51 =	vadd.f32 v11, v5;
	v5 =	vld [tilespmem:s24+$0xA0];
	v6 =	vmul.f32 v6, v28  }
0x196: {  	v1 =	vadd.f32 v57, v40;
	v57 =	vmul.f32 v45, v23;
	v11 =	vmul.f32 v26, v26;
	[tilespmem:s22+$0xFFFFFF90] =	vst v9;
	v9 =	vld [tilespmem:s24+$0xFFFFFF30]  }
0x197: {  	v17 =	vmul.f32 v24, v24;
	v25 =	vadd.f32 v41, v25;
	[tilespmem:s22+$0xFFFFFFB0] =	vst v6;
	v6 =	vld [tilespmem:s24+$0xFFFFFF70]  }
0x198: {  	s21 =	sadd.s32 $0x8, s21;
	v12 =	vmul.f32 v42, v42;
	v8 =	vadd.f32 v46, v8;
	[tilespmem:s22+$0xFFFFFFE0] =	vst v57;
	v57 =	vld [tilespmem:s24+$0x70];
	v46 =	vadd.f32 v11, v1  }
0x199: {  	p1 =	slt.u32 s21, $0x70;
	v41 =	vadd.f32 v50, v16;
	v50 =	vadd.f32 v17, v61;
	v15 =	vmul.f32 v25, v25;
	v7 =	vld [tilespmem:s24+$0xFFFFFFB0]  }
.Ltmp0:
0x19a: {  	v23 =	vmovc v8;
	v11 =	vmul.f32 v8, v8;
	v8 =	vld [tilespmem:$0x1FD60];
	v38 =	vadd.f32 v62, v38;
	v40 =	vadd.f32 v54, v5;
	(pc) =	sbr.rel @p1 .LBB2_3-.Ltmp0, $4  }
0x19b: {  	v0 =	vmul.f32 v41, v41;
	v47 =	vadd.f32 v15, v58;
	v15 =	vld [tilespmem:$0x1FD40];
	v30 =	vadd.f32 v55, v9  }
0x19c: {  	[tilespmem:$0x1FE30] =	vst v53;
	v53 =	vmul.f32 $5.000000000e-01, v19;
	v29 =	vadd.f32 v56, v6;
	v55 =	vadd.f32 v11, v2;
	v11 =	vld [tilespmem:$0x1FD50]  }
0x19d: {  	v54 =	vadd.f32 v0, v3;
	v58 =	vmul.f32 v40, v40;
	v56 =	vadd.f32 v12, v4;
	v12 =	vld [tilespmem:$0x1FD70]  }
0x19e: {  	v22 =	vmovc v63;
	s24 =	sadd.s32 $0x200, s24;
	v4 =	vld [tilespmem:$0x1FD80];
	v28 =	vadd.f32 v59, v7;
	v61 =	vmul.f32 v30, v30;
	v59 =	vmul.f32 v29, v29  }
0x19f: {  	_ = 	snop  }
0x1a0: {  	v1 =	vadd.f32 v61, v46;
	_ =	sdelay $0x1  }
0x1a1: {  	v0 =	vmul.f32 v28, v28;
	(xrf2) =	vadd.scan.msk.f32 $0xffff, v1  }
0x1a2: {  	v48 =	vadd.f32 v49, v48;
	v3 =	vmul.f32 v38, v38;
	v2 =	vadd.f32 v59, v47  }
0x1a3: {  	v49 =	vld [tilespmem:$0x1FD90];
	v0 =	vadd.f32 v0, v50  }
0x1a4: {  	v5 =	vld [tilespmem:$0x1FDA0];
	v47 =	vadd.f32 v52, v57;
	v61 =	vmul.f32 v48, v48;
	v62 =	vadd.f32 v3, v55;
	(xrf2) =	vadd.scan.msk.f32 $0xffff, v2  }
0x1a5: {  	v8 =	vmul.f32 v44, v8;
	v9 =	vld [tilespmem:$0x1FDC0];
	v14 =	vmul.f32 v31, v14;
	(xrf2) =	vadd.scan.msk.f32 $0xffff, v0  }
0x1a6: {  	v17 =	vld [tilespmem:$0x1FE00];
	v46 =	vadd.f32 v53, v60;
	v63 =	vmul.f32 v47, v47;
	v1 =	vadd.f32 v61, v56;
	(xrf2) =	vadd.scan.msk.f32 $0xffff, v62  }
0x1a7: {  	v6 =	vadd.f32 v58, v51;
	v10 =	vmul.f32 v31, v10;
	v7 =	vmul.f32 v44, v15;
	v15 =	vld [tilespmem:$0x1FDE0]  }
0x1a8: {  	v13 =	vmul.f32 v31, v13;
	v3 =	vmul.f32 v46, v46;
	v50 =	vld [tilespmem:$0x1FDB0];
	v0 =	vadd.f32 v63, v54;
	(xrf2) =	vadd.scan.msk.f32 $0xffff, v1  }
0x1a9: {  	v51 =	vld [tilespmem:$0x1FDF0];
	v11 =	vmul.f32 v43, v11;
	v4 =	vmul.f32 v45, v4  }
0x1aa: {  	v2 =	vmul.f32 v44, v49;
	v3 =	vadd.f32 v3, v6;
	v6 =	vmul.f32 v43, v12;
	v12 =	vld [tilespmem:$0x1FDD0];
	(xrf2) =	vadd.scan.msk.f32 $0xffff, v0  }
0x1ab: {  	v5 =	vmul.f32 v44, v5;
	v9 =	vmul.f32 v43, v9;
	v16, _, _ =	vpop (xrf2)  }
0x1ac: {  	v17 =	vmul.f32 v39, v17;
	(xrf2) =	vadd.scan.msk.f32 $0xffff, v3;
	v16 =	vbroadcast v16, $0xF  }
0x1ad: {  	v15 =	vmul.f32 v39, v15;
	v1 =	vmul.f32 v43, v50  }
0x1ae: {  	v0 =	vmul.f32 v39, v51;
	v3, _, _ =	vpop (xrf2);
	v19 =	vshra.s32 v16, $0x1;
	v16 =	vmul.f32 $5.000000000e-01, v16  }
0x1af: {  	v12 =	vmul.f32 v39, v12;
	v18, _, _ =	vpop (xrf2);
	v3 =	vbroadcast v3, $0xF;
	v19 =	vsub.s32 $0x5F3759DF, v19  }
0x1b0: {  	v18 =	vbroadcast v18, $0xF;
	v52, _, _ =	vpop (xrf2);
	v55 =	vmul.f32 v19, v16  }
0x1b1: {  	v31 =	vshra.s32 v3, $0x1;
	v3 =	vmul.f32 $5.000000000e-01, v3;
	v39 =	vbroadcast v52, $0xF  }
0x1b2: {  	[tilespmem:s22+$0x20] =	vst v7;
	v54, _, _ =	vpop (xrf2);
	v53 =	vshra.s32 v18, $0x1;
	v18 =	vmul.f32 $5.000000000e-01, v18;
	v45 =	vmul.f32 v19, v55  }
0x1b3: {  	[tilespmem:s22+$0x30] =	vst v8;
	v31 =	vsub.s32 $0x5F3759DF, v31;
	v44 =	vbroadcast v54, $0xF;
	v43 =	vsub.s32 $0x5F3759DF, v53  }
0x1b4: {  	[tilespmem:s22+$0xFFFFFFF0] =	vst v4;
	v59, _, _ =	vpop (xrf2);
	v56 =	vmul.f32 $5.000000000e-01, v39;
	v4 =	vshra.s32 v39, $0x1;
	v45 =	vsub.f32 $1.500000000e+00, v45  }
0x1b5: {  	[tilespmem:s22+$0x10] =	vst v5;
	v57 =	vmul.f32 v31, v3;
	v5 =	vbroadcast v59, $0xF;
	v58 =	vsub.s32 $0x5F3759DF, v4  }
0x1b6: {  	[tilespmem:s22+$0x70] =	vst v11;
	v61, _, _ =	vpop (xrf2);
	v4 =	vshra.s32 v44, $0x1;
	v44 =	vmul.f32 $5.000000000e-01, v44;
	v19 =	vmul.f32 v19, v45  }
0x1b7: {  	[tilespmem:s17+$0xC0] =	vst v14;
	v60 =	vmul.f32 v43, v18;
	v51 =	vbroadcast v61, $0xF  }
0x1b8: {  	[tilespmem:s17+$0xD0] =	vst v10;
	v4 =	vsub.s32 $0x5F3759DF, v4;
	v39 =	vmul.f32 v31, v57;
	v16 =	vmul.f32 v19, v16  }
0x1b9: {  	[tilespmem:s17+$0xE0] =	vst v13;
	v7 =	vmul.f32 v58, v56;
	v8 =	vshra.s32 v5, $0x1;
	v62 =	vmul.f32 $5.000000000e-01, v5  }
0x1ba: {  	[tilespmem:s22+$0x0] =	vst v2;
	v5 =	vmul.f32 v4, v44;
	v39 =	vsub.f32 $1.500000000e+00, v39;
	v16 =	vmul.f32 v16, v19  }
0x1bb: {  	[tilespmem:s22+$0x50] =	vst v9;
	v50 =	vmul.f32 v43, v60;
	v7 =	vmul.f32 v58, v7  }
0x1bc: {  	[tilespmem:s22+$0x90] =	vst v15;
	v8 =	vsub.s32 $0x5F3759DF, v8;
	v11 =	vmul.f32 v31, v39;
	v15 =	vsub.f32 $1.500000000e+00, v16  }
0x1bd: {  	[tilespmem:s22+$0x60] =	vst v6;
	v63 =	vmul.f32 v8, v62;
	v31 =	vsub.f32 $1.500000000e+00, v50;
	v7 =	vsub.f32 $1.500000000e+00, v7  }
0x1be: {  	[tilespmem:s22+$0xB0] =	vst v17;
	v3 =	vmul.f32 v11, v3;
	v15 =	vmul.f32 v15, v19  }
0x1bf: {  	[tilespmem:s22+$0x40] =	vst v1;
	v2 =	vmul.f32 v58, v7;
	v16 =	vmul.f32 v43, v31  }
0x1c0: {  	[tilespmem:s22+$0xA0] =	vst v0;
	v3 =	vmul.f32 v3, v11;
	v7 =	vmul.f32 v15, v27  }
0x1c1: {  	[tilespmem:s22+$0x80] =	vst v12;
	v14 =	vmul.f32 v16, v18;
	v13 =	vmul.f32 v15, v20  }
0x1c2: {  	v5 =	vmul.f32 v4, v5;
	v3 =	vsub.f32 $1.500000000e+00, v3;
	[tilespmem:s17+$0xFFFFFF00] =	vst v7;
	v7 =	vmul.f32 v15, v26  }
0x1c3: {  	v10 =	vmul.f32 v14, v16;
	v14 =	vmul.f32 v15, v30;
	[tilespmem:s17+$0xFFFFFF10] =	vst v13  }
0x1c4: {  	v5 =	vsub.f32 $1.500000000e+00, v5;
	v3 =	vmul.f32 v3, v11;
	v11 =	vmul.f32 v2, v56;
	[tilespmem:s17+$0xFFFFFF20] =	vst v7  }
0x1c5: {  	v9 =	vmul.f32 $5.000000000e-01, v51;
	v6 =	vshra.s32 v51, $0x1;
	v51 =	vmul.f32 v8, v63;
	v7 =	vld [tilespmem:$0x1FE20];
	[tilespmem:s17+$0xFFFFFF30] =	vst v14  }
0x1c6: {  	v4 =	vmul.f32 v4, v5;
	v5 =	vsub.f32 $1.500000000e+00, v10;
	v10 =	vmul.f32 v11, v2;
	v11 =	vld [tilespmem:$0x1FE30]  }
0x1c7: {  	v0 =	vsub.f32 $1.500000000e+00, v51;
	_ =	sdelay $0x1  }
0x1c8: {  	v0 =	vmul.f32 v8, v0  }
0x1c9: {  	v7 =	vmul.f32 v3, v7  }
0x1ca: {  	v1 =	vmul.f32 v0, v62;
	v11 =	vmul.f32 v3, v11  }
0x1cb: {  	[tilespmem:s17+$0xFFFFFF40] =	vst v7;
	v7 =	vmul.f32 v3, v25  }
0x1cc: {  	v1 =	vmul.f32 v1, v0;
	v3 =	vmul.f32 v3, v29;
	[tilespmem:s17+$0xFFFFFF50] =	vst v11  }
0x1cd: {  	[tilespmem:s17+$0xFFFFFF60] =	vst v7  }
0x1ce: {  	v1 =	vsub.f32 $1.500000000e+00, v1;
	v7 =	vld [tilespmem:$0x1FE40];
	[tilespmem:s17+$0xFFFFFF70] =	vst v3  }
0x1cf: {  	v3 =	vld [tilespmem:$0x1FE50]  }
0x1d0: {  	v6 =	vsub.s32 $0x5F3759DF, v6;
	v0 =	vmul.f32 v1, v0  }
0x1d1: {  	v12 =	vmul.f32 v6, v9;
	v5 =	vmul.f32 v5, v16  }
0x1d2: {  	v13 =	vmul.f32 v4, v44;
	v54 =	vmul.f32 v0, v35  }
0x1d3: {  	v12 =	vmul.f32 v6, v12;
	v8 =	vsub.f32 $1.500000000e+00, v10;
	v7 =	vmul.f32 v5, v7  }
0x1d4: {  	v10 =	vmul.f32 v13, v4;
	[tilespmem:s17+$0x50] =	vst v54;
	v3 =	vmul.f32 v5, v3  }
0x1d5: {  	v2 =	vmul.f32 v8, v2;
	v11 =	vsub.f32 $1.500000000e+00, v12;
	[tilespmem:s17+$0xFFFFFF80] =	vst v7;
	v7 =	vmul.f32 v5, v24  }
0x1d6: {  	v5 =	vmul.f32 v5, v28;
	[tilespmem:s17+$0xFFFFFF90] =	vst v3  }
0x1d7: {  	v3 =	vmul.f32 v6, v11;
	v6 =	vsub.f32 $1.500000000e+00, v10;
	[tilespmem:s17+$0xFFFFFFA0] =	vst v7;
	v7 =	vmul.f32 v2, v22  }
0x1d8: {  	[tilespmem:s17+$0xFFFFFFB0] =	vst v5;
	v5 =	vmul.f32 v2, v21  }
0x1d9: {  	v4 =	vmul.f32 v6, v4;
	v6 =	vmul.f32 v2, v23;
	[tilespmem:s17+$0xFFFFFFC0] =	vst v7  }
0x1da: {  	v2 =	vmul.f32 v2, v38;
	v7 =	vmul.f32 v3, v9;
	[tilespmem:s17+$0xFFFFFFD0] =	vst v5  }
0x1db: {  	[tilespmem:s17+$0xFFFFFFE0] =	vst v6;
	v5 =	vmul.f32 v4, v33  }
0x1dc: {  	[tilespmem:s17+$0xFFFFFFF0] =	vst v2;
	v52 =	vmul.f32 v4, v42;
	v6 =	vmul.f32 v7, v3  }
0x1dd: {  	v53 =	vmul.f32 v4, v48;
	[tilespmem:s17+$0x0] =	vst v5  }
0x1de: {  	v7 =	vmul.f32 v4, v32;
	[tilespmem:s17+$0x20] =	vst v52;
	v4 =	vsub.f32 $1.500000000e+00, v6  }
0x1df: {  	v5 =	vmul.f32 v0, v34;
	[tilespmem:s17+$0x30] =	vst v53  }
0x1e0: {  	[tilespmem:s17+$0x10] =	vst v7;
	v55 =	vmul.f32 v4, v3;
	v3 =	vmul.f32 v0, v41  }
0x1e1: {  	[tilespmem:s17+$0x40] =	vst v5;
	v0 =	vmul.f32 v0, v47  }
0x1e2: {  	s13 =	sadd.s32 s11, s12;
	v56 =	vmul.f32 v55, v36;
	[tilespmem:s17+$0x60] =	vst v3  }
0x1e3: {  	s13 =	smul.u32 $0x78, s13;
	v3 =	vmul.f32 v55, v37;
	[tilespmem:s17+$0x70] =	vst v0  }
0x1e4: {  	v57 =	vmul.f32 v55, v40;
	[tilespmem:s17+$0x80] =	vst v56  }
0x1e5: {  	s13 =	smin.u32 s13, $0x74B8;
	v58 =	vmul.f32 v55, v46;
	[tilespmem:s17+$0x90] =	vst v3  }
0x1e6: {  	s13 =	sshll.u32 s13, $0x3;
	[tilespmem:s17+$0xA0] =	vst v57  }
0x1e7: {  	s13 =	sadd.s32 s8, s13;
	[tilespmem:s17+$0xB0] =	vst v58  }
0x1e8: {  	[hbm4b:s13+s5] =	stream.linear.scatter [tilespmem:s31], [sflag:$0x5], $0x1E00, $0x38;
	[tilespmem:$0xF1E0] =	vst v63  }
0x1e9: {  	_ =	swait.ge [sflag:s0], $0x1E00  }
0x1ea: {  	[sflag:s0] =	ssyncset.done $0x0  }
0x1eb: {  	[sflag:s0] =	ssyncadd.s32 $0xFFFFE200  }
0x1ec: {  	s12 =	sadd.s32 @!p0 s12, s16;
	_ =	swait.ge [sflag:s0], $0x1E00  }
0x1ed: {  	s12 =	smul.u32 @!p0 $0x78, s12;
	[sflag:s0] =	ssyncset.done $0x0  }
0x1ee: {  	[sflag:s0] =	ssyncadd.s32 $0xFFFFE200  }
0x1ef: {  	s12 =	smin.u32 @!p0 s12, $0x74B8;
	_ =	swait.ge [sflag:s0], $0x1E00  }
0x1f0: {  	s14 =	simm.s32 @!p0 $0x0;
	s12 =	sshrl.u32 @!p0 s12, $0x3;
	[sflag:s0] =	ssyncset.done $0x0  }
0x1f1: {  	s17 =	simm.s32 @!p0 $0x78;
	s13 =	sadd.s32 @!p0 s3, s12;
	[sflag:s0] =	ssyncadd.s32 $0xFFFFE200  }
0x1f2: {  	[tilespmem:s17], [sflag:$0x2] =	stream.linear.gather @!p0 [hbm4b:s13+s14], $0x78, $0x38;
	[tilespmem:$0xF1E0] =	vst v63  }
0x1f3: {  	s12 =	sadd.s32 @!p0 s4, s12;
	s13 =	simm.s32 @!p0 $0x168  }
0x1f4: {  	[tilespmem:s13], [sflag:$0x2] =	stream.linear.gather @!p0 [hbm4b:s12+s14], $0x78, $0x38;
	[tilespmem:$0xF1E0] =	vst v63  }
0x1f5: {  	s12 =	simm.s32 @!p0 $0x1  }
0x1f6: {  	_ =	swait.ge @!p0 [sflag:s12], $0x78  }
0x1f7: {  	[sflag:s12] =	ssyncset.done @!p0 $0x0  }
0x1f8: {  	[sflag:s12] =	ssyncadd.s32 @!p0 $0xFFFFFF88  }
0x1f9: {  	_ =	swait.ge @!p0 [sflag:s12], $0x78  }
0x1fa: {  	[sflag:s12] =	ssyncset.done @!p0 $0x0  }
0x1fb: {  	[sflag:s12] =	ssyncadd.s32 @!p0 $0xFFFFFF88;
	s12 =	simm.s32 @!p0 $0x1E0  }
0x1fc: {  	[tilespmem:s12], [sflag:$0x3] =	stream.indirect.gather @!p0 [hbm4b:s6+s17], $0x40, s14, s17, $0xb8;
	[tilespmem:$0xF1E0] =	vst v63  }
0x1fd: {  	s10 =	sshll.u32 @!p0 s10, $0x3;
	s13 =	simm.s32 @!p0 $0x3DE0;
	s12 =	simm.s32 @!p0 $0xF0  }
0x1fe: {  	[tilespmem:s13], [sflag:$0x3] =	stream.indirect.gather @!p0 [hbm4b:s7+s17], $0x40, s12, s17, $0xb8;
	[tilespmem:$0xF1E0] =	vst v63  }
0x1ff: {  	p1 =	seq.s32 @!p0 s18, $0x0;
	s10 =	sadd.s32 @!p0 s1, s10;
	s12 =	simm.s32 @!p0 $0x79E0  }
0x200: {  	[tilespmem:s12], [sflag:$0x3] =	stream.linear.gather @!p0 [hbm4b:s10+s14], $0x1E00, $0x38;
	[tilespmem:$0xF1E0] =	vst v63  }
0x201: {  	p0 =	por p0, !p1  }
0x202: {  	_ =	swait.ge @p0 [sflag:s23], $0x1E00  }
0x203: {  	[sflag:s23] =	ssyncset.done @p0 $0x0  }
0x204: {  	s17 =	simm.s32 $0x98E0;
	[sflag:s23] =	ssyncadd.s32 @p0 $0xFFFFE200  }
0x205: {  	s22 =	simm.s32 $0x20E0;
	v59 =	vld [tilespmem:s17+$0xC0]  }
0x206: {  	v60 =	vld [tilespmem:s22+$0xF0]  }
0x207: {  	s24 =	simm.s32 $0x5CE0;
	v61 =	vld [tilespmem:s22+$0xC0]  }
0x208: {  	v3 =	vld [tilespmem:s24+$0xC0]  }
0x209: {  	v4 =	vld [tilespmem:s22+$0xD0]  }
0x20a: {  	v5 =	vld [tilespmem:s24+$0xD0]  }
0x20b: {  	v6 =	vld [tilespmem:s22+$0xE0]  }
0x20c: {  	v7 =	vld [tilespmem:s24+$0xE0]  }
0x20d: {  	v8 =	vld [tilespmem:s24+$0xF0]  }
0x20e: {  	v9 =	vld [tilespmem:s17+$0xD0]  }
0x20f: {  	v10 =	vld [tilespmem:s22+$0xFFFFFF00]  }
0x210: {  	v11 =	vld [tilespmem:s17+$0xE0]  }
0x211: {  	v12 =	vld [tilespmem:s24+$0xFFFFFF00]  }
0x212: {  	v13 =	vld [tilespmem:s17+$0xF0]  }
0x213: {  	v14 =	vld [tilespmem:s22+$0xFFFFFF10]  }
0x214: {  	v15 =	vld [tilespmem:s24+$0xFFFFFF10]  }
0x215: {  	v20 =	vld [tilespmem:s22+$0xFFFFFF40]  }
0x216: {  	v21 =	vld [tilespmem:s24+$0xFFFFFF40]  }
0x217: {  	v22 =	vld [tilespmem:s22+$0xFFFFFF50]  }
0x218: {  	v23 =	vld [tilespmem:s24+$0xFFFFFF50]  }
0x219: {  	v24 =	vld [tilespmem:s22+$0xFFFFFF80]  }
0x21a: {  	v25 =	vld [tilespmem:s24+$0xFFFFFF80]  }
0x21b: {  	v26 =	vld [tilespmem:s22+$0xFFFFFF90]  }
0x21c: {  	v27 =	vld [tilespmem:s24+$0xFFFFFF90]  }
0x21d: {  	v28 =	vld [tilespmem:s22+$0xFFFFFFC0]  }
0x21e: {  	v29 =	vld [tilespmem:s24+$0xFFFFFFC0]  }
0x21f: {  	v30 =	vld [tilespmem:s22+$0xFFFFFFD0]  }
0x220: {  	v31 =	vld [tilespmem:s24+$0xFFFFFFD0]  }
0x221: {  	v32 =	vld [tilespmem:s22+$0x0]  }
0x222: {  	v33 =	vld [tilespmem:s24+$0x0]  }
0x223: {  	v34 =	vld [tilespmem:s22+$0x10]  }
0x224: {  	v35 =	vld [tilespmem:s24+$0x10]  }
0x225: {  	v36 =	vld [tilespmem:s22+$0x40]  }
0x226: {  	v62 =	vld [tilespmem:s24+$0x40]  }
0x227: {  	v38 =	vld [tilespmem:s22+$0x50]  }
0x228: {  	v63 =	vld [tilespmem:s24+$0x50]  }
0x229: {  	v40 =	vld [tilespmem:s22+$0x80]  }
0x22a: {  	v41 =	vld [tilespmem:s24+$0x80]  }
0x22b: {  	v42 =	vld [tilespmem:s22+$0x90]  }
0x22c: {  	v43 =	vld [tilespmem:s24+$0x90];
	v6 =	vadd.f32 v7, v6  }
0x22d: {  	v2 =	vadd.f32 v3, v61;
	v3 =	vadd.f32 v5, v4;
	v4 =	vld [tilespmem:s22+$0xFFFFFF20]  }
0x22e: {  	v5 =	vld [tilespmem:s24+$0xFFFFFF20];
	v56 =	vmul.f32 $5.000000000e-01, v6  }
0x22f: {  	v7 =	vld [tilespmem:s22+$0xFFFFFF60];
	v2 =	vmul.f32 $5.000000000e-01, v2  }
0x230: {  	v1 =	vadd.f32 v8, v60;
	v8 =	vld [tilespmem:s24+$0xFFFFFF60];
	v3 =	vmul.f32 $5.000000000e-01, v3;
	v16 =	vadd.f32 v56, v11  }
0x231: {  	v18 =	vadd.f32 v2, v59;
	v2 =	vld [tilespmem:s22+$0xFFFFFFA0]  }
0x232: {  	v17 =	vadd.f32 v3, v9;
	v3 =	vld [tilespmem:s24+$0xFFFFFFA0];
	[tilespmem:$0x1FB50] =	vst v16  }
0x233: {  	v1 =	vmul.f32 $5.000000000e-01, v1;
	v9 =	vld [tilespmem:s22+$0xFFFFFFE0]  }
0x234: {  	v11 =	vld [tilespmem:s24+$0xFFFFFFE0]  }
0x235: {  	v19 =	vadd.f32 v1, v13;
	v13 =	vld [tilespmem:s24+$0x20]  }
0x236: {  	v44 =	vld [tilespmem:s22+$0x60]  }
0x237: {  	v45 =	vld [tilespmem:s24+$0x60]  }
0x238: {  	v1 =	vld [tilespmem:s22+$0xA0]  }
0x239: {  	v46 =	vld [tilespmem:s24+$0xA0]  }
0x23a: {  	v47 =	vld [tilespmem:s22+$0xFFFFFF30]  }
0x23b: {  	v57 =	vmul.f32 v18, v18;
	v6 =	vmul.f32 v17, v17;
	v48 =	vld [tilespmem:s24+$0xFFFFFF30]  }
0x23c: {  	v60 =	vld [tilespmem:s17+$0xFFFFFF40]  }
0x23d: {  	v58 =	vmul.f32 v16, v16;
	v61 =	vld [tilespmem:s17+$0xFFFFFF50];
	v0 =	vadd.f32 v6, v57  }
0x23e: {  	v51 =	vld [tilespmem:s22+$0xFFFFFF70]  }
0x23f: {  	v59 =	vmul.f32 v19, v19;
	v52 =	vld [tilespmem:s24+$0xFFFFFF70];
	v0 =	vadd.f32 v58, v0  }
0x240: {  	v10 =	vadd.f32 v12, v10;
	v12 =	vld [tilespmem:s17+$0xFFFFFF80]  }
0x241: {  	v14 =	vadd.f32 v15, v14;
	v15 =	vld [tilespmem:s17+$0xFFFFFF90];
	v0 =	vadd.f32 v59, v0  }
0x242: {  	v53 =	vld [tilespmem:s22+$0xFFFFFFB0]  }
0x243: {  	v54 =	vld [tilespmem:s24+$0xFFFFFFB0];
	(xrf2) =	vadd.scan.msk.f32 $0xffff, v0  }
0x244: {  	v55 =	vld [tilespmem:s17+$0xFFFFFFC0]  }
0x245: {  	v56 =	vld [tilespmem:s17+$0xFFFFFFD0]  }
0x246: {  	v63 =	vadd.f32 v63, v38;
	v38 =	vld [tilespmem:s24+$0x30]  }
0x247: {  	v39 =	vld [tilespmem:s17+$0x40]  }
0x248: {  	v6 =	vld [tilespmem:s22+$0x20]  }
0x249: {  	v4 =	vadd.f32 v5, v4;
	v5 =	vld [tilespmem:s17+$0x50]  }
0x24a: {  	v20 =	vadd.f32 v21, v20;
	v7 =	vadd.f32 v8, v7;
	v8 =	vld [tilespmem:s22+$0x70]  }
0x24b: {  	v21 =	vadd.f32 v23, v22;
	v22 =	vadd.f32 v25, v24;
	v57 =	vld [tilespmem:s22+$0xFFFFFFF0]  }
0x24c: {  	v25 =	vadd.f32 v29, v28;
	v14 =	vmul.f32 $5.000000000e-01, v14;
	v2 =	vadd.f32 v3, v2;
	v0 =	vld [tilespmem:s17+$0xFFFFFF10]  }
0x24d: {  	v24 =	vmul.f32 $5.000000000e-01, v20;
	v3 =	vadd.f32 v11, v9;
	v9 =	vld [tilespmem:s24+$0x70];
	v59 =	vadd.f32 v13, v6;
	v23, _, _ =	vpop (xrf2)  }
0x24e: {  	v13 =	vld [tilespmem:s17+$0x90];
	v20 =	vbroadcast v23, $0xF;
	v23 =	vmul.f32 $5.000000000e-01, v21;
	v21 =	vadd.f32 v27, v26  }
0x24f: {  	v6 =	vmul.f32 $5.000000000e-01, v3;
	v3 =	vadd.f32 v45, v44;
	v27 =	vadd.f32 v35, v34;
	v35 =	vld [tilespmem:s22+$0x30]  }
0x250: {  	v22 =	vmul.f32 $5.000000000e-01, v22;
	v28 =	vmul.f32 $5.000000000e-01, v21;
	v21 =	vadd.f32 v31, v30;
	v30 =	vld [tilespmem:s24+$0xFFFFFFF0]  }
0x251: {  	v60 =	vadd.f32 v24, v60;
	v44 =	vmul.f32 $5.000000000e-01, v3;
	v16 =	vadd.f32 v14, v0;
	v31 =	vld [tilespmem:s17+$0x0]  }
0x252: {  	v37 =	vmul.f32 $5.000000000e-01, v27;
	v27 =	vadd.f32 v43, v42;
	v42 =	vmul.f32 $5.000000000e-01, v4;
	v4 =	vld [tilespmem:s17+$0x80]  }
0x253: {  	v3 =	vadd.f32 v23, v61;
	v58 =	vmul.f32 $5.000000000e-01, v21;
	v21 =	vadd.f32 v33, v32;
	v32 =	vld [tilespmem:s17+$0x10];
	[tilespmem:$0x1FBB0] =	vst v16  }
0x254: {  	v62 =	vadd.f32 v62, v36;
	v29 =	vmul.f32 $5.000000000e-01, v25;
	[tilespmem:$0x1FBE0] =	vst v60  }
0x255: {  	v61 =	vadd.f32 v48, v47;
	v47 =	vmul.f32 v16, v16;
	v16 =	vadd.f32 v22, v12;
	v14 =	vld [tilespmem:s22+$0xB0];
	[tilespmem:$0x1FBF0] =	vst v3  }
0x256: {  	v1 =	vadd.f32 v46, v1;
	v23 =	vadd.f32 v28, v15;
	v46 =	vld [tilespmem:s24+$0xB0]  }
0x257: {  	v10 =	vmul.f32 $5.000000000e-01, v10;
	v34 =	vmul.f32 $5.000000000e-01, v63;
	v63 =	vadd.f32 v29, v55;
	v48 =	vld [tilespmem:s17+$0xFFFFFF00];
	[tilespmem:$0x1FC40] =	vst v16  }
0x258: {  	v7 =	vmul.f32 $5.000000000e-01, v7;
	v11 =	vmul.f32 $5.000000000e-01, v2;
	v58 =	vadd.f32 v58, v56;
	v12 =	vld [tilespmem:s17+$0xFFFFFF20];
	[tilespmem:$0x1FC50] =	vst v23  }
0x259: {  	v33 =	vmul.f32 $5.000000000e-01, v62;
	v62 =	vmul.f32 v60, v60;
	[tilespmem:$0x1FD10] =	vst v63  }
0x25a: {  	v2 =	vadd.f32 v52, v51;
	v3 =	vmul.f32 v3, v3;
	v36 =	vmul.f32 $5.000000000e-01, v21;
	v15 =	vld [tilespmem:s17+$0xFFFFFF60];
	[tilespmem:$0x1FD20] =	vst v58  }
0x25b: {  	v51 =	vadd.f32 v54, v53;
	v8 =	vadd.f32 v9, v8;
	v26 =	vshra.s32 v20, $0x1;
	v50 =	vld [tilespmem:s17+$0xFFFFFFA0]  }
0x25c: {  	v20 =	vmul.f32 $5.000000000e-01, v20;
	v49 =	vadd.f32 v3, v62;
	v62 =	vadd.f32 v36, v31;
	v54 =	vld [tilespmem:s17+$0xFFFFFFE0]  }
0x25d: {  	v43 =	vmul.f32 $5.000000000e-01, v59;
	v60 =	vmul.f32 v63, v63;
	v63 =	vadd.f32 v37, v32;
	v31 =	vld [tilespmem:s17+$0x20]  }
0x25e: {  	v26 =	vsub.s32 $0x5F3759DF, v26;
	v22 =	vmul.f32 $5.000000000e-01, v61;
	v61 =	vmul.f32 v58, v58;
	v56 =	vld [tilespmem:s17+$0x60];
	[tilespmem:$0x1FAD0] =	vst v62  }
0x25f: {  	v21 =	vadd.f32 v41, v40;
	v59 =	vmul.f32 v23, v23;
	v3 =	vmul.f32 v16, v16;
	[tilespmem:$0x1FAE0] =	vst v63  }
0x260: {  	v53 =	vadd.f32 v61, v60;
	v60 =	vmul.f32 v62, v62;
	v62 =	vadd.f32 v33, v39;
	v55 =	vld [tilespmem:s17+$0xA0]  }
0x261: {  	v40 =	vmul.f32 $5.000000000e-01, v21;
	v61 =	vmul.f32 v63, v63;
	v63 =	vadd.f32 v34, v5;
	v33 =	vld [tilespmem:s17+$0xFFFFFF30]  }
0x262: {  	v41 =	vmul.f32 $5.000000000e-01, v27;
	v30 =	vadd.f32 v30, v57;
	v36 =	vadd.f32 v10, v48;
	v58 =	vld [tilespmem:s17+$0xFFFFFF70];
	[tilespmem:$0x1FAF0] =	vst v62  }
0x263: {  	v25 =	vmul.f32 v26, v20;
	v52 =	vadd.f32 v59, v3;
	v32 =	vadd.f32 v40, v4;
	[tilespmem:$0x1FB00] =	vst v63  }
0x264: {  	v37 =	vmul.f32 $5.000000000e-01, v2;
	v5 =	vadd.f32 v38, v35;
	v35 =	vadd.f32 v41, v13;
	v59 =	vld [tilespmem:s17+$0xFFFFFFB0];
	[tilespmem:$0x1FBA0] =	vst v36  }
0x265: {  	v39 =	vmul.f32 $5.000000000e-01, v30;
	v48 =	vmul.f32 $5.000000000e-01, v8;
	v38 =	vadd.f32 v42, v12;
	v10 =	vld [tilespmem:s17+$0xFFFFFFF0];
	[tilespmem:$0x1FB10] =	vst v32  }
0x266: {  	v30 =	vmul.f32 v62, v62;
	v34 =	vmul.f32 v63, v63;
	v40 =	vadd.f32 v7, v15;
	v41 =	vld [tilespmem:s17+$0x30];
	[tilespmem:$0x1FB20] =	vst v35  }
0x267: {  	v8 =	vadd.f32 v46, v14;
	v13 =	vmul.f32 v32, v32;
	v12 =	vmul.f32 v36, v36;
	[tilespmem:$0x1FBC0] =	vst v38  }
0x268: {  	s21 =	simm.s32 $0x9AE0;
	v50 =	vadd.f32 v11, v50;
	v9 =	vadd.f32 v34, v30;
	v30 =	vmul.f32 v35, v35;
	v42 =	vld [tilespmem:s17+$0x70];
	[tilespmem:$0x1FC00] =	vst v40  }
0x269: {  	s10 =	simm.s32 $0x22E0;
	v57 =	vadd.f32 v61, v60;
	v60 =	vmul.f32 $5.000000000e-01, v5;
	v5 =	vadd.f32 v6, v54;
	v14 =	vld [tilespmem:s21+$0xC0]  }
0x26a: {  	v7 =	vmul.f32 v38, v38;
	v12 =	vadd.f32 v47, v12;
	v46 =	vadd.f32 v30, v13;
	v13 =	vld [tilespmem:s10+$0xF0];
	[tilespmem:$0x1FC70] =	vst v50  }
0x26b: {  	s12 =	simm.s32 $0x5EE0;
	v15 =	vadd.f32 v43, v31;
	v11 =	vmul.f32 v40, v40;
	v61 =	vadd.f32 v22, v33;
	v6 =	vld [tilespmem:s10+$0xC0]  }
0x26c: {  	v45 =	vmul.f32 $5.000000000e-01, v1;
	v31 =	vadd.f32 v7, v12;
	v63 =	vadd.f32 v37, v58;
	v43 =	vld [tilespmem:s12+$0xC0]  }
0x26d: {  	v25 =	vmul.f32 v26, v25;
	v12 =	vadd.f32 v44, v56;
	v44 =	vadd.f32 v11, v49;
	v49 =	vld [tilespmem:s10+$0xD0];
	[tilespmem:$0x1FBD0] =	vst v61  }
0x26e: {  	v51 =	vmul.f32 $5.000000000e-01, v51;
	v7 =	vmul.f32 v50, v50;
	v56 =	vadd.f32 v45, v55;
	v22 =	vld [tilespmem:s12+$0xD0];
	[tilespmem:$0x1FC10] =	vst v63  }
0x26f: {  	v25 =	vsub.f32 $1.500000000e+00, v25;
	v47 =	vmul.f32 $5.000000000e-01, v8;
	v8 =	vmul.f32 v5, v5;
	v50 =	vld [tilespmem:s10+$0xE0]  }
0x270: {  	v45 =	vadd.f32 v7, v52;
	v58 =	vmul.f32 v12, v12;
	v7 =	vadd.f32 v51, v59;
	v51 =	vld [tilespmem:s12+$0xE0];
	[tilespmem:$0x1FB30] =	vst v56  }
0x271: {  	v21 =	vmul.f32 v26, v25;
	v4 =	vadd.f32 v39, v10;
	v10 =	vld [tilespmem:s12+$0xF0]  }
0x272: {  	v62 =	vmul.f32 v15, v15;
	v53 =	vadd.f32 v8, v53;
	v52 =	vadd.f32 v58, v9;
	v9 =	vld [tilespmem:s21+$0xD0]  }
0x273: {  	v59 =	vmul.f32 v61, v61;
	v61 =	vmul.f32 v63, v63;
	v8 =	vadd.f32 v60, v41;
	v60 =	vld [tilespmem:s17+$0xB0]  }
0x274: {  	v20 =	vmul.f32 v21, v20;
	v33 =	vadd.f32 v62, v57;
	v54 =	vmul.f32 v56, v56;
	v63 =	vld [tilespmem:s21+$0xE0]  }
0x275: {  	v62 =	vmul.f32 v7, v7;
	v31 =	vadd.f32 v59, v31;
	v44 =	vadd.f32 v61, v44;
	v56 =	vld [tilespmem:s10+$0xFFFFFF00]  }
0x276: {  	v20 =	vmul.f32 v20, v21;
	v35 =	vld [tilespmem:s21+$0xF0];
	v43 =	vadd.f32 v43, v6;
	v22 =	vadd.f32 v22, v49  }
0x277: {  	v11 =	vadd.f32 v48, v42;
	v34 =	vmul.f32 v4, v4;
	v55 =	vld [tilespmem:s12+$0xFFFFFF10];
	v45 =	vadd.f32 v62, v45;
	(xrf2) =	vadd.scan.msk.f32 $0xffff, v31  }
0x278: {  	v31 =	vld [tilespmem:s10+$0xFFFFFF40];
	v2 =	vmul.f32 $5.000000000e-01, v43;
	v32 =	vadd.f32 v51, v50;
	v22 =	vmul.f32 $5.000000000e-01, v22  }
0x279: {  	v57 =	vmul.f32 v8, v8;
	(xrf2) =	vadd.scan.msk.f32 $0xffff, v44;
	v44 =	vld [tilespmem:s12+$0xFFFFFF40];
	v13 =	vadd.f32 v10, v13;
	v58 =	vadd.f32 v47, v60  }
0x27a: {  	v51 =	vld [tilespmem:s12+$0xFFFFFF00];
	v14 =	vadd.f32 v2, v14;
	v10 =	vadd.f32 v22, v9;
	v22 =	vmul.f32 $5.000000000e-01, v32  }
0x27b: {  	v61 =	vadd.f32 v34, v53;
	v33 =	vadd.f32 v57, v33;
	v43 =	vld [tilespmem:s10+$0xFFFFFF10];
	v59 =	vmul.f32 $5.000000000e-01, v13;
	[tilespmem:$0x1FB40] =	vst v58  }
0x27c: {  	(xrf2) =	vadd.scan.msk.f32 $0xffff, v45;
	v45 =	vld [tilespmem:s10+$0xFFFFFF50];
	v13 =	vadd.f32 v22, v63;
	v22 =	vmul.f32 v14, v14;
	v60 =	vmul.f32 v10, v10  }
0x27d: {  	v20 =	vsub.f32 $1.500000000e+00, v20;
	v62 =	vmul.f32 v11, v11;
	(xrf2) =	vadd.scan.msk.f32 $0xffff, v61;
	v49 =	vld [tilespmem:s12+$0xFFFFFF50]  }
0x27e: {  	(xrf2) =	vadd.scan.msk.f32 $0xffff, v33;
	v33 =	vld [tilespmem:s10+$0xFFFFFF80];
	v6 =	vadd.f32 v59, v35;
	v22 =	vadd.f32 v60, v22;
	v63 =	vmul.f32 v13, v13  }
0x27f: {  	v20 =	vmul.f32 v20, v21;
	v46 =	vadd.f32 v54, v46;
	v1 =	vmul.f32 v58, v58;
	v50 =	vld [tilespmem:s12+$0xFFFFFF80]  }
0x280: {  	v48 =	vadd.f32 v62, v52;
	v39 =	vld [tilespmem:s10+$0xFFFFFF90];
	v2 =	vmul.f32 v6, v6;
	v22 =	vadd.f32 v63, v22  }
0x281: {  	v52 =	vld [tilespmem:s12+$0xFFFFFF90];
	v42 =	vadd.f32 v1, v46;
	v32, _, _ =	vpop (xrf2)  }
0x282: {  	v36 =	vmul.f32 v20, v18;
	(xrf2) =	vadd.scan.msk.f32 $0xffff, v48;
	v53 =	vld [tilespmem:s12+$0xFFFFFFC0];
	v18 =	vbroadcast v32, $0xF;
	v22 =	vadd.f32 v2, v22  }
0x283: {  	v21 =	vld [tilespmem:s10+$0xFFFFFFD0];
	(xrf2) =	vadd.scan.msk.f32 $0xffff, v42  }
0x284: {  	v54 =	vld [tilespmem:s12+$0xFFFFFFD0];
	v35 =	vmul.f32 v20, v19;
	v38 =	vshra.s32 v18, $0x1;
	(xrf2) =	vadd.scan.msk.f32 $0xffff, v22  }
0x285: {  	v19 =	vsub.s32 $0x5F3759DF, v38;
	v38 =	vld [tilespmem:$0x1FB50]  }
0x286: {  	v22 =	vld [tilespmem:s10+$0xFFFFFFC0];
	[tilespmem:$0x1FC30] =	vst v35  }
0x287: {  	v37 =	vadd.f32 v51, v56;
	v16 =	vld [tilespmem:s10+$0x0];
	[tilespmem:$0x1FC60] =	vst v36  }
0x288: {  	v34, _, _ =	vpop (xrf2);
	v59 =	vld [tilespmem:s12+$0x0]  }
0x289: {  	v57, _, _ =	vpop (xrf2);
	v61 =	vld [tilespmem:s10+$0x10];
	[tilespmem:$0x1FC80] =	vst v37  }
0x28a: {  	v44 =	vadd.f32 v44, v31;
	v58, _, _ =	vpop (xrf2);
	v62 =	vld [tilespmem:s12+$0x10]  }
0x28b: {  	v9 =	vmul.f32 v20, v17;
	v43 =	vadd.f32 v55, v43;
	v45 =	vadd.f32 v49, v45;
	v60, _, _ =	vpop (xrf2);
	v55 =	vld [tilespmem:s10+$0x40]  }
0x28c: {  	v17 =	vbroadcast v34, $0xF;
	v40 =	vadd.f32 v50, v33;
	v41 =	vadd.f32 v52, v39;
	v56, _, _ =	vpop (xrf2);
	v49 =	vld [tilespmem:s12+$0x40]  }
0x28d: {  	v46 =	vadd.f32 v54, v21;
	v1 =	vbroadcast v57, $0xF;
	v60 =	vbroadcast v60, $0xF;
	v50 =	vld [tilespmem:s10+$0x50];
	v31, _, _ =	vpop (xrf2)  }
0x28e: {  	v63 =	vshra.s32 v17, $0x1;
	v35 =	vmul.f32 $5.000000000e-01, v18;
	v37 =	vmul.f32 $5.000000000e-01, v17;
	v2 =	vld [tilespmem:s12+$0x50];
	v47, _, _ =	vpop (xrf2)  }
0x28f: {  	v63 =	vsub.s32 $0x5F3759DF, v63;
	v30 =	vmul.f32 $5.000000000e-01, v60;
	v33 =	vld [tilespmem:s10+$0x90];
	v0 =	vbroadcast v47, $0xF  }
0x290: {  	v32 =	vmul.f32 v19, v35;
	v21 =	vld [tilespmem:s12+$0x90];
	v36 =	vmul.f32 v63, v37;
	v42 =	vadd.f32 v53, v22  }
0x291: {  	v22 =	vld [tilespmem:s10+$0x80];
	v48 =	vadd.f32 v59, v16;
	v39 =	vshra.s32 v0, $0x1;
	v59 =	vmul.f32 $5.000000000e-01, v0  }
0x292: {  	v18 =	vmul.f32 v19, v32;
	v47 =	vld [tilespmem:s12+$0x80];
	v0 =	vmul.f32 v20, v38;
	v57 =	vsub.s32 $0x5F3759DF, v39  }
0x293: {  	v16 =	vshra.s32 v1, $0x1;
	v39 =	vmul.f32 $5.000000000e-01, v1;
	v34 =	vmul.f32 v57, v59  }
0x294: {  	v52 =	vmul.f32 v63, v36;
	v54 =	vadd.f32 v62, v61;
	v16 =	vsub.s32 $0x5F3759DF, v16  }
0x295: {  	[tilespmem:$0x1FC90] =	vst v0;
	v17 =	vmul.f32 v16, v39;
	v62 =	vmul.f32 v57, v34;
	v34 =	vadd.f32 v21, v33  }
0x296: {  	v31 =	vbroadcast v31, $0xF;
	v51 =	vadd.f32 v49, v55;
	v53 =	vadd.f32 v2, v50;
	v23 =	vld [tilespmem:s10+$0xFFFFFF20]  }
0x297: {  	v50 =	vadd.f32 v47, v22;
	v47 =	vsub.f32 $1.500000000e+00, v52;
	v49 =	vld [tilespmem:s12+$0xFFFFFF20];
	v17 =	vmul.f32 v16, v17;
	[tilespmem:$0x1FC20] =	vst v34  }
0x298: {  	v18 =	vsub.f32 $1.500000000e+00, v18;
	v21 =	vbroadcast v58, $0xF;
	v20 =	vsub.f32 $1.500000000e+00, v62;
	v58 =	vld [tilespmem:s12+$0xFFFFFF60]  }
0x299: {  	v32 =	vmul.f32 $5.000000000e-01, v31;
	v25 =	vmul.f32 v63, v47;
	v17 =	vsub.f32 $1.500000000e+00, v17;
	v61 =	vld [tilespmem:s10+$0xFFFFFFA0]  }
0x29a: {  	v36 =	vshra.s32 v21, $0x1;
	v63 =	vmul.f32 $5.000000000e-01, v21;
	v22 =	vmul.f32 v57, v20;
	v57 =	vld [tilespmem:s10+$0xFFFFFF60]  }
0x29b: {  	v38 =	vshra.s32 v60, $0x1;
	v34 =	vld [tilespmem:s10+$0xFFFFFFE0];
	v28 =	vmul.f32 v16, v17;
	v16 =	vsub.s32 $0x5F3759DF, v36  }
0x29c: {  	v55 =	vsub.s32 $0x5F3759DF, v38;
	v29 =	vld [tilespmem:s12+$0xFFFFFFE0];
	v17 =	vbroadcast v56, $0xF;
	v47 =	vmul.f32 v16, v63  }
0x29d: {  	v24 =	vmul.f32 v19, v18;
	v19 =	vmul.f32 v55, v30;
	v49 =	vadd.f32 v49, v23;
	v56 =	vld [tilespmem:s12+$0xFFFFFFA0]  }
0x29e: {  	v33 =	vld [tilespmem:s10+$0x20];
	v36 =	vmul.f32 $5.000000000e-01, v17;
	v17 =	vshra.s32 v17, $0x1;
	v60 =	vmul.f32 v16, v47  }
0x29f: {  	v38 =	vld [tilespmem:s12+$0x20];
	v20 =	vmul.f32 v55, v19;
	v18 =	vsub.s32 $0x5F3759DF, v17;
	v58 =	vadd.f32 v58, v57  }
0x2a0: {  	v17 =	vshra.s32 v31, $0x1;
	v52 =	vmul.f32 v18, v36;
	v31 =	vsub.f32 $1.500000000e+00, v60;
	v60 =	vld [tilespmem:s10+$0x60];
	[tilespmem:$0x1FCA0] =	vst v49  }
0x2a1: {  	v20 =	vsub.f32 $1.500000000e+00, v20;
	v17 =	vsub.s32 $0x5F3759DF, v17;
	v27 =	vld [tilespmem:s12+$0x60];
	[tilespmem:$0x1FCB0] =	vst v58  }
0x2a2: {  	v58 =	vmul.f32 v16, v31;
	v47 =	vld [tilespmem:s10+$0xA0];
	v31 =	vmul.f32 v18, v52;
	v52 =	vadd.f32 v56, v61  }
0x2a3: {  	v21 =	vmul.f32 v55, v20;
	v19 =	vmul.f32 v17, v32;
	v49 =	vld [tilespmem:s12+$0xA0]  }
0x2a4: {  	v16 =	vmul.f32 v22, v59;
	[tilespmem:$0x1FCC0] =	vst v52;
	v20 =	vsub.f32 $1.500000000e+00, v31;
	v31 =	vmul.f32 v25, v37;
	v37 =	vld [tilespmem:$0x1FBB0]  }
0x2a5: {  	v35 =	vmul.f32 v24, v35;
	v34 =	vadd.f32 v29, v34;
	v19 =	vmul.f32 v17, v19;
	v26 =	vld [tilespmem:s21+$0xFFFFFF10]  }
0x2a6: {  	v16 =	vmul.f32 v16, v22;
	v56 =	vld [tilespmem:s10+$0xFFFFFF30]  }
0x2a7: {  	v35 =	vmul.f32 v35, v24;
	v38 =	vadd.f32 v38, v33;
	v19 =	vsub.f32 $1.500000000e+00, v19;
	v57 =	vld [tilespmem:s12+$0xFFFFFF30];
	[tilespmem:$0x1FCD0] =	vst v34  }
0x2a8: {  	v16 =	vsub.f32 $1.500000000e+00, v16;
	v23 =	vmul.f32 v18, v20;
	v18 =	vmul.f32 v31, v25;
	v20 =	vld [tilespmem:s21+$0xFFFFFF40]  }
0x2a9: {  	v34 =	vmul.f32 v17, v19;
	v19 =	vld [tilespmem:s21+$0xFFFFFF50];
	v17 =	vmul.f32 $5.000000000e-01, v43;
	v47 =	vadd.f32 v49, v47  }
0x2aa: {  	[tilespmem:$0x1FCE0] =	vst v38;
	v38 =	vld [tilespmem:$0x1FBC0];
	v31 =	vmul.f32 v16, v22;
	v22 =	vsub.f32 $1.500000000e+00, v18  }
0x2ab: {  	v43 =	vld [tilespmem:s10+$0xFFFFFF70];
	v16 =	vsub.f32 $1.500000000e+00, v35;
	[tilespmem:$0x1FCF0] =	vst v47;
	v2 =	vadd.f32 v17, v26  }
0x2ac: {  	v25 =	vmul.f32 v22, v25;
	v17 =	vmul.f32 $5.000000000e-01, v44;
	v22 =	vld [tilespmem:s21+$0xFFFFFF80];
	v49 =	vadd.f32 v57, v56  }
0x2ad: {  	v18 =	vadd.f32 v27, v60;
	v27 =	vmul.f32 $5.000000000e-01, v40;
	v40 =	vld [tilespmem:$0x1FBD0];
	v26 =	vmul.f32 $5.000000000e-01, v45  }
0x2ae: {  	v24 =	vmul.f32 v16, v24;
	v16 =	vld [tilespmem:s12+$0xFFFFFF70];
	[tilespmem:$0x1FD00] =	vst v49;
	v52 =	vadd.f32 v17, v20  }
0x2af: {  	v3 =	vadd.f32 v26, v19;
	v56 =	vld [tilespmem:s21+$0xFFFFFF90]  }
0x2b0: {  	v30 =	vmul.f32 v21, v30;
	v59 =	vld [tilespmem:s10+$0xFFFFFFB0];
	[tilespmem:$0x1FB60] =	vst v52  }
0x2b1: {  	v60 =	vadd.f32 v27, v22;
	v27 =	vld [tilespmem:s12+$0xFFFFFFB0];
	[tilespmem:$0x1FB70] =	vst v3  }
0x2b2: {  	v30 =	vmul.f32 v30, v21;
	v62 =	vld [tilespmem:s21+$0xFFFFFFC0]  }
0x2b3: {  	v55 =	vmul.f32 v58, v63;
	v26 =	vmul.f32 $5.000000000e-01, v41;
	v63 =	vld [tilespmem:s21+$0xFFFFFFD0]  }
0x2b4: {  	v30 =	vsub.f32 $1.500000000e+00, v30;
	v22 =	vmul.f32 v52, v52;
	v52 =	vld [tilespmem:s10+$0xFFFFFFF0]  }
0x2b5: {  	v32 =	vmul.f32 v34, v32;
	v61 =	vmul.f32 v3, v3;
	v49 =	vadd.f32 v26, v56;
	v56 =	vld [tilespmem:s21+$0x0]  }
0x2b6: {  	v57 =	vmul.f32 v55, v58;
	v44 =	vmul.f32 v30, v21;
	v19 =	vadd.f32 v27, v59;
	v27 =	vld [tilespmem:s12+$0xFFFFFFF0];
	[tilespmem:$0x1FB80] =	vst v60  }
0x2b7: {  	v21 =	vmul.f32 $5.000000000e-01, v42;
	v17 =	vadd.f32 v61, v22;
	v22 =	vmul.f32 v23, v36;
	v36 =	vld [tilespmem:$0x1FBA0];
	[tilespmem:$0x1FB90] =	vst v49  }
0x2b8: {  	v30 =	vmul.f32 $5.000000000e-01, v46;
	v33 =	vsub.f32 $1.500000000e+00, v57;
	v26 =	vmul.f32 v32, v34;
	v59 =	vld [tilespmem:s21+$0x10]  }
0x2b9: {  	v20 =	vmul.f32 v28, v39;
	v22 =	vmul.f32 v22, v23;
	v42 =	vld [tilespmem:s12+$0x70]  }
0x2ba: {  	v45 =	vmul.f32 v33, v58;
	v57 =	vmul.f32 v60, v60;
	v26 =	vsub.f32 $1.500000000e+00, v26;
	v29 =	vld [tilespmem:s21+$0x90]  }
0x2bb: {  	v58 =	vmul.f32 v49, v49;
	v55 =	vsub.f32 $1.500000000e+00, v22;
	v47 =	vadd.f32 v30, v63;
	v63 =	vld [tilespmem:$0x1FC00]  }
0x2bc: {  	v3 =	vadd.f32 v21, v62;
	v30 =	vmul.f32 $5.000000000e-01, v54;
	v62 =	vmul.f32 v24, v40;
	v40 =	vld [tilespmem:$0x1FC20]  }
0x2bd: {  	v39 =	vmul.f32 v26, v34;
	v26 =	vmul.f32 $5.000000000e-01, v48;
	v61 =	vadd.f32 v27, v52;
	v52 =	vld [tilespmem:s21+$0x40]  }
0x2be: {  	v16 =	vadd.f32 v16, v43;
	v48 =	vld [tilespmem:s12+$0x30];
	v49 =	vmul.f32 v47, v47;
	v27 =	vmul.f32 v3, v3  }
0x2bf: {  	v41 =	vmul.f32 v24, v36;
	v36 =	vld [tilespmem:s21+$0x50];
	v43 =	vmul.f32 v55, v23;
	v33 =	vadd.f32 v26, v56  }
0x2c0: {  	v23 =	vld [tilespmem:s10+$0x30];
	v22 =	vmovc v3;
	v32 =	vadd.f32 v30, v59;
	v3 =	vadd.f32 v49, v27;
	v27 =	vmul.f32 $5.000000000e-01, v51  }
0x2c1: {  	v1 =	vadd.f32 v58, v57;
	v57 =	vld [tilespmem:$0x1FBE0]  }
0x2c2: {  	v55 =	vld [tilespmem:$0x1FC30];
	v60 =	vmul.f32 v32, v32;
	v34 =	vadd.f32 v27, v52;
	v27 =	vmul.f32 v33, v33  }
0x2c3: {  	v46 =	vmul.f32 v24, v37;
	v58 =	vld [tilespmem:$0x1FBF0]  }
0x2c4: {  	v21 =	vmovc v47;
	v47 =	vmul.f32 v24, v38;
	v24 =	vld [tilespmem:s10+$0x70];
	v30 =	vmul.f32 $5.000000000e-01, v53;
	v38 =	vadd.f32 v60, v27  }
0x2c5: {  	v59 =	vadd.f32 v48, v23;
	v23 =	vld [tilespmem:s21+$0x80]  }
0x2c6: {  	s14 =	simm.s32 $0xD4E0;
	v35 =	vadd.f32 v30, v36;
	v30 =	vld [tilespmem:s10+$0xB0];
	[tilespmem:$0x1FD30] =	vst v38  }
0x2c7: {  	v36 =	vld [tilespmem:$0x1FC10];
	[tilespmem:s14+$0xF0] =	vst v55  }
0x2c8: {  	v20 =	vmul.f32 v20, v28;
	v52 =	vmul.f32 v25, v63;
	v63 =	vld [tilespmem:$0x1FC60]  }
0x2c9: {  	v0 =	vld [tilespmem:$0x1FC40]  }
0x2ca: {  	v20 =	vsub.f32 $1.500000000e+00, v20;
	_ =	sdelay $0x1  }
0x2cb: {  	v28 =	vmul.f32 v20, v28  }
0x2cc: {  	v60 =	vld [tilespmem:$0x1FC50];
	[tilespmem:s14+$0xC0] =	vst v63  }
0x2cd: {  	v27 =	vmul.f32 $5.000000000e-01, v50;
	v50 =	vmul.f32 v28, v0;
	v0 =	vld [tilespmem:$0x1FC70];
	[tilespmem:s14+$0xD0] =	vst v9  }
0x2ce: {  	v48 =	vld [tilespmem:$0x1FC90];
	_ =	sdelay $0x2  }
0x2cf: {  	v49 =	vmul.f32 v25, v57;
	v56 =	vmul.f32 v25, v58  }
0x2d0: {  	v51 =	vmul.f32 $5.000000000e-01, v40;
	v57 =	vmul.f32 v25, v36;
	v25 =	vld [tilespmem:s12+$0xB0]  }
0x2d1: {  	v40 =	vld [tilespmem:$0x1FC80];
	[tilespmem:s14+$0xE0] =	vst v48  }
0x2d2: {  	v37 =	vadd.f32 v51, v29;
	v29 =	vmul.f32 v31, v6;
	v51 =	vld [tilespmem:$0x1FCB0]  }
0x2d3: {  	s13 =	simm.s32 $0xD6E0;
	v38 =	vld [tilespmem:s21+$0xFFFFFF00]  }
0x2d4: {  	v55 =	vmul.f32 v28, v0;
	v0 =	vld [tilespmem:$0x1FCA0];
	[tilespmem:s13+$0xF0] =	vst v29  }
0x2d5: {  	v26 =	vld [tilespmem:s21+$0xFFFFFF20];
	[tilespmem:s14+$0xFFFFFF00] =	vst v41  }
0x2d6: {  	v58 =	vadd.f32 v42, v24;
	v42 =	vmul.f32 v35, v35;
	v24 =	vmul.f32 v34, v34;
	v41 =	vld [tilespmem:$0x1FCC0]  }
0x2d7: {  	v48 =	vadd.f32 v25, v30;
	v30 =	vmul.f32 $5.000000000e-01, v51;
	v51 =	vld [tilespmem:$0x1FCD0];
	[tilespmem:s14+$0xFFFFFF10] =	vst v46  }
0x2d8: {  	v63 =	vadd.f32 v42, v24;
	v42 =	vld [tilespmem:s21+$0xFFFFFF60];
	[tilespmem:s14+$0xFFFFFF20] =	vst v47  }
0x2d9: {  	v47 =	vld [tilespmem:$0x1FCE0]  }
0x2da: {  	v54 =	vmul.f32 v37, v37  }
0x2db: {  	v36 =	vadd.f32 v27, v23;
	v27 =	vmul.f32 $5.000000000e-01, v40;
	v40 =	vld [tilespmem:s21+$0xFFFFFFE0];
	v25 =	vmul.f32 $5.000000000e-01, v0;
	[tilespmem:s14+$0xFFFFFF30] =	vst v62  }
0x2dc: {  	v53 =	vmul.f32 v28, v60;
	v60 =	vmul.f32 v28, v7;
	v28 =	vld [tilespmem:s21+$0x20];
	[tilespmem:s14+$0xFFFFFF40] =	vst v49  }
0x2dd: {  	v29 =	vmul.f32 v36, v36;
	v27 =	vadd.f32 v27, v38;
	v26 =	vadd.f32 v25, v26;
	v46 =	vld [tilespmem:$0x1FCF0];
	[tilespmem:s14+$0xFFFFFF50] =	vst v56  }
0x2de: {  	v25 =	vadd.f32 v30, v42;
	v23 =	vmul.f32 $5.000000000e-01, v51;
	v30 =	vmul.f32 $5.000000000e-01, v47;
	v47 =	vld [tilespmem:$0x1FD00]  }
0x2df: {  	v62 =	vld [tilespmem:s21+$0xFFFFFF30];
	v51 =	vadd.f32 v54, v29;
	v29 =	vmul.f32 v2, v2;
	v54 =	vmul.f32 v27, v27  }
0x2e0: {  	[tilespmem:s14+$0xFFFFFF60] =	vst v52;
	v23 =	vadd.f32 v23, v40;
	v40 =	vld [tilespmem:s21+$0xA0]  }
0x2e1: {  	[tilespmem:s14+$0xFFFFFF70] =	vst v57;
	v29 =	vadd.f32 v29, v54;
	v54 =	vmul.f32 v26, v26  }
0x2e2: {  	[tilespmem:s14+$0xFFFFFF80] =	vst v50;
	v42 =	vadd.f32 v30, v28  }
0x2e3: {  	v24 =	vld [tilespmem:s21+$0xFFFFFFA0];
	[tilespmem:s14+$0xFFFFFF90] =	vst v53;
	v30 =	vmul.f32 $5.000000000e-01, v46;
	v46 =	vadd.f32 v54, v29;
	v29 =	vmul.f32 $5.000000000e-01, v47  }
0x2e4: {  	v52 =	vmul.f32 $5.000000000e-01, v58;
	v58 =	vld [tilespmem:$0x1FD10];
	[tilespmem:s14+$0xFFFFFFA0] =	vst v55  }
0x2e5: {  	v40 =	vadd.f32 v30, v40;
	v30 =	vadd.f32 v29, v62;
	v62 =	vld [tilespmem:$0x1FD20];
	_ =	sdelay $0x2  }
0x2e6: {  	v38 =	vld [tilespmem:s21+$0x60];
	v41 =	vmul.f32 $5.000000000e-01, v41  }
0x2e7: {  	v56 =	vld [tilespmem:s21+$0xFFFFFF70];
	v53 =	vmul.f32 $5.000000000e-01, v48;
	v48 =	vmul.f32 v45, v58  }
0x2e8: {  	v24 =	vadd.f32 v41, v24;
	v49 =	vmul.f32 v25, v25;
	v57 =	vld [tilespmem:s21+$0xFFFFFFB0];
	[tilespmem:s14+$0xFFFFFFB0] =	vst v60;
	v0 =	vmul.f32 v45, v62  }
0x2e9: {  	v28 =	vmul.f32 $5.000000000e-01, v18;
	[tilespmem:s14+$0xFFFFFFC0] =	vst v48  }
0x2ea: {  	v50 =	vmul.f32 v24, v24;
	v47 =	vadd.f32 v49, v17;
	v49 =	vmul.f32 $5.000000000e-01, v59;
	v59 =	vld [tilespmem:s21+$0xFFFFFFF0];
	[tilespmem:s14+$0xFFFFFFD0] =	vst v0  }
0x2eb: {  	v54 =	vmul.f32 $5.000000000e-01, v19;
	v41 =	vadd.f32 v28, v38;
	v28 =	vmul.f32 $5.000000000e-01, v16;
	v60 =	vld [tilespmem:$0x1FD30]  }
0x2ec: {  	v20 =	vmovc v2;
	v61 =	vmul.f32 $5.000000000e-01, v61;
	v50 =	vadd.f32 v50, v1;
	v2 =	vmul.f32 v23, v23  }
0x2ed: {  	v29 =	vadd.f32 v28, v56;
	v28 =	vadd.f32 v54, v57;
	v54 =	vmul.f32 v41, v41  }
0x2ee: {  	v55 =	vadd.f32 v2, v3;
	v56 =	vmul.f32 v42, v42;
	v57 =	vld [tilespmem:s21+$0x70];
	v62 =	vmul.f32 v45, v5  }
0x2ef: {  	v48 =	vld [tilespmem:s21+$0x30];
	v58 =	vmul.f32 v40, v40;
	v54 =	vadd.f32 v54, v63;
	v38 =	vadd.f32 v61, v59  }
0x2f0: {  	s17 =	simm.s32 $0x8;
	v61 =	vmul.f32 v30, v30;
	v59 =	vmul.f32 v29, v29;
	[tilespmem:s14+$0xFFFFFFE0] =	vst v62;
	v56 =	vadd.f32 v56, v60;
	v60 =	vld [tilespmem:s21+$0xB0];
	s21 =	simm.s32 $0x9CE0  }
.LBB2_5:
0x2f1: {  	v62 =	vld [tilespmem:s21+$0xC0];
	s12 =	sadd.s32 $0x200, s12  }
0x2f2: {  	v46 =	vadd.f32 v61, v46;
	v1 =	vmul.f32 v38, v38;
	v0 =	vmov v38;
	v38 =	vld [tilespmem:s12+$0xD0]  }
0x2f3: {  	s10 =	sadd.s32 $0x200, s10;
	v61 =	vld [tilespmem:$0x1FAE0]  }
0x2f4: {  	(xrf2) =	vadd.scan.msk.f32 $0xffff, v46;
	v46 =	vld [tilespmem:s10+$0xD0]  }
0x2f5: {  	v48 =	vadd.f32 v49, v48;
	v49 =	vadd.f32 v58, v51;
	v51 =	vld [tilespmem:s10+$0xF0]  }
0x2f6: {  	v63 =	vmul.f32 v28, v28;
	v52 =	vadd.f32 v52, v57;
	v57 =	vld [tilespmem:s10+$0xC0]  }
0x2f7: {  	v47 =	vadd.f32 v59, v47;
	v53 =	vadd.f32 v53, v60;
	v60 =	vld [tilespmem:s12+$0xC0];
	v45 =	vmul.f32 v45, v4  }
0x2f8: {  	[tilespmem:$0x1FAC0] =	vst v0;
	v50 =	vadd.f32 v63, v50;
	v58 =	vld [tilespmem:$0x1FAD0];
	v15 =	vmul.f32 v44, v15  }
0x2f9: {  	v55 =	vadd.f32 v1, v55;
	(xrf2) =	vadd.scan.msk.f32 $0xffff, v47;
	v47 =	vld [tilespmem:s12+$0xE0];
	v12 =	vmul.f32 v43, v12;
	[tilespmem:s14+$0xFFFFFFF0] =	vst v45  }
0x2fa: {  	(xrf2) =	vadd.scan.msk.f32 $0xffff, v50;
	v50 =	vld [tilespmem:$0x1FB20];
	v63 =	vmul.f32 v52, v52;
	v61 =	vmul.f32 v44, v61;
	[tilespmem:s14+$0x20] =	vst v15  }
0x2fb: {  	v2 =	vmul.f32 v48, v48;
	v59 =	vmul.f32 v53, v53;
	v45 =	vld [tilespmem:$0x1FAF0];
	[tilespmem:s14+$0x60] =	vst v12  }
0x2fc: {  	v3 =	vmov v48;
	v1 =	vmov v52;
	v48 =	vld [tilespmem:$0x1FB10];
	[tilespmem:s14+$0x10] =	vst v61;
	v52 =	vmov v35  }
0x2fd: {  	(xrf2) =	vadd.scan.msk.f32 $0xffff, v55;
	v55 =	vmov v40;
	v49 =	vadd.f32 v59, v49;
	v59 =	vld [tilespmem:$0x1FB00];
	[tilespmem:$0x1FB00] =	vst v52  }
0x2fe: {  	v54 =	vadd.f32 v63, v54;
	v5 =	vadd.f32 v60, v57;
	v57 =	vld [tilespmem:$0x1FB30];
	[tilespmem:$0x1FB30] =	vst v55;
	v63 =	vmov v33  }
0x2ff: {  	v56 =	vadd.f32 v2, v56;
	v35 =	vld [tilespmem:s10+$0xFFFFFF00];
	v58 =	vmul.f32 v44, v58;
	v2 =	vmov v32;
	[tilespmem:$0x1FAD0] =	vst v63  }
0x300: {  	v44 =	vmul.f32 v44, v8;
	v33 =	vld [tilespmem:s10+$0xE0];
	[tilespmem:$0x1FAE0] =	vst v2  }
0x301: {  	v32 =	vld [tilespmem:s12+$0xF0];
	[tilespmem:s14+$0x0] =	vst v58  }
0x302: {  	v38 =	vadd.f32 v38, v46;
	v52 =	vmul.f32 v31, v14;
	v60 =	vmovc v53;
	v61 =	vmov v36;
	v36 =	vld [tilespmem:s12+$0xFFFFFF40];
	[tilespmem:s14+$0x30] =	vst v44  }
0x303: {  	v50 =	vmul.f32 v39, v50;
	v45 =	vmul.f32 v43, v45;
	v58 =	vld [tilespmem:$0x1FB40];
	[tilespmem:$0x1FB40] =	vst v60  }
0x304: {  	v15 =	vmul.f32 $5.000000000e-01, v38;
	[tilespmem:$0x1FB10] =	vst v61;
	v14 =	vmul.f32 $5.000000000e-01, v5;
	v63 =	vmov v34;
	v34 =	vld [tilespmem:s21+$0xD0]  }
0x305: {  	v59 =	vmul.f32 v43, v59;
	v43 =	vmul.f32 v43, v11;
	v11 =	vld [tilespmem:s21+$0xE0];
	[tilespmem:s14+$0x40] =	vst v45  }
0x306: {  	v44 =	vmul.f32 v31, v10;
	[tilespmem:$0x1FAF0] =	vst v63;
	v46 =	vmul.f32 v39, v57;
	v63 =	vld [tilespmem:s12+$0xFFFFFF00]  }
0x307: {  	v57 =	vmovc v37;
	v33 =	vadd.f32 v47, v33;
	v32 =	vadd.f32 v32, v51;
	v51 =	vmul.f32 v31, v13;
	v31 =	vld [tilespmem:s10+$0xFFFFFF10]  }
0x308: {  	v48 =	vmul.f32 v39, v48;
	v14 =	vadd.f32 v14, v62;
	[tilespmem:$0x1FB20] =	vst v57;
	v13, _, _ =	vpop (xrf2);
	v39 =	vmul.f32 v39, v58;
	v58 =	vld [tilespmem:s21+$0xF0]  }
0x309: {  	[tilespmem:s14+$0x50] =	vst v59;
	v53 =	vbroadcast v13, $0xF;
	v33 =	vmul.f32 $5.000000000e-01, v33;
	v59 =	vmov v41;
	v41 =	vld [tilespmem:s10+$0xFFFFFF40]  }
0x30a: {  	v47 =	vmovc v42;
	(xrf2) =	vadd.scan.msk.f32 $0xffff, v56;
	v60 =	vmul.f32 v14, v14;
	v32 =	vmul.f32 $5.000000000e-01, v32;
	v10 =	vadd.f32 v15, v34;
	v34 =	vld [tilespmem:s12+$0xFFFFFF10]  }
0x30b: {  	[tilespmem:s14+$0xA0] =	vst v46;
	v46 =	vld [tilespmem:s12+$0xFFFFFF80];
	v45 =	vmul.f32 $5.000000000e-01, v53;
	v13 =	vadd.f32 v33, v11;
	v11, _, _ =	vpop (xrf2);
	v35 =	vadd.f32 v63, v35  }
0x30c: {  	[tilespmem:$0x1FA80] =	vst v47;
	v62 =	vshra.s32 v53, $0x1;
	v53 =	vld [tilespmem:s10+$0xFFFFFF80];
	v61 =	vmul.f32 v10, v10;
	v63 =	vbroadcast v11, $0xF  }
0x30d: {  	v12 =	vld [tilespmem:s10+$0xFFFFFF60];
	[tilespmem:$0x1FAB0] =	vst v59;
	v32 =	vadd.f32 v32, v58;
	v57 =	vmul.f32 v13, v13;
	v38 =	vmul.f32 $5.000000000e-01, v35  }
0x30e: {  	v56 =	vld [tilespmem:s10+$0xFFFFFF50];
	(xrf2) =	vadd.scan.msk.f32 $0xffff, v54;
	v33 =	vadd.f32 v61, v60;
	v59 =	vshra.s32 v63, $0x1;
	v47 =	vmul.f32 $5.000000000e-01, v63  }
0x30f: {  	[tilespmem:s14+$0x80] =	vst v48;
	v58 =	vld [tilespmem:s12+$0xFFFFFF50];
	v60, _, _ =	vpop (xrf2);
	v63 =	vadd.f32 v36, v41;
	v34 =	vadd.f32 v34, v31;
	v61 =	vmul.f32 v32, v32  }
0x310: {  	v48 =	vld [tilespmem:s12+$0xFFFFFF90];
	[tilespmem:s13+$0xD0] =	vst v44;
	v31 =	vsub.s32 $0x5F3759DF, v62;
	v62 =	vbroadcast v60, $0xF;
	v2, _, _ =	vpop (xrf2);
	v37 =	vadd.f32 v57, v33  }
0x311: {  	(xrf2) =	vadd.scan.msk.f32 $0xffff, v49;
	v36 =	vld [tilespmem:s10+$0xFFFFFF90];
	v42 =	vsub.s32 $0x5F3759DF, v59;
	v0 =	vadd.f32 v46, v53;
	v55 =	vbroadcast v2, $0xF  }
0x312: {  	v44 =	vld [tilespmem:s10+$0xFFFFFFD0];
	[tilespmem:s13+$0xE0] =	vst v51;
	v49 =	vmul.f32 v31, v45;
	v51 =	vmul.f32 v42, v47;
	v37 =	vadd.f32 v61, v37  }
0x313: {  	[tilespmem:s14+$0x90] =	vst v50;
	v60 =	vld [tilespmem:s10+$0xFFFFFFC0];
	v33 =	vmul.f32 $5.000000000e-01, v34;
	v54 =	vshra.s32 v62, $0x1;
	v50 =	vmul.f32 $5.000000000e-01, v62  }
0x314: {  	v46 =	vld [tilespmem:s12+$0xFFFFFFD0];
	v34 =	vmul.f32 $5.000000000e-01, v63;
	v35 =	vadd.f32 v58, v56;
	v57 =	vsub.s32 $0x5F3759DF, v54;
	(xrf2) =	vadd.scan.msk.f32 $0xffff, v37  }
0x315: {  	v61 =	vld [tilespmem:s12+$0xFFFFFFC0];
	v62 =	vshra.s32 v55, $0x1;
	v54 =	vmul.f32 $5.000000000e-01, v55;
	v63, _, _ =	vpop (xrf2);
	v9 =	vmul.f32 v42, v51  }
0x316: {  	[tilespmem:s14+$0xB0] =	vst v39;
	v53 =	vld [tilespmem:s12+$0x0];
	v41 =	vbroadcast v63, $0xF;
	v36 =	vadd.f32 v48, v36;
	v39 =	vmul.f32 $5.000000000e-01, v35  }
0x317: {  	[tilespmem:$0x1FA90] =	vst v1;
	v58 =	vsub.s32 $0x5F3759DF, v62;
	v48 =	vld [tilespmem:s10+$0x0];
	v35 =	vmul.f32 $5.000000000e-01, v0;
	v0 =	vmul.f32 v31, v49  }
0x318: {  	v16 =	vld [tilespmem:s12+$0xFFFFFFE0];
	[tilespmem:s14+$0x70] =	vst v43;
	v1 =	vshra.s32 v41, $0x1;
	v2, _, _ =	vpop (xrf2);
	v55 =	vmul.f32 $5.000000000e-01, v41;
	v43 =	vmul.f32 $5.000000000e-01, v36  }
0x319: {  	v40 =	vld [tilespmem:s10+$0x10];
	v36 =	vadd.f32 v46, v44;
	v59 =	vsub.s32 $0x5F3759DF, v1;
	v56 =	vbroadcast v2, $0xF  }
0x31a: {  	[tilespmem:s13+$0xC0] =	vst v52;
	v52 =	vld [tilespmem:s12+$0x10];
	v1 =	vadd.f32 v61, v60;
	v60 =	vmul.f32 v57, v50;
	v61 =	vmul.f32 v58, v54  }
0x31b: {  	v63 =	vld [tilespmem:s12+$0x40];
	v44 =	vmul.f32 $5.000000000e-01, v36;
	v62 =	vshra.s32 v56, $0x1;
	v56 =	vmul.f32 $5.000000000e-01, v56;
	v2, _, _ =	vpop (xrf2)  }
0x31c: {  	v46 =	vld [tilespmem:s10+$0x40];
	v36 =	vadd.f32 v53, v48;
	v37 =	vmul.f32 $5.000000000e-01, v1;
	v41 =	vbroadcast v2, $0xF  }
0x31d: {  	v48 =	vld [tilespmem:s10+$0x50];
	v1 =	vmul.f32 v59, v55;
	v62 =	vsub.s32 $0x5F3759DF, v62;
	v61 =	vmul.f32 v58, v61  }
0x31e: {  	v2 =	vld [tilespmem:s12+$0x50];
	v53 =	vshra.s32 v41, $0x1;
	v5 =	vmul.f32 $5.000000000e-01, v41;
	v41 =	vmul.f32 v62, v56;
	v49, _, _ =	vpop (xrf2)  }
0x31f: {  	[tilespmem:$0x1FAA0] =	vst v3;
	v6 =	vld [tilespmem:s12+$0x80];
	v1 =	vmul.f32 v59, v1;
	v3 =	vbroadcast v49, $0xF  }
0x320: {  	v4 =	vsub.s32 $0x5F3759DF, v53;
	v49 =	vmul.f32 $5.000000000e-01, v36;
	v36 =	vadd.f32 v52, v40;
	v40 =	vld [tilespmem:s10+$0x80]  }
0x321: {  	v8 =	vld [tilespmem:s12+$0x90];
	v7 =	vmul.f32 v4, v5;
	v53 =	vshra.s32 v3, $0x1;
	v3 =	vmul.f32 $5.000000000e-01, v3  }
0x322: {  	v52 =	vmul.f32 $5.000000000e-01, v36;
	v36 =	vadd.f32 v63, v46;
	v46 =	vld [tilespmem:s10+$0x90];
	v63 =	vsub.s32 $0x5F3759DF, v53  }
0x323: {  	v11 =	vld [tilespmem:s10+$0xFFFFFF20];
	v2 =	vadd.f32 v2, v48;
	v48 =	vmul.f32 v57, v60;
	v53 =	vmul.f32 v63, v3  }
0x324: {  	v61 =	vsub.f32 $1.500000000e+00, v61;
	v60 =	vld [tilespmem:s12+$0xFFFFFF20];
	v7 =	vmul.f32 v4, v7;
	v51 =	vmul.f32 $5.000000000e-01, v36  }
0x325: {  	v36 =	vmul.f32 v63, v53;
	v53 =	vmul.f32 $5.000000000e-01, v2;
	v2 =	vadd.f32 v6, v40;
	v6 =	vld [tilespmem:s12+$0xFFFFFF60]  }
0x326: {  	v15 =	vld [tilespmem:s10+$0xFFFFFFA0];
	v41 =	vmul.f32 v62, v41;
	v1 =	vsub.f32 $1.500000000e+00, v1;
	v7 =	vsub.f32 $1.500000000e+00, v7  }
0x327: {  	v40 =	vsub.f32 $1.500000000e+00, v36;
	v36 =	vmul.f32 $5.000000000e-01, v2;
	v2 =	vadd.f32 v8, v46;
	v46 =	vld [tilespmem:s12+$0xFFFFFFA0]  }
0x328: {  	v17 =	vmul.f32 v58, v61;
	v61 =	vld [tilespmem:s12+$0x60];
	v1 =	vmul.f32 v59, v1  }
0x329: {  	v11 =	vadd.f32 v60, v11;
	v60 =	vld [tilespmem:s10+$0xFFFFFFE0];
	v4 =	vmul.f32 v4, v7;
	v63 =	vmul.f32 v63, v40  }
0x32a: {  	v59 =	vld [tilespmem:s12+$0xFFFFFF30];
	v8 =	vsub.f32 $1.500000000e+00, v48;
	v48 =	vmul.f32 $5.000000000e-01, v2;
	v6 =	vadd.f32 v6, v12  }
0x32b: {  	v9 =	vsub.f32 $1.500000000e+00, v9;
	v40 =	vmul.f32 $5.000000000e-01, v11;
	v11 =	vld [tilespmem:s10+$0x20];
	v3 =	vmul.f32 v63, v3  }
0x32c: {  	v2 =	vsub.f32 $1.500000000e+00, v41;
	v12 =	vld [tilespmem:s12+$0x20];
	v41 =	vmul.f32 $5.000000000e-01, v6;
	v6 =	vadd.f32 v46, v15  }
0x32d: {  	v0 =	vsub.f32 $1.500000000e+00, v0;
	v7 =	vld [tilespmem:s12+$0xA0];
	v5 =	vmul.f32 v4, v5;
	v3 =	vmul.f32 v3, v63  }
0x32e: {  	v9 =	vmul.f32 v42, v9;
	v15 =	vld [tilespmem:s10+$0x60];
	v42 =	vmul.f32 $5.000000000e-01, v6;
	v6 =	vadd.f32 v16, v60  }
0x32f: {  	v0 =	vmul.f32 v31, v0;
	v5 =	vmul.f32 v5, v4;
	v60 =	vld [tilespmem:s21+$0xFFFFFF40];
	v3 =	vsub.f32 $1.500000000e+00, v3  }
0x330: {  	v8 =	vmul.f32 v57, v8;
	v16 =	vld [tilespmem:s10+$0xA0];
	v46 =	vmul.f32 $5.000000000e-01, v6  }
0x331: {  	v6 =	vadd.f32 v12, v11;
	v31 =	vmul.f32 v3, v63;
	v3 =	vmul.f32 v0, v45;
	v45 =	vld [tilespmem:s21+$0xFFFFFF10]  }
0x332: {  	v5 =	vsub.f32 $1.500000000e+00, v5;
	v2 =	vmul.f32 v62, v2;
	v58 =	vmul.f32 v8, v50;
	v12 =	vld [tilespmem:s10+$0xFFFFFF30]  }
0x333: {  	v11 =	vmul.f32 v9, v47;
	v63 =	vld [tilespmem:s21+$0xFFFFFF50];
	v47 =	vmul.f32 $5.000000000e-01, v6;
	v6 =	vadd.f32 v61, v15  }
0x334: {  	v62 =	vmul.f32 v2, v56;
	v15 =	vmul.f32 v17, v54;
	v18 =	vadd.f32 v34, v60;
	v34 =	vld [tilespmem:s21+$0xFFFFFF90]  }
0x335: {  	v11 =	vmul.f32 v11, v9;
	v50 =	vmul.f32 $5.000000000e-01, v6;
	v6 =	vadd.f32 v7, v16;
	v16 =	vld [tilespmem:s10+$0xFFFFFF70]  }
0x336: {  	v61 =	vmul.f32 v1, v55;
	v32 =	vmul.f32 v31, v32;
	v7 =	vadd.f32 v33, v45;
	v33 =	vld [tilespmem:s12+$0xFFFFFF70]  }
0x337: {  	s14 =	smov.u32 s13;
	s13 =	sadd.s32 $0x200, s13;
	v3 =	vmul.f32 v3, v0;
	v15 =	vmul.f32 v15, v17;
	v11 =	vsub.f32 $1.500000000e+00, v11;
	v45 =	vld [tilespmem:s21+$0xFFFFFF80]  }
0x338: {  	[tilespmem:s13+$0xF0] =	vst v32;
	v12 =	vadd.f32 v59, v12;
	v32 =	vmul.f32 v61, v1;
	v59 =	vmul.f32 v62, v2;
	v61 =	vld [tilespmem:s21+$0xFFFFFFC0]  }
0x339: {  	v60 =	vld [tilespmem:s12+$0xFFFFFFB0];
	v3 =	vsub.f32 $1.500000000e+00, v3;
	v54 =	vmul.f32 $5.000000000e-01, v6;
	v6 =	vmul.f32 v58, v8  }
0x33a: {  	v58 =	vmul.f32 v18, v18;
	v55 =	vmul.f32 $5.000000000e-01, v12;
	v12 =	vadd.f32 v39, v63;
	v39 =	vld [tilespmem:s10+$0xFFFFFFB0]  }
0x33b: {  	v0 =	vmul.f32 v3, v0;
	v3 =	vsub.f32 $1.500000000e+00, v15;
	v15 =	vadd.f32 v43, v34;
	v34 =	vld [tilespmem:s12+$0xFFFFFFF0]  }
0x33c: {  	v9 =	vmul.f32 v11, v9;
	v16 =	vadd.f32 v33, v16;
	v19 =	vadd.f32 v35, v45;
	v35 =	vld [tilespmem:s21+$0xFFFFFFD0]  }
0x33d: {  	v32 =	vsub.f32 $1.500000000e+00, v32;
	v63 =	vadd.f32 v37, v61;
	v37 =	vld [tilespmem:s21+$0x10];
	v33 =	vmul.f32 v12, v12  }
0x33e: {  	v57 =	vmul.f32 v7, v7;
	v6 =	vsub.f32 $1.500000000e+00, v6;
	v56 =	vmul.f32 $5.000000000e-01, v16;
	v16 =	vld [tilespmem:s10+$0xFFFFFFF0]  }
0x33f: {  	v62 =	vld [tilespmem:s21+$0x0];
	v45 =	vmul.f32 v15, v15;
	v58 =	vadd.f32 v33, v58;
	v33 =	vmul.f32 v19, v19  }
0x340: {  	v43 =	vsub.f32 $1.500000000e+00, v59;
	v6 =	vmul.f32 v6, v8;
	v8 =	vld [tilespmem:s10+$0x30];
	v39 =	vadd.f32 v60, v39  }
0x341: {  	v61 =	vadd.f32 v45, v33;
	v45 =	vmul.f32 v3, v17;
	v17 =	vld [tilespmem:s21+$0x40];
	v60 =	vadd.f32 v44, v35  }
0x342: {  	v11 =	vmul.f32 v63, v63;
	v35 =	vld [tilespmem:s12+$0x30];
	v44 =	vmul.f32 v32, v1;
	v32 =	vadd.f32 v52, v37  }
0x343: {  	v52 =	vmul.f32 v0, v20;
	v20 =	vmovc v7;
	v7 =	vld [tilespmem:s21+$0x90];
	v3 =	vadd.f32 v34, v16;
	v16 =	vmul.f32 v60, v60  }
0x344: {  	v43 =	vmul.f32 v43, v2;
	v59 =	vmul.f32 $5.000000000e-01, v39;
	v1 =	vld [tilespmem:s21+$0x50]  }
0x345: {  	v39 =	vmul.f32 v5, v4;
	v5 =	vld [tilespmem:s12+$0x70];
	v2 =	vadd.f32 v16, v11;
	v11 =	vmul.f32 v0, v27  }
0x346: {  	v33 =	vadd.f32 v49, v62;
	[tilespmem:s14+$0xFFFFFF10] =	vst v52;
	v62 =	vmul.f32 $5.000000000e-01, v3;
	v3 =	vld [tilespmem:s10+$0x70]  }
0x347: {  	v52 =	vld [tilespmem:$0x1FB70];
	v34 =	vadd.f32 v51, v17;
	v8 =	vadd.f32 v35, v8;
	[tilespmem:s14+$0xFFFFFF00] =	vst v11;
	v11 =	vmul.f32 v0, v26  }
0x348: {  	v37 =	vadd.f32 v48, v7;
	v7 =	vld [tilespmem:$0x1FB80]  }
0x349: {  	v35 =	vadd.f32 v53, v1;
	v49 =	vmul.f32 $5.000000000e-01, v8;
	v8 =	vmul.f32 v34, v34;
	[tilespmem:s14+$0xFFFFFF20] =	vst v11;
	v11 =	vld [tilespmem:$0x1FB60]  }
0x34a: {  	v4 =	vmul.f32 v33, v33;
	v16 =	vmul.f32 v32, v32;
	v27 =	vld [tilespmem:s21+$0x80]  }
0x34b: {  	v17 =	vmovc v18;
	v1 =	vld [tilespmem:s10+$0xB0];
	v0 =	vmul.f32 v0, v30;
	v3 =	vadd.f32 v5, v3;
	v5 =	vmul.f32 v35, v35  }
0x34c: {  	v4 =	vadd.f32 v16, v4;
	v16 =	vld [tilespmem:s12+$0xB0];
	v26 =	vmul.f32 v9, v52;
	[tilespmem:$0x1FB60] =	vst v17  }
0x34d: {  	v17 =	vld [tilespmem:s21+$0xFFFFFF00];
	[tilespmem:s14+$0xFFFFFF30] =	vst v0;
	v7 =	vmul.f32 v6, v7;
	v52 =	vmul.f32 $5.000000000e-01, v3;
	v3 =	vadd.f32 v5, v8;
	v8 =	vmovc v19  }
0x34e: {  	v0 =	vld [tilespmem:s21+$0xFFFFFFA0];
	[tilespmem:$0x1FB80] =	vst v8;
	v11 =	vmul.f32 v9, v11  }
0x34f: {  	v48 =	vmul.f32 v45, v21;
	v18 =	vld [tilespmem:s21+$0xFFFFFF20];
	[tilespmem:s14+$0xFFFFFF80] =	vst v7  }
0x350: {  	v8 =	vld [tilespmem:s21+$0xFFFFFFE0];
	[tilespmem:s14+$0xFFFFFF40] =	vst v11;
	v11 =	vmul.f32 v9, v25;
	v9 =	vmul.f32 v9, v29  }
0x351: {  	v7 =	vmul.f32 v6, v24;
	[tilespmem:s14+$0xFFFFFFD0] =	vst v48;
	v25 =	vld [tilespmem:s21+$0xFFFFFF60]  }
0x352: {  	[tilespmem:s14+$0xFFFFFF70] =	vst v9;
	v9 =	vld [tilespmem:$0x1FB90]  }
0x353: {  	v53 =	vmov v12;
	v12 =	vld [tilespmem:s21+$0x20];
	v36 =	vadd.f32 v36, v27;
	[tilespmem:s14+$0xFFFFFFA0] =	vst v7;
	v7 =	vmul.f32 v45, v22  }
0x354: {  	v21 =	vmov v60;
	v60 =	vld [tilespmem:s21+$0xB0];
	[tilespmem:s14+$0xFFFFFF50] =	vst v26  }
0x355: {  	v5 =	vmul.f32 v36, v36;
	v19 =	vadd.f32 v16, v1;
	v16 =	vld [tilespmem:s21+$0x60];
	v27 =	vadd.f32 v38, v17;
	[tilespmem:s14+$0xFFFFFFC0] =	vst v7  }
0x356: {  	v48 =	vld [tilespmem:s21+$0x30];
	v38 =	vmov v15;
	v24 =	vadd.f32 v42, v0;
	[tilespmem:s14+$0xFFFFFF60] =	vst v11;
	v11 =	vmul.f32 v37, v37  }
0x357: {  	v26 =	vadd.f32 v40, v18;
	v40 =	vmul.f32 v27, v27;
	[tilespmem:$0x1FB90] =	vst v38;
	v38 =	vld [tilespmem:s21+$0xFFFFFFF0];
	v9 =	vmul.f32 v6, v9  }
0x358: {  	v42 =	vadd.f32 v47, v12;
	v51 =	vadd.f32 v11, v5;
	v5 =	vld [tilespmem:s21+$0xA0];
	v6 =	vmul.f32 v6, v28  }
0x359: {  	v1 =	vadd.f32 v57, v40;
	v57 =	vmul.f32 v45, v23;
	v11 =	vmul.f32 v26, v26;
	[tilespmem:s14+$0xFFFFFF90] =	vst v9;
	v9 =	vld [tilespmem:s21+$0xFFFFFF30]  }
0x35a: {  	v17 =	vmul.f32 v24, v24;
	v25 =	vadd.f32 v41, v25;
	[tilespmem:s14+$0xFFFFFFB0] =	vst v6;
	v6 =	vld [tilespmem:s21+$0xFFFFFF70]  }
0x35b: {  	s17 =	sadd.s32 $0x8, s17;
	v12 =	vmul.f32 v42, v42;
	v8 =	vadd.f32 v46, v8;
	[tilespmem:s14+$0xFFFFFFE0] =	vst v57;
	v57 =	vld [tilespmem:s21+$0x70];
	v46 =	vadd.f32 v11, v1  }
0x35c: {  	p0 =	slt.u32 s17, $0x70;
	v41 =	vadd.f32 v50, v16;
	v50 =	vadd.f32 v17, v61;
	v15 =	vmul.f32 v25, v25;
	v7 =	vld [tilespmem:s21+$0xFFFFFFB0]  }
.Ltmp1:
0x35d: {  	v23 =	vmovc v8;
	v11 =	vmul.f32 v8, v8;
	v8 =	vld [tilespmem:$0x1FAA0];
	v38 =	vadd.f32 v62, v38;
	v40 =	vadd.f32 v54, v5;
	(pc) =	sbr.rel @p0 .LBB2_5-.Ltmp1, $4  }
0x35e: {  	v0 =	vmul.f32 v41, v41;
	v47 =	vadd.f32 v15, v58;
	v15 =	vld [tilespmem:$0x1FA80];
	v30 =	vadd.f32 v55, v9  }
0x35f: {  	[tilespmem:$0x1FB70] =	vst v53;
	v53 =	vmul.f32 $5.000000000e-01, v19;
	v29 =	vadd.f32 v56, v6;
	v55 =	vadd.f32 v11, v2;
	v11 =	vld [tilespmem:$0x1FA90]  }
0x360: {  	v54 =	vadd.f32 v0, v3;
	v58 =	vmul.f32 v40, v40;
	v56 =	vadd.f32 v12, v4;
	v12 =	vld [tilespmem:$0x1FAB0]  }
0x361: {  	v22 =	vmovc v63;
	s21 =	sadd.s32 $0x200, s21;
	v4 =	vld [tilespmem:$0x1FAC0];
	v28 =	vadd.f32 v59, v7;
	v61 =	vmul.f32 v30, v30;
	v59 =	vmul.f32 v29, v29  }
0x362: {  	_ = 	snop  }
0x363: {  	v1 =	vadd.f32 v61, v46;
	_ =	sdelay $0x1  }
0x364: {  	(xrf2) =	vadd.scan.msk.f32 $0xffff, v1  }
0x365: {  	v0 =	vmul.f32 v28, v28;
	v2 =	vadd.f32 v59, v47  }
0x366: {  	v48 =	vadd.f32 v49, v48;
	v3 =	vmul.f32 v38, v38  }
0x367: {  	v5 =	vld [tilespmem:$0x1FAE0];
	v8 =	vmul.f32 v44, v8;
	v0 =	vadd.f32 v0, v50;
	(xrf2) =	vadd.scan.msk.f32 $0xffff, v2  }
0x368: {  	v9 =	vld [tilespmem:$0x1FB00];
	v47 =	vadd.f32 v52, v57;
	v17 =	vmul.f32 v48, v48;
	v18 =	vadd.f32 v3, v55  }
0x369: {  	v14 =	vmul.f32 v31, v14;
	v10 =	vmul.f32 v31, v10;
	v52 =	vld [tilespmem:$0x1FAF0];
	(xrf2) =	vadd.scan.msk.f32 $0xffff, v0  }
0x36a: {  	v46 =	vadd.f32 v53, v60;
	v53 =	vld [tilespmem:$0x1FB10];
	v19 =	vmul.f32 v47, v47;
	v1 =	vadd.f32 v17, v56;
	(xrf2) =	vadd.scan.msk.f32 $0xffff, v18  }
0x36b: {  	v6 =	vadd.f32 v58, v51;
	v13 =	vmul.f32 v31, v13;
	v7 =	vmul.f32 v44, v15;
	v50 =	vld [tilespmem:$0x1FAD0]  }
0x36c: {  	v11 =	vmul.f32 v43, v11;
	v55 =	vld [tilespmem:$0x1FB30];
	v49 =	vmul.f32 v46, v46;
	v0 =	vadd.f32 v19, v54;
	(xrf2) =	vadd.scan.msk.f32 $0xffff, v1  }
0x36d: {  	v4 =	vmul.f32 v45, v4;
	v17 =	vld [tilespmem:$0x1FB40];
	v5 =	vmul.f32 v44, v5  }
0x36e: {  	v9 =	vmul.f32 v43, v9;
	v3 =	vadd.f32 v49, v6;
	v6 =	vmul.f32 v43, v12;
	v54 =	vld [tilespmem:$0x1FB20];
	(xrf2) =	vadd.scan.msk.f32 $0xffff, v0;
	v16, _, _ =	vpop (xrf2)  }
0x36f: {  	v12 =	vmul.f32 v39, v53;
	v16 =	vbroadcast v16, $0xF  }
0x370: {  	v1 =	vmul.f32 v43, v52;
	v2 =	vmul.f32 v44, v50  }
0x371: {  	v0 =	vmul.f32 v39, v55;
	v56, _, _ =	vpop (xrf2);
	v19 =	vshra.s32 v16, $0x1;
	v16 =	vmul.f32 $5.000000000e-01, v16  }
0x372: {  	v17 =	vmul.f32 v39, v17;
	(xrf2) =	vadd.scan.msk.f32 $0xffff, v3;
	v3 =	vbroadcast v56, $0xF;
	v19 =	vsub.s32 $0x5F3759DF, v19  }
0x373: {  	v15 =	vmul.f32 v39, v54;
	v18, _, _ =	vpop (xrf2);
	v61 =	vmul.f32 v19, v16  }
0x374: {  	v18 =	vbroadcast v18, $0xF;
	v58, _, _ =	vpop (xrf2);
	v57 =	vshra.s32 v3, $0x1;
	v3 =	vmul.f32 $5.000000000e-01, v3  }
0x375: {  	[tilespmem:s14+$0x20] =	vst v7;
	v39 =	vbroadcast v58, $0xF;
	v45 =	vmul.f32 v19, v61  }
0x376: {  	[tilespmem:s14+$0x30] =	vst v8;
	v60, _, _ =	vpop (xrf2);
	v59 =	vshra.s32 v18, $0x1;
	v18 =	vmul.f32 $5.000000000e-01, v18;
	v31 =	vsub.s32 $0x5F3759DF, v57  }
0x377: {  	[tilespmem:s14+$0x70] =	vst v11;
	v44 =	vbroadcast v60, $0xF;
	v43 =	vsub.s32 $0x5F3759DF, v59;
	v45 =	vsub.f32 $1.500000000e+00, v45  }
0x378: {  	[tilespmem:s13+$0xC0] =	vst v14;
	v55, _, _ =	vpop (xrf2);
	v49 =	vmul.f32 $5.000000000e-01, v39;
	v62 =	vshra.s32 v39, $0x1;
	v63 =	vmul.f32 v31, v3  }
0x379: {  	[tilespmem:s14+$0x0] =	vst v2;
	v56 =	vbroadcast v55, $0xF;
	v2 =	vsub.s32 $0x5F3759DF, v62;
	v19 =	vmul.f32 v19, v45  }
0x37a: {  	[tilespmem:s13+$0xD0] =	vst v10;
	v54 =	vshra.s32 v44, $0x1;
	v44 =	vmul.f32 $5.000000000e-01, v44;
	v57 =	vmul.f32 v43, v18  }
0x37b: {  	[tilespmem:s14+$0xFFFFFFF0] =	vst v4;
	v4 =	vsub.s32 $0x5F3759DF, v54;
	v59 =	vmul.f32 v2, v49;
	v16 =	vmul.f32 v19, v16  }
0x37c: {  	[tilespmem:s14+$0x40] =	vst v1;
	v60 =	vshra.s32 v56, $0x1;
	v39 =	vmul.f32 v31, v63;
	v1 =	vmul.f32 $5.000000000e-01, v56  }
0x37d: {  	[tilespmem:s13+$0xE0] =	vst v13;
	v61 =	vmul.f32 v4, v44;
	v8 =	vsub.s32 $0x5F3759DF, v60;
	v16 =	vmul.f32 v16, v19  }
0x37e: {  	[tilespmem:s14+$0x10] =	vst v5;
	v50 =	vmul.f32 v43, v57;
	v58, _, _ =	vpop (xrf2);
	v39 =	vsub.f32 $1.500000000e+00, v39;
	v63 =	vmul.f32 v8, v1  }
0x37f: {  	[tilespmem:s14+$0x50] =	vst v9;
	v7 =	vmul.f32 v2, v59;
	v51 =	vbroadcast v58, $0xF;
	v54 =	vsub.f32 $1.500000000e+00, v16  }
0x380: {  	[tilespmem:s14+$0x60] =	vst v6;
	v53 =	vsub.f32 $1.500000000e+00, v50;
	v5 =	vmul.f32 v4, v61;
	v55 =	vmul.f32 v8, v63  }
0x381: {  	[tilespmem:s14+$0x90] =	vst v15;
	v7 =	vsub.f32 $1.500000000e+00, v7;
	v9 =	vmul.f32 $5.000000000e-01, v51;
	v15 =	vmul.f32 v54, v19  }
0x382: {  	[tilespmem:s14+$0x80] =	vst v12;
	v62 =	vshra.s32 v51, $0x1;
	v51 =	vmul.f32 v31, v39;
	v56 =	vmul.f32 v43, v53  }
0x383: {  	[tilespmem:s14+$0xA0] =	vst v0;
	v2 =	vmul.f32 v2, v7;
	v58 =	vmul.f32 v15, v27  }
0x384: {  	[tilespmem:s14+$0xB0] =	vst v17;
	v3 =	vmul.f32 v51, v3;
	v60 =	vmul.f32 v15, v20  }
0x385: {  	v57 =	vmul.f32 v56, v18;
	v61 =	vmul.f32 v15, v26;
	[tilespmem:s13+$0xFFFFFF00] =	vst v58  }
0x386: {  	v3 =	vmul.f32 v3, v51;
	v63 =	vmul.f32 v15, v30;
	[tilespmem:s13+$0xFFFFFF10] =	vst v60  }
0x387: {  	v6 =	vsub.s32 $0x5F3759DF, v62;
	[tilespmem:s13+$0xFFFFFF20] =	vst v61  }
0x388: {  	v62 =	vmul.f32 v2, v49;
	v59 =	vmul.f32 v57, v56;
	v3 =	vsub.f32 $1.500000000e+00, v3;
	v7 =	vld [tilespmem:$0x1FB60];
	[tilespmem:s13+$0xFFFFFF30] =	vst v63  }
0x389: {  	v5 =	vsub.f32 $1.500000000e+00, v5;
	v0 =	vsub.f32 $1.500000000e+00, v55;
	v52 =	vmul.f32 v6, v9;
	v19 =	vld [tilespmem:$0x1FB70]  }
0x38a: {  	v18 =	vmul.f32 v62, v2;
	v17 =	vsub.f32 $1.500000000e+00, v59;
	v3 =	vmul.f32 v3, v51  }
0x38b: {  	v4 =	vmul.f32 v4, v5;
	v0 =	vmul.f32 v8, v0  }
0x38c: {  	v5 =	vmul.f32 v17, v56;
	v26 =	vsub.f32 $1.500000000e+00, v18;
	v20 =	vmul.f32 v3, v25  }
0x38d: {  	v25 =	vmul.f32 v4, v44;
	v7 =	vmul.f32 v3, v7  }
0x38e: {  	v2 =	vmul.f32 v26, v2;
	[tilespmem:s13+$0xFFFFFF60] =	vst v20;
	v11 =	vmul.f32 v3, v19  }
0x38f: {  	v27 =	vmul.f32 v25, v4;
	v3 =	vmul.f32 v3, v29;
	[tilespmem:s13+$0xFFFFFF40] =	vst v7  }
0x390: {  	v1 =	vmul.f32 v0, v1;
	v30 =	vmul.f32 v5, v24;
	[tilespmem:s13+$0xFFFFFF50] =	vst v11  }
0x391: {  	v12 =	vmul.f32 v6, v52;
	v43 =	vmul.f32 v2, v22;
	v39 =	vsub.f32 $1.500000000e+00, v27;
	v7 =	vld [tilespmem:$0x1FB80];
	[tilespmem:s13+$0xFFFFFF70] =	vst v3  }
0x392: {  	v1 =	vmul.f32 v1, v0;
	v44 =	vmul.f32 v2, v21;
	v3 =	vld [tilespmem:$0x1FB90];
	[tilespmem:s13+$0xFFFFFFA0] =	vst v30  }
0x393: {  	v45 =	vmul.f32 v2, v23;
	v4 =	vmul.f32 v39, v4;
	[tilespmem:s13+$0xFFFFFFC0] =	vst v43  }
0x394: {  	v2 =	vmul.f32 v2, v38;
	v29 =	vsub.f32 $1.500000000e+00, v12;
	[tilespmem:s13+$0xFFFFFFD0] =	vst v44  }
0x395: {  	v1 =	vsub.f32 $1.500000000e+00, v1;
	v50 =	vmul.f32 v4, v33;
	[tilespmem:s13+$0xFFFFFFE0] =	vst v45  }
0x396: {  	v52 =	vmul.f32 v4, v32;
	v31 =	vmul.f32 v6, v29;
	[tilespmem:s13+$0xFFFFFFF0] =	vst v2  }
0x397: {  	v0 =	vmul.f32 v1, v0;
	v53 =	vmul.f32 v4, v42;
	[tilespmem:s13+$0x0] =	vst v50  }
0x398: {  	v54 =	vmul.f32 v4, v48;
	v49 =	vmul.f32 v31, v9;
	[tilespmem:s13+$0x10] =	vst v52  }
0x399: {  	v56 =	vmul.f32 v0, v34;
	[tilespmem:s13+$0x20] =	vst v53  }
0x39a: {  	v57 =	vmul.f32 v0, v35;
	[tilespmem:s13+$0x30] =	vst v54;
	v51 =	vmul.f32 v49, v31  }
0x39b: {  	v59 =	vmul.f32 v0, v41;
	[tilespmem:s13+$0x40] =	vst v56  }
0x39c: {  	v0 =	vmul.f32 v0, v47;
	[tilespmem:s13+$0x50] =	vst v57;
	v55 =	vsub.f32 $1.500000000e+00, v51  }
0x39d: {  	[tilespmem:s13+$0x60] =	vst v59;
	v7 =	vmul.f32 v5, v7  }
0x39e: {  	[tilespmem:s13+$0x70] =	vst v0;
	v3 =	vmul.f32 v5, v3;
	v58 =	vmul.f32 v55, v31  }
0x39f: {  	v5 =	vmul.f32 v5, v28;
	[tilespmem:s13+$0xFFFFFF80] =	vst v7  }
0x3a0: {  	s18 =	sadd.s32 $0x1, s18;
	[tilespmem:s13+$0xFFFFFF90] =	vst v3;
	v60 =	vmul.f32 v58, v36  }
0x3a1: {  	p0 =	sne.s32 s18, $0x4;
	[tilespmem:s13+$0xFFFFFFB0] =	vst v5;
	v61 =	vmul.f32 v58, v37  }
.Ltmp2:
0x3a2: {  	v62 =	vmul.f32 v58, v40;
	[tilespmem:s13+$0x80] =	vst v60;
	(pc) =	sbr.rel @p0 .LBB2_2-.Ltmp2, $4  }
0x3a3: {  	v63 =	vmul.f32 v58, v46;
	[tilespmem:s13+$0x90] =	vst v61  }
0x3a4: {  	[tilespmem:s13+$0xA0] =	vst v62  }
0x3a5: {  	s9 =	sadd.s32 s8, s9;
	[tilespmem:s13+$0xB0] =	vst v63  }
0x3a6: {  	[hbm4b:s9+s5] =	stream.linear.scatter [tilespmem:s2], [sflag:$0x6], $0x1E00, $0x38;
	[tilespmem:$0xF1E0] =	vst v63  }
0x3a7: {  	s9 =	simm.s32 $0x5  }
0x3a8: {  	_ =	swait.ge [sflag:s9], $0x1E00  }
0x3a9: {  	[sflag:s9] =	ssyncset.done $0x0  }
0x3aa: {  	[sflag:s9] =	ssyncadd.s32 $0xFFFFE200  }
0x3ab: {  	_ =	swait.ge [sflag:s23], $0x1E00  }
0x3ac: {  	s10 =	rddreg [dreg:$0xb]  }
0x3ad: {  	s24 =	rddreg [dreg:$0xa];
	s10 =	sadd.s32 $0x1, s10  }
0x3ae: {  	p0 =	sne.s32 s10, s24  }
.Ltmp3:
0x3af: {  	_ = 	snop;
	(pc) =	sbr.rel @p0 .LBB2_1-.Ltmp3, $3  }
0x3b0: {  	_ =	sdelay $0x1  }
0x3b1: {  	[sflag:s23] =	ssyncset.done $0x0  }
0x3b2: {  	[sflag:s23] =	ssyncadd.s32 $0xFFFFE200  }
0x3b3: {  	_ =	sfence.sel $0x180000  }
0x3b4: {  	[bflag:$0x0] =	sbarrier.arrive $0xFFFF  }
0x3b5: {  	_ =	strace $0x90000047  }
0x3b6: {  	s0 =	stileid.u32;
	[bflag:$0x2] =	sbarrier.arrive $0xFFFF  }
0x3b7: {  	p0 =	sne.s32 s0, $0x0;
	s0 =	rddreg [dreg:$0x4]  }
0x3b8: {  	s0 =	sadd.s32 @!p0 $0x100000, s0  }
0x3b9: {  	[sflag:s0] =	ssyncadd.tile.s32 @!p0 $0x1;
	_ =	shalt  }
.Lfunc_end2:
_tile_overlayer_lowered:
.L_overlay_start_2:
0x3ba: {  	(tag) =	ssettag $0x2  }
0x3bb: {  	s0 =	rddreg [dreg:$0x0];
	s2 =	stileid.u32  }
0x3bc: {  	s1 =	rddreg [dreg:$0x1];
	p0 =	sne.s32 s2, $0x0  }
0x3bd: {  	s3 =	rddreg [dreg:$0x2];
	[bflag:$0x3] =	sbarrier.arrive $0xFFFF;
	s2 =	simm.s32 @!p0 $0x1C07  }
0x3be: {  	[timem:s3], [sflag:s2] =	dma.local @!p0 [hbm:s0], s1  }
0x3bf: {  	s0 =	simm.s32 @!p0 $0x7  }
0x3c0: {  	_ =	swait.ge @!p0 [sflag:s0], s1  }
0x3c1: {  	s1 =	ssub.s32 @!p0 $0x0, s1;
	[sflag:s0] =	ssyncset.done @!p0 $0x0  }
0x3c2: {  	[sflag:s0] =	ssyncadd.s32 @!p0 s1  }
0x3c3: {  	[bflag:$0x3] =	sbarrier.arrive $0xFFFF  }
0x3c4: {  	_ =	shalt  }

</sc_bundles>
